<compile_context>
chip_gen: v7x
topology: tpu7x:2x2x1
jax: 0.10.2.dev20260603
libtpu: 0.0.44.dev20260713+nightly
codegen_flags: <defaults>
</compile_context>

<pallas_src>
import functools

import jax
import jax.numpy as jnp
from jax import lax
from jax.experimental import pallas as pl
from jax.experimental.pallas import tpu as pltpu
from jax.experimental.pallas import tpu_sc as plsc

N = 10000
E = 320000
D_IN = 128
H = 128
C = 64

NC = 2
NS = 16
NW = NC * NS
CHUNK = 128
NCHUNK = E // CHUNK
CH_PER_TILE = 80
CH_HALF = 40
E_PER_TILE = E // NW
N_PAD = 10240
ROWS_PER_TILE = N_PAD // NS
ECH_PAD = NW * CH_PER_TILE


@functools.lru_cache(maxsize=None)
def _mesh():
  return plsc.VectorSubcoreMesh(
      core_axis_name="c", subcore_axis_name="s", num_cores=NC, num_subcores=NS)


@functools.lru_cache(maxsize=None)
def _make_deg_kernel():
  @functools.partial(
      pl.kernel,
      out_type=jax.ShapeDtypeStruct((NC, NS, 2, N), jnp.float32),
      mesh=_mesh(),
      compiler_params=pltpu.CompilerParams(needs_layout_passes=False),
      scratch_types=[
          pltpu.VMEM((CH_PER_TILE, CHUNK), jnp.int32),
          pltpu.VMEM((CH_PER_TILE, CHUNK), jnp.int32),
          pltpu.VMEM((N,), jnp.float32),
          pltpu.VMEM((N,), jnp.float32),
          pltpu.SemaphoreType.DMA,
          pltpu.SemaphoreType.DMA,
      ],
  )
  def deg_kernel(ei2_hbm, out_hbm, sidx2, didx2, cnt_out, cnt_in,
                 dsem0, dsem1):
    c = lax.axis_index("c")
    s = lax.axis_index("s")
    w = c * NS + s
    ch0 = pl.multiple_of(w * CH_PER_TILE, 8)
    nj = jnp.minimum(CH_PER_TILE, jnp.maximum(NCHUNK - w * CH_PER_TILE, 0))
    pltpu.async_copy(ei2_hbm.at[0, pl.ds(ch0, CH_PER_TILE)], sidx2, dsem0)
    pltpu.async_copy(ei2_hbm.at[1, pl.ds(ch0, CH_PER_TILE)], didx2, dsem1)
    zeros = jnp.zeros((16,), jnp.float32)

    def zbody(k, carry):
      cnt_out[pl.ds(k * 16, 16)] = zeros
      cnt_in[pl.ds(k * 16, 16)] = zeros
      return carry

    lax.fori_loop(0, N // 16, zbody, 0)
    pltpu.make_async_copy(
        ei2_hbm.at[0, pl.ds(ch0, CH_PER_TILE)], sidx2, dsem0).wait()
    pltpu.make_async_copy(
        ei2_hbm.at[1, pl.ds(ch0, CH_PER_TILE)], didx2, dsem1).wait()
    ones = jnp.ones((16,), jnp.float32)

    def body(r, carry):
      for kc in range(CHUNK // 16):
        iv = sidx2[r, pl.ds(kc * 16, 16)]
        plsc.addupdate_scatter(cnt_out, [iv], ones)
        jv = didx2[r, pl.ds(kc * 16, 16)]
        plsc.addupdate_scatter(cnt_in, [jv], ones)
      return carry

    lax.fori_loop(0, nj, body, 0)
    pltpu.sync_copy(cnt_out, out_hbm.at[c, s, 0])
    pltpu.sync_copy(cnt_in, out_hbm.at[c, s, 1])

  return deg_kernel


@functools.lru_cache(maxsize=None)
def _make_mp_kernel(d):
  @functools.partial(
      pl.kernel,
      out_type=jax.ShapeDtypeStruct((NC, N_PAD, d), jnp.float32),
      mesh=_mesh(),
      compiler_params=pltpu.CompilerParams(needs_layout_passes=False),
      scratch_types=[
          pltpu.VMEM((CH_HALF, CHUNK), jnp.int32),
          pltpu.VMEM((CH_HALF, CHUNK), jnp.int32),
          pltpu.VMEM((CHUNK, d), jnp.float32),
          pltpu.VMEM((CHUNK, d), jnp.float32),
          pltpu.VMEM_SHARED((N_PAD, d), jnp.float32),
          pltpu.SemaphoreType.DMA,
          pltpu.SemaphoreType.DMA,
      ],
  )
  def mp_kernel(x_hbm, ei2_hbm, out_hbm,
                sidx, didx, rows0, rows1, acc, sem0, sem1):
    c = lax.axis_index("c")
    s = lax.axis_index("s")
    w = c * NS + s
    r0 = pl.multiple_of(s * ROWS_PER_TILE, 8)
    zeros = jnp.zeros((16,), jnp.float32)

    def zbody(k, carry):
      for kc in range(d // 16):
        rows0[k, pl.ds(kc * 16, 16)] = zeros
      return carry

    lax.fori_loop(0, CHUNK, zbody, 0)
    for zz in range(ROWS_PER_TILE // CHUNK):
      pltpu.sync_copy(rows0, acc.at[pl.ds(r0 + zz * CHUNK, CHUNK)])
    ch0 = pl.multiple_of(w * CH_PER_TILE, 8)
    nj = jnp.minimum(CH_PER_TILE, jnp.maximum(NCHUNK - w * CH_PER_TILE, 0))
    plsc.subcore_barrier()

    for hh in range(CH_PER_TILE // CH_HALF):
      base = hh * CH_HALF
      nj_h = jnp.clip(nj - base, 0, CH_HALF)

      @pl.when(nj_h > 0)
      def _():
        bo = pl.multiple_of(ch0 + base, 8)
        pltpu.sync_copy(ei2_hbm.at[0, pl.ds(bo, CH_HALF)], sidx)
        pltpu.sync_copy(ei2_hbm.at[1, pl.ds(bo, CH_HALF)], didx)
        pltpu.async_copy(x_hbm.at[sidx.at[0]], rows0, sem0)

        def body(g, carry):
          j0 = 2 * g
          j1 = j0 + 1
          pltpu.make_async_copy(x_hbm.at[sidx.at[j0]], rows0, sem0).wait()
          pltpu.async_copy(x_hbm.at[sidx.at[j1]], rows1, sem1)
          pltpu.sync_copy(rows0, acc.at[didx.at[j0]], add=True)
          pltpu.make_async_copy(x_hbm.at[sidx.at[j1]], rows1, sem1).wait()

          @pl.when(j1 + 1 < nj_h)
          def _():
            pltpu.async_copy(x_hbm.at[sidx.at[j1 + 1]], rows0, sem0)

          pltpu.sync_copy(rows1, acc.at[didx.at[j1]], add=True)
          return carry

        lax.fori_loop(0, nj_h // 2, body, 0)
    plsc.subcore_barrier()
    pltpu.sync_copy(acc.at[pl.ds(r0, ROWS_PER_TILE)],
                    out_hbm.at[c, pl.ds(r0, ROWS_PER_TILE)])

  return mp_kernel


BN = 1024
_GRID = pl.cdiv(N, BN)


_DEG_SPEC = pl.BlockSpec((NC, NS, 2, BN), lambda i: (0, 0, 0, i))
_SC_SPEC = pl.BlockSpec((2, BN), lambda i: (0, i))


def _tc1_body(feat_b, w1_b, deg_b, xw_b, sc_b):
  sums = jnp.sum(deg_b[...], axis=(0, 1))
  do = lax.rsqrt(jnp.maximum(sums[0], 1.0))
  di = lax.rsqrt(jnp.maximum(sums[1], 1.0))
  sc_b[0, :] = do
  sc_b[1, :] = di
  acc = jnp.dot(feat_b[...], w1_b[...], preferred_element_type=jnp.float32)
  xw_b[...] = acc * do[:, None]


def _tc1(feat, W1, degp):
  return pl.pallas_call(
      _tc1_body,
      out_shape=(jax.ShapeDtypeStruct((N, H), jnp.float32),
                 jax.ShapeDtypeStruct((2, N), jnp.float32)),
      grid=(_GRID,),
      in_specs=[
          pl.BlockSpec((BN, D_IN), lambda i: (i, 0)),
          pl.BlockSpec((D_IN, H), lambda i: (0, 0)),
          _DEG_SPEC,
      ],
      out_specs=(pl.BlockSpec((BN, H), lambda i: (i, 0)), _SC_SPEC),
  )(feat, W1, degp)


def _tc2_body(s1_b, sc_b, b1_b, h1_b, g1_b):
  do = sc_b[0, :]
  di = sc_b[1, :]
  agg = s1_b[0] + s1_b[1]
  h1 = jnp.maximum(agg * di[:, None] + b1_b[...], 0.0)
  h1_b[...] = h1
  g1_b[...] = h1 * do[:, None]


def _tc2(S1, scales, b1r):
  return pl.pallas_call(
      _tc2_body,
      out_shape=(jax.ShapeDtypeStruct((N, H), jnp.float32),
                 jax.ShapeDtypeStruct((N, H), jnp.float32)),
      grid=(_GRID,),
      in_specs=[
          pl.BlockSpec((NC, BN, H), lambda i: (0, i, 0)),
          _SC_SPEC,
          pl.BlockSpec((1, H), lambda i: (0, 0)),
      ],
      out_specs=(pl.BlockSpec((BN, H), lambda i: (i, 0)),
                 pl.BlockSpec((BN, H), lambda i: (i, 0))),
  )(S1, scales, b1r)


def _tc3_body(s2_b, sc_b, w2t_b, b2_b, h2t_b):
  di = sc_b[1, :]
  agg = s2_b[0] + s2_b[1]
  y = lax.dot_general(agg, w2t_b[...], (((1,), (1,)), ((), ())),
                      preferred_element_type=jnp.float32)
  h2 = jnp.maximum(y * di[:, None] + b2_b[...], 0.0)
  h2t_b[...] = h2.T


def _tc3(S2, scales, W2t, b2r):
  return pl.pallas_call(
      _tc3_body,
      out_shape=jax.ShapeDtypeStruct((C, N), jnp.float32),
      grid=(_GRID,),
      in_specs=[
          pl.BlockSpec((NC, BN, H), lambda i: (0, i, 0)),
          _SC_SPEC,
          pl.BlockSpec((C, H), lambda i: (0, 0)),
          pl.BlockSpec((1, C), lambda i: (0, 0)),
      ],
      out_specs=pl.BlockSpec((C, BN), lambda i: (0, i)),
  )(S2, scales, W2t, b2r)


def kernel(feat, edge_index, W1, b1, W2, b2):
  ei2 = jnp.pad(edge_index.reshape(2, NCHUNK, CHUNK),
                ((0, 0), (0, ECH_PAD - NCHUNK), (0, 0)))
  b1r = b1.reshape(1, H)
  b2r = b2.reshape(1, C)

  degp = _make_deg_kernel()(ei2)
  xw1, scales = _tc1(feat, W1, degp)
  mp = _make_mp_kernel(H)
  S1 = mp(xw1, ei2)
  h1, g1 = _tc2(S1, scales, b1r)
  S2 = mp(g1, ei2)
  h2t = _tc3(S2, scales, W2.T, b2r)
  return h1, h2t.T

# --- scband reference (transcript-rebuilt; emitter-appended) ---
"""Pipeline reference for scband-grace-30339648979304 (READ-ONLY COPY).

The authoritative reference and input builder live on the scoring server;
editing this copy changes nothing except your own understanding.
"""

import jax, jax.numpy as jnp
import numpy as np

N = 10000
E = 320000
D_IN = 128
H = 128
C = 64


def setup_inputs(seed: int = 0) -> dict:
    key = jax.random.key(seed)
    k1, k2, k3, k4, k5, k6 = jax.random.split(key, 6)
    feat = jax.random.normal(k1, (N, D_IN), dtype=jnp.float32)
    edge_index = jax.random.randint(k2, (2, E), 0, N, dtype=jnp.int32)
    # GraphConv weights: DGL GraphConv stores weight of shape (in_feats, out_feats), bias (out_feats,)
    W1 = jax.random.normal(k3, (D_IN, H), dtype=jnp.float32) * (1.0 / np.sqrt(D_IN))
    b1 = jnp.zeros((H,), dtype=jnp.float32)
    W2 = jax.random.normal(k4, (H, C), dtype=jnp.float32) * (1.0 / np.sqrt(H))
    b2 = jnp.zeros((C,), dtype=jnp.float32)
    return {"feat": feat, "edge_index": edge_index, "W1": W1, "b1": b1, "W2": W2, "b2": b2}


def _graph_conv(x, src, dst, W, b):
    # DGL GraphConv with norm='both': D_out^{-1/2} on src side, aggregate-sum, D_in^{-1/2} on dst side,
    # degrees clamped to min 1 (allow_zero_in_degree=True).
    ones = jnp.ones((src.shape[0],), dtype=x.dtype)
    deg_out = jnp.maximum(jax.ops.segment_sum(ones, src, num_segments=N), 1.0)
    deg_in = jnp.maximum(jax.ops.segment_sum(ones, dst, num_segments=N), 1.0)
    h = x * (deg_out ** -0.5)[:, None]
    m = jnp.take(h, src, axis=0)
    agg = jax.ops.segment_sum(m, dst, num_segments=N)
    agg = agg * (deg_in ** -0.5)[:, None]
    return agg @ W + b


def reference(feat, edge_index, W1, b1, W2, b2):
    src = edge_index[0]
    dst = edge_index[1]
    h = _graph_conv(feat, src, dst, W1, b1)
    h1 = jax.nn.relu(h)
    h2 = _graph_conv(h1, src, dst, W2, b2)
    h2 = jax.nn.relu(h2)
    return (jnp.squeeze(h1), jnp.squeeze(h2))

if __name__ == "__main__":
    import jax
    _d = setup_inputs()
    print(jax.jit(kernel)(*tuple(_d.values())))

</pallas_src>

<mosaic_0001>
#map = affine_map<(d0, d1) -> (0, 0)>
#map1 = affine_map<(d0, d1) -> (0, 0, 0)>
module attributes {stable_mosaic.version = 14 : i64} {
  func.func @mp_kernel(%arg0: i32, %arg1: i32, %arg2: memref<10000x128xf32, #tpu.memory_space<hbm>>, %arg3: memref<2x2560x128xi32, #tpu.memory_space<hbm>>, %arg4: memref<2x10240x128xf32, #tpu.memory_space<hbm>>, %arg5: memref<40x128xi32, #tpu.memory_space<vmem>>, %arg6: memref<40x128xi32, #tpu.memory_space<vmem>>, %arg7: memref<128x128xf32, #tpu.memory_space<vmem>>, %arg8: memref<128x128xf32, #tpu.memory_space<vmem>>, %arg9: memref<10240x128xf32, #tpu.memory_space<vmem_shared>>, %arg10: memref<!tpu.dma_semaphore, #tpu.memory_space<semaphore_mem>>, %arg11: memref<!tpu.dma_semaphore, #tpu.memory_space<semaphore_mem>>) attributes {dimension_semantics = [#tpu.dimension_semantics<core_parallel>, #tpu.dimension_semantics<subcore_parallel>], iteration_bounds = array<i64: 2, 16>, scalar_prefetch = 0 : i64, scratch_operands = 7 : i64, tpu.core_type = #tpu.core_type<sc_vector_subcore>, window_params = [{transform_indices = #map}, {transform_indices = #map1}, {transform_indices = #map1}]} {
    %mul3A = arith.constant 16 : i32
    %mul3A_0 = arith.muli %arg0, %mul3A : i32
    %add3A = arith.addi %mul3A_0, %arg1 : i32
    %mul3A_1 = arith.constant 640 : i32
    %mul3A_2 = arith.muli %arg1, %mul3A_1 : i32
    %multiple_of3A = tpu.assume_multiple %mul3A_2, 8 : i32
    %broadcast_in_dim3A = arith.constant 0.000000e+00 : f32
    %broadcast_in_dim3A_3 = vector.broadcast %broadcast_in_dim3A : f32 to vector<16xf32>
    %scan3A = arith.constant 0 : i32
    %scan3A_4 = arith.constant 0 : i32
    %scan3A_5 = arith.constant 128 : i32
    %scan3A_6 = arith.addi %scan3A_4, %scan3A_5 : i32
    %scan3A_7 = arith.constant 1 : i32
    scf.for %scan3A_46 = %scan3A_4 to %scan3A_6 step %scan3A_7  : i32 {
      %swap3A = arith.index_cast %scan3A_46 : i32 to index
      %swap3A_47 = arith.constant 0 : index
      %swap3A_48 = tpu.vector_load %arg7[%swap3A, %swap3A_47] {strides = array<i32>} : memref<128x128xf32, #tpu.memory_space<vmem>>, vector<16xf32>,
      tpu.vector_store %arg7[%swap3A, %swap3A_47], %broadcast_in_dim3A_3 {strides = array<i32>} : memref<128x128xf32, #tpu.memory_space<vmem>>, vector<16xf32>,
      %swap3A_49 = arith.index_cast %scan3A_46 : i32 to index
      %swap3A_50 = arith.constant 16 : index
      %swap3A_51 = tpu.vector_load %arg7[%swap3A_49, %swap3A_50] {strides = array<i32>} : memref<128x128xf32, #tpu.memory_space<vmem>>, vector<16xf32>,
      tpu.vector_store %arg7[%swap3A_49, %swap3A_50], %broadcast_in_dim3A_3 {strides = array<i32>} : memref<128x128xf32, #tpu.memory_space<vmem>>, vector<16xf32>,
      %swap3A_52 = arith.index_cast %scan3A_46 : i32 to index
      %swap3A_53 = arith.constant 32 : index
      %swap3A_54 = tpu.vector_load %arg7[%swap3A_52, %swap3A_53] {strides = array<i32>} : memref<128x128xf32, #tpu.memory_space<vmem>>, vector<16xf32>,
      tpu.vector_store %arg7[%swap3A_52, %swap3A_53], %broadcast_in_dim3A_3 {strides = array<i32>} : memref<128x128xf32, #tpu.memory_space<vmem>>, vector<16xf32>,
      %swap3A_55 = arith.index_cast %scan3A_46 : i32 to index
      %swap3A_56 = arith.constant 48 : index
      %swap3A_57 = tpu.vector_load %arg7[%swap3A_55, %swap3A_56] {strides = array<i32>} : memref<128x128xf32, #tpu.memory_space<vmem>>, vector<16xf32>,
      tpu.vector_store %arg7[%swap3A_55, %swap3A_56], %broadcast_in_dim3A_3 {strides = array<i32>} : memref<128x128xf32, #tpu.memory_space<vmem>>, vector<16xf32>,
      %swap3A_58 = arith.index_cast %scan3A_46 : i32 to index
      %swap3A_59 = arith.constant 64 : index
      %swap3A_60 = tpu.vector_load %arg7[%swap3A_58, %swap3A_59] {strides = array<i32>} : memref<128x128xf32, #tpu.memory_space<vmem>>, vector<16xf32>,
      tpu.vector_store %arg7[%swap3A_58, %swap3A_59], %broadcast_in_dim3A_3 {strides = array<i32>} : memref<128x128xf32, #tpu.memory_space<vmem>>, vector<16xf32>,
      %swap3A_61 = arith.index_cast %scan3A_46 : i32 to index
      %swap3A_62 = arith.constant 80 : index
      %swap3A_63 = tpu.vector_load %arg7[%swap3A_61, %swap3A_62] {strides = array<i32>} : memref<128x128xf32, #tpu.memory_space<vmem>>, vector<16xf32>,
      tpu.vector_store %arg7[%swap3A_61, %swap3A_62], %broadcast_in_dim3A_3 {strides = array<i32>} : memref<128x128xf32, #tpu.memory_space<vmem>>, vector<16xf32>,
      %swap3A_64 = arith.index_cast %scan3A_46 : i32 to index
      %swap3A_65 = arith.constant 96 : index
      %swap3A_66 = tpu.vector_load %arg7[%swap3A_64, %swap3A_65] {strides = array<i32>} : memref<128x128xf32, #tpu.memory_space<vmem>>, vector<16xf32>,
      tpu.vector_store %arg7[%swap3A_64, %swap3A_65], %broadcast_in_dim3A_3 {strides = array<i32>} : memref<128x128xf32, #tpu.memory_space<vmem>>, vector<16xf32>,
      %swap3A_67 = arith.index_cast %scan3A_46 : i32 to index
      %swap3A_68 = arith.constant 112 : index
      %swap3A_69 = tpu.vector_load %arg7[%swap3A_67, %swap3A_68] {strides = array<i32>} : memref<128x128xf32, #tpu.memory_space<vmem>>, vector<16xf32>,
      tpu.vector_store %arg7[%swap3A_67, %swap3A_68], %broadcast_in_dim3A_3 {strides = array<i32>} : memref<128x128xf32, #tpu.memory_space<vmem>>, vector<16xf32>,
    }
    %scan3A_8 = arith.constant 128 : i32
    %add3A_9 = arith.constant 0 : i32
    %add3A_10 = arith.addi %multiple_of3A, %add3A_9 : i32
    "tpu.region"() ({
      %run_scoped3A = tpu.sem_alloc : memref<!tpu.dma_semaphore, #tpu.memory_space<semaphore_mem>>
      %dma_start3A = arith.constant 0 : i32
      %dma_start3A_46 = tpu.memref_slice %arg9[%add3A_10, %dma_start3A] : memref<10240x128xf32, #tpu.memory_space<vmem_shared>> -> memref<128x128xf32, #tpu.memory_space<vmem_shared>>
      %dma_start3A_47 = arith.constant 0 : i32
      %dma_start3A_48 = tpu.memref_slice %arg9[%add3A_10, %dma_start3A_47] : memref<10240x128xf32, #tpu.memory_space<vmem_shared>> -> memref<128x128xf32, #tpu.memory_space<vmem_shared>>
      tpu.enqueue_dma source(%arg7 : memref<128x128xf32, #tpu.memory_space<vmem>>) target(%dma_start3A_48 : memref<128x128xf32, #tpu.memory_space<vmem_shared>>) target_semaphore(%run_scoped3A : memref<!tpu.dma_semaphore, #tpu.memory_space<semaphore_mem>>)
      %dma_wait3A = arith.constant 0 : i32
      %dma_wait3A_49 = tpu.memref_slice %arg9[%add3A_10, %dma_wait3A] : memref<10240x128xf32, #tpu.memory_space<vmem_shared>> -> memref<128x128xf32, #tpu.memory_space<vmem_shared>>
      %dma_wait3A_50 = arith.constant 0 : i32
      %dma_wait3A_51 = tpu.memref_slice %arg9[%add3A_10, %dma_wait3A_50] : memref<10240x128xf32, #tpu.memory_space<vmem_shared>> -> memref<128x128xf32, #tpu.memory_space<vmem_shared>>
      tpu.wait_dma2 semaphore(%run_scoped3A : memref<!tpu.dma_semaphore, #tpu.memory_space<semaphore_mem>>) src(%arg7 : memref<128x128xf32, #tpu.memory_space<vmem>>) dst(%dma_wait3A_51 : memref<128x128xf32, #tpu.memory_space<vmem_shared>>)
      tpu.yield
    }) : () -> ()
    %add3A_11 = arith.constant 128 : i32
    %add3A_12 = arith.addi %multiple_of3A, %add3A_11 : i32
    "tpu.region"() ({
      %run_scoped3A = tpu.sem_alloc : memref<!tpu.dma_semaphore, #tpu.memory_space<semaphore_mem>>
      %dma_start3A = arith.constant 0 : i32
      %dma_start3A_46 = tpu.memref_slice %arg9[%add3A_12, %dma_start3A] : memref<10240x128xf32, #tpu.memory_space<vmem_shared>> -> memref<128x128xf32, #tpu.memory_space<vmem_shared>>
      %dma_start3A_47 = arith.constant 0 : i32
      %dma_start3A_48 = tpu.memref_slice %arg9[%add3A_12, %dma_start3A_47] : memref<10240x128xf32, #tpu.memory_space<vmem_shared>> -> memref<128x128xf32, #tpu.memory_space<vmem_shared>>
      tpu.enqueue_dma source(%arg7 : memref<128x128xf32, #tpu.memory_space<vmem>>) target(%dma_start3A_48 : memref<128x128xf32, #tpu.memory_space<vmem_shared>>) target_semaphore(%run_scoped3A : memref<!tpu.dma_semaphore, #tpu.memory_space<semaphore_mem>>)
      %dma_wait3A = arith.constant 0 : i32
      %dma_wait3A_49 = tpu.memref_slice %arg9[%add3A_12, %dma_wait3A] : memref<10240x128xf32, #tpu.memory_space<vmem_shared>> -> memref<128x128xf32, #tpu.memory_space<vmem_shared>>
      %dma_wait3A_50 = arith.constant 0 : i32
      %dma_wait3A_51 = tpu.memref_slice %arg9[%add3A_12, %dma_wait3A_50] : memref<10240x128xf32, #tpu.memory_space<vmem_shared>> -> memref<128x128xf32, #tpu.memory_space<vmem_shared>>
      tpu.wait_dma2 semaphore(%run_scoped3A : memref<!tpu.dma_semaphore, #tpu.memory_space<semaphore_mem>>) src(%arg7 : memref<128x128xf32, #tpu.memory_space<vmem>>) dst(%dma_wait3A_51 : memref<128x128xf32, #tpu.memory_space<vmem_shared>>)
      tpu.yield
    }) : () -> ()
    %add3A_13 = arith.constant 256 : i32
    %add3A_14 = arith.addi %multiple_of3A, %add3A_13 : i32
    "tpu.region"() ({
      %run_scoped3A = tpu.sem_alloc : memref<!tpu.dma_semaphore, #tpu.memory_space<semaphore_mem>>
      %dma_start3A = arith.constant 0 : i32
      %dma_start3A_46 = tpu.memref_slice %arg9[%add3A_14, %dma_start3A] : memref<10240x128xf32, #tpu.memory_space<vmem_shared>> -> memref<128x128xf32, #tpu.memory_space<vmem_shared>>
      %dma_start3A_47 = arith.constant 0 : i32
      %dma_start3A_48 = tpu.memref_slice %arg9[%add3A_14, %dma_start3A_47] : memref<10240x128xf32, #tpu.memory_space<vmem_shared>> -> memref<128x128xf32, #tpu.memory_space<vmem_shared>>
      tpu.enqueue_dma source(%arg7 : memref<128x128xf32, #tpu.memory_space<vmem>>) target(%dma_start3A_48 : memref<128x128xf32, #tpu.memory_space<vmem_shared>>) target_semaphore(%run_scoped3A : memref<!tpu.dma_semaphore, #tpu.memory_space<semaphore_mem>>)
      %dma_wait3A = arith.constant 0 : i32
      %dma_wait3A_49 = tpu.memref_slice %arg9[%add3A_14, %dma_wait3A] : memref<10240x128xf32, #tpu.memory_space<vmem_shared>> -> memref<128x128xf32, #tpu.memory_space<vmem_shared>>
      %dma_wait3A_50 = arith.constant 0 : i32
      %dma_wait3A_51 = tpu.memref_slice %arg9[%add3A_14, %dma_wait3A_50] : memref<10240x128xf32, #tpu.memory_space<vmem_shared>> -> memref<128x128xf32, #tpu.memory_space<vmem_shared>>
      tpu.wait_dma2 semaphore(%run_scoped3A : memref<!tpu.dma_semaphore, #tpu.memory_space<semaphore_mem>>) src(%arg7 : memref<128x128xf32, #tpu.memory_space<vmem>>) dst(%dma_wait3A_51 : memref<128x128xf32, #tpu.memory_space<vmem_shared>>)
      tpu.yield
    }) : () -> ()
    %add3A_15 = arith.constant 384 : i32
    %add3A_16 = arith.addi %multiple_of3A, %add3A_15 : i32
    "tpu.region"() ({
      %run_scoped3A = tpu.sem_alloc : memref<!tpu.dma_semaphore, #tpu.memory_space<semaphore_mem>>
      %dma_start3A = arith.constant 0 : i32
      %dma_start3A_46 = tpu.memref_slice %arg9[%add3A_16, %dma_start3A] : memref<10240x128xf32, #tpu.memory_space<vmem_shared>> -> memref<128x128xf32, #tpu.memory_space<vmem_shared>>
      %dma_start3A_47 = arith.constant 0 : i32
      %dma_start3A_48 = tpu.memref_slice %arg9[%add3A_16, %dma_start3A_47] : memref<10240x128xf32, #tpu.memory_space<vmem_shared>> -> memref<128x128xf32, #tpu.memory_space<vmem_shared>>
      tpu.enqueue_dma source(%arg7 : memref<128x128xf32, #tpu.memory_space<vmem>>) target(%dma_start3A_48 : memref<128x128xf32, #tpu.memory_space<vmem_shared>>) target_semaphore(%run_scoped3A : memref<!tpu.dma_semaphore, #tpu.memory_space<semaphore_mem>>)
      %dma_wait3A = arith.constant 0 : i32
      %dma_wait3A_49 = tpu.memref_slice %arg9[%add3A_16, %dma_wait3A] : memref<10240x128xf32, #tpu.memory_space<vmem_shared>> -> memref<128x128xf32, #tpu.memory_space<vmem_shared>>
      %dma_wait3A_50 = arith.constant 0 : i32
      %dma_wait3A_51 = tpu.memref_slice %arg9[%add3A_16, %dma_wait3A_50] : memref<10240x128xf32, #tpu.memory_space<vmem_shared>> -> memref<128x128xf32, #tpu.memory_space<vmem_shared>>
      tpu.wait_dma2 semaphore(%run_scoped3A : memref<!tpu.dma_semaphore, #tpu.memory_space<semaphore_mem>>) src(%arg7 : memref<128x128xf32, #tpu.memory_space<vmem>>) dst(%dma_wait3A_51 : memref<128x128xf32, #tpu.memory_space<vmem_shared>>)
      tpu.yield
    }) : () -> ()
    %add3A_17 = arith.constant 512 : i32
    %add3A_18 = arith.addi %multiple_of3A, %add3A_17 : i32
    "tpu.region"() ({
      %run_scoped3A = tpu.sem_alloc : memref<!tpu.dma_semaphore, #tpu.memory_space<semaphore_mem>>
      %dma_start3A = arith.constant 0 : i32
      %dma_start3A_46 = tpu.memref_slice %arg9[%add3A_18, %dma_start3A] : memref<10240x128xf32, #tpu.memory_space<vmem_shared>> -> memref<128x128xf32, #tpu.memory_space<vmem_shared>>
      %dma_start3A_47 = arith.constant 0 : i32
      %dma_start3A_48 = tpu.memref_slice %arg9[%add3A_18, %dma_start3A_47] : memref<10240x128xf32, #tpu.memory_space<vmem_shared>> -> memref<128x128xf32, #tpu.memory_space<vmem_shared>>
      tpu.enqueue_dma source(%arg7 : memref<128x128xf32, #tpu.memory_space<vmem>>) target(%dma_start3A_48 : memref<128x128xf32, #tpu.memory_space<vmem_shared>>) target_semaphore(%run_scoped3A : memref<!tpu.dma_semaphore, #tpu.memory_space<semaphore_mem>>)
      %dma_wait3A = arith.constant 0 : i32
      %dma_wait3A_49 = tpu.memref_slice %arg9[%add3A_18, %dma_wait3A] : memref<10240x128xf32, #tpu.memory_space<vmem_shared>> -> memref<128x128xf32, #tpu.memory_space<vmem_shared>>
      %dma_wait3A_50 = arith.constant 0 : i32
      %dma_wait3A_51 = tpu.memref_slice %arg9[%add3A_18, %dma_wait3A_50] : memref<10240x128xf32, #tpu.memory_space<vmem_shared>> -> memref<128x128xf32, #tpu.memory_space<vmem_shared>>
      tpu.wait_dma2 semaphore(%run_scoped3A : memref<!tpu.dma_semaphore, #tpu.memory_space<semaphore_mem>>) src(%arg7 : memref<128x128xf32, #tpu.memory_space<vmem>>) dst(%dma_wait3A_51 : memref<128x128xf32, #tpu.memory_space<vmem_shared>>)
      tpu.yield
    }) : () -> ()
    %mul3A_19 = arith.constant 80 : i32
    %mul3A_20 = arith.muli %add3A, %mul3A_19 : i32
    %multiple_of3A_21 = tpu.assume_multiple %mul3A_20, 8 : i32
    %mul3A_22 = arith.constant 80 : i32
    %mul3A_23 = arith.muli %add3A, %mul3A_22 : i32
    %sub3A = arith.constant 2500 : i32
    %sub3A_24 = arith.subi %sub3A, %mul3A_23 : i32
    %max3A = arith.constant 0 : i32
    %max3A_25 = arith.maxsi %sub3A_24, %max3A : i32
    %min3A = arith.constant 80 : i32
    %min3A_26 = arith.minsi %min3A, %max3A_25 : i32
    %barrier3A = arith.constant 0 : index
    tpu.barrier barrier_id(%barrier3A)
    %sub3A_27 = arith.constant 0 : i32
    %sub3A_28 = arith.subi %min3A_26, %sub3A_27 : i32
    %jit3A = arith.constant 0 : i32
    %jit3A_29 = arith.constant 40 : i32
    %max3A_30 = arith.maxsi %jit3A, %sub3A_28 : i32
    %min3A_31 = arith.minsi %jit3A_29, %max3A_30 : i32
    %gt3A = arith.constant 0 : i32
    %gt3A_32 = arith.cmpi sgt, %min3A_31, %gt3A : i32
    %convert_element_type3A = arith.extui %gt3A_32 : i1 to i32
    %cond3A = arith.constant 0 : i32
    %cond3A_33 = arith.cmpi ne, %convert_element_type3A, %cond3A : i32
    scf.if %cond3A_33 {
      %add3A_46 = arith.constant 0 : i32
      %add3A_47 = arith.addi %multiple_of3A_21, %add3A_46 : i32
      %multiple_of3A_48 = tpu.assume_multiple %add3A_47, 8 : i32
      %run_scoped3A = arith.constant 0 : i32
      "tpu.region"() ({
        %run_scoped3A_83 = tpu.sem_alloc : memref<!tpu.dma_semaphore, #tpu.memory_space<semaphore_mem>>
        %dma_start3A_84 = arith.constant 0 : i32
        %dma_start3A_85 = tpu.memref_slice %arg3[%run_scoped3A, %multiple_of3A_48, %dma_start3A_84] : memref<2x2560x128xi32, #tpu.memory_space<hbm>> -> memref<1x40x128xi32, #tpu.memory_space<hbm>>
        %dma_start3A_86 = tpu.memref_squeeze %dma_start3A_85 : memref<1x40x128xi32, #tpu.memory_space<hbm>> -> memref<40x128xi32, #tpu.memory_space<hbm>>
        %dma_start3A_87 = arith.constant 0 : i32
        %dma_start3A_88 = tpu.memref_slice %arg3[%run_scoped3A, %multiple_of3A_48, %dma_start3A_87] : memref<2x2560x128xi32, #tpu.memory_space<hbm>> -> memref<1x40x128xi32, #tpu.memory_space<hbm>>
        %dma_start3A_89 = tpu.memref_squeeze %dma_start3A_88 : memref<1x40x128xi32, #tpu.memory_space<hbm>> -> memref<40x128xi32, #tpu.memory_space<hbm>>
        tpu.enqueue_dma source(%dma_start3A_89 : memref<40x128xi32, #tpu.memory_space<hbm>>) target(%arg5 : memref<40x128xi32, #tpu.memory_space<vmem>>) target_semaphore(%run_scoped3A_83 : memref<!tpu.dma_semaphore, #tpu.memory_space<semaphore_mem>>)
        %dma_wait3A = arith.constant 0 : i32
        %dma_wait3A_90 = tpu.memref_slice %arg3[%run_scoped3A, %multiple_of3A_48, %dma_wait3A] : memref<2x2560x128xi32, #tpu.memory_space<hbm>> -> memref<1x40x128xi32, #tpu.memory_space<hbm>>
        %dma_wait3A_91 = tpu.memref_squeeze %dma_wait3A_90 : memref<1x40x128xi32, #tpu.memory_space<hbm>> -> memref<40x128xi32, #tpu.memory_space<hbm>>
        %dma_wait3A_92 = arith.constant 0 : i32
        %dma_wait3A_93 = tpu.memref_slice %arg3[%run_scoped3A, %multiple_of3A_48, %dma_wait3A_92] : memref<2x2560x128xi32, #tpu.memory_space<hbm>> -> memref<1x40x128xi32, #tpu.memory_space<hbm>>
        %dma_wait3A_94 = tpu.memref_squeeze %dma_wait3A_93 : memref<1x40x128xi32, #tpu.memory_space<hbm>> -> memref<40x128xi32, #tpu.memory_space<hbm>>
        tpu.wait_dma2 semaphore(%run_scoped3A_83 : memref<!tpu.dma_semaphore, #tpu.memory_space<semaphore_mem>>) src(%dma_wait3A_94 : memref<40x128xi32, #tpu.memory_space<hbm>>) dst(%arg5 : memref<40x128xi32, #tpu.memory_space<vmem>>)
        tpu.yield
      }) : () -> ()
      %run_scoped3A_49 = arith.constant 1 : i32
      "tpu.region"() ({
        %run_scoped3A_83 = tpu.sem_alloc : memref<!tpu.dma_semaphore, #tpu.memory_space<semaphore_mem>>
        %dma_start3A_84 = arith.constant 0 : i32
        %dma_start3A_85 = tpu.memref_slice %arg3[%run_scoped3A_49, %multiple_of3A_48, %dma_start3A_84] : memref<2x2560x128xi32, #tpu.memory_space<hbm>> -> memref<1x40x128xi32, #tpu.memory_space<hbm>>
        %dma_start3A_86 = tpu.memref_squeeze %dma_start3A_85 : memref<1x40x128xi32, #tpu.memory_space<hbm>> -> memref<40x128xi32, #tpu.memory_space<hbm>>
        %dma_start3A_87 = arith.constant 0 : i32
        %dma_start3A_88 = tpu.memref_slice %arg3[%run_scoped3A_49, %multiple_of3A_48, %dma_start3A_87] : memref<2x2560x128xi32, #tpu.memory_space<hbm>> -> memref<1x40x128xi32, #tpu.memory_space<hbm>>
        %dma_start3A_89 = tpu.memref_squeeze %dma_start3A_88 : memref<1x40x128xi32, #tpu.memory_space<hbm>> -> memref<40x128xi32, #tpu.memory_space<hbm>>
        tpu.enqueue_dma source(%dma_start3A_89 : memref<40x128xi32, #tpu.memory_space<hbm>>) target(%arg6 : memref<40x128xi32, #tpu.memory_space<vmem>>) target_semaphore(%run_scoped3A_83 : memref<!tpu.dma_semaphore, #tpu.memory_space<semaphore_mem>>)
        %dma_wait3A = arith.constant 0 : i32
        %dma_wait3A_90 = tpu.memref_slice %arg3[%run_scoped3A_49, %multiple_of3A_48, %dma_wait3A] : memref<2x2560x128xi32, #tpu.memory_space<hbm>> -> memref<1x40x128xi32, #tpu.memory_space<hbm>>
        %dma_wait3A_91 = tpu.memref_squeeze %dma_wait3A_90 : memref<1x40x128xi32, #tpu.memory_space<hbm>> -> memref<40x128xi32, #tpu.memory_space<hbm>>
        %dma_wait3A_92 = arith.constant 0 : i32
        %dma_wait3A_93 = tpu.memref_slice %arg3[%run_scoped3A_49, %multiple_of3A_48, %dma_wait3A_92] : memref<2x2560x128xi32, #tpu.memory_space<hbm>> -> memref<1x40x128xi32, #tpu.memory_space<hbm>>
        %dma_wait3A_94 = tpu.memref_squeeze %dma_wait3A_93 : memref<1x40x128xi32, #tpu.memory_space<hbm>> -> memref<40x128xi32, #tpu.memory_space<hbm>>
        tpu.wait_dma2 semaphore(%run_scoped3A_83 : memref<!tpu.dma_semaphore, #tpu.memory_space<semaphore_mem>>) src(%dma_wait3A_94 : memref<40x128xi32, #tpu.memory_space<hbm>>) dst(%arg6 : memref<40x128xi32, #tpu.memory_space<vmem>>)
        tpu.yield
      }) : () -> ()
      %dma_start3A = arith.constant 0 : i32
      %dma_start3A_50 = arith.constant 0 : i32
      %dma_start3A_51 = tpu.memref_slice %arg5[%dma_start3A, %dma_start3A_50] : memref<40x128xi32, #tpu.memory_space<vmem>> -> memref<1x128xi32, #tpu.memory_space<vmem>>
      %dma_start3A_52 = tpu.memref_squeeze %dma_start3A_51 : memref<1x128xi32, #tpu.memory_space<vmem>> -> memref<128xi32, #tpu.memory_space<vmem>>
      %dma_start3A_53 = arith.constant 0 : i32
      %dma_start3A_54 = arith.constant 0 : i32
      %dma_start3A_55 = tpu.memref_slice %arg2[%dma_start3A_53, %dma_start3A_54] : memref<10000x128xf32, #tpu.memory_space<hbm>> -> memref<10000x128xf32, #tpu.memory_space<hbm>>
      tpu.enqueue_indirect_dma source(%dma_start3A_55 : memref<10000x128xf32, #tpu.memory_space<hbm>>) target(%arg7 : memref<128x128xf32, #tpu.memory_space<vmem>>) offsets(%dma_start3A_52 : memref<128xi32, #tpu.memory_space<vmem>>) semaphore(%arg10 : memref<!tpu.dma_semaphore, #tpu.memory_space<semaphore_mem>>)
      %jit3A_56 = arith.constant 2 : i32
      %div3A = arith.divsi %min3A_31, %jit3A_56 : i32
      %sign3A = arith.constant 0 : i32
      %sign3A_57 = arith.cmpi sgt, %min3A_31, %sign3A : i32
      %sign3A_58 = arith.extui %sign3A_57 : i1 to i32
      %sign3A_59 = arith.constant 0 : i32
      %sign3A_60 = arith.cmpi slt, %min3A_31, %sign3A_59 : i32
      %sign3A_61 = arith.extui %sign3A_60 : i1 to i32
      %sign3A_62 = arith.subi %sign3A_58, %sign3A_61 : i32
      %sign3A_63 = arith.constant 0 : i32
      %sign3A_64 = arith.cmpi sgt, %jit3A_56, %sign3A_63 : i32
      %sign3A_65 = arith.extui %sign3A_64 : i1 to i32
      %sign3A_66 = arith.constant 0 : i32
      %sign3A_67 = arith.cmpi slt, %jit3A_56, %sign3A_66 : i32
      %sign3A_68 = arith.extui %sign3A_67 : i1 to i32
      %sign3A_69 = arith.subi %sign3A_65, %sign3A_68 : i32
      %ne3A = arith.cmpi ne, %sign3A_62, %sign3A_69 : i32
      %rem3A = arith.remsi %min3A_31, %jit3A_56 : i32
      %ne3A_70 = arith.constant 0 : i32
      %ne3A_71 = arith.cmpi ne, %rem3A, %ne3A_70 : i32
      %and3A = arith.andi %ne3A, %ne3A_71 : i1
      %sub3A_72 = arith.constant 1 : i32
      %sub3A_73 = arith.subi %div3A, %sub3A_72 : i32
      %select_n3A = arith.select %and3A, %sub3A_73, %div3A : i32
      %while3A = arith.constant 0 : i32
      %while3A_74 = arith.constant 0 : i32
      %while3A_75 = arith.subi %select_n3A, %while3A_74 : i32
      %while3A_76 = arith.addi %while3A_74, %while3A_75 : i32
      %while3A_77 = arith.constant 1 : i32
      %while3A_78 = arith.divsi %while3A_75, %while3A_77 : i32
      %while3A_79 = arith.muli %while3A_78, %while3A_77 : i32
      %while3A_80 = arith.addi %while3A_74, %while3A_79 : i32
      %while3A_81 = arith.constant 1 : i32
      scf.for %while3A_83 = %while3A_74 to %while3A_80 step %while3A_81  : i32 {
        %mul3A_84 = arith.constant 2 : i32
        %mul3A_85 = arith.muli %mul3A_84, %while3A_83 : i32
        %add3A_86 = arith.constant 1 : i32
        %add3A_87 = arith.addi %mul3A_85, %add3A_86 : i32
        %dma_wait3A = arith.constant 0 : i32
        %dma_wait3A_88 = tpu.memref_slice %arg5[%mul3A_85, %dma_wait3A] : memref<40x128xi32, #tpu.memory_space<vmem>> -> memref<1x128xi32, #tpu.memory_space<vmem>>
        %dma_wait3A_89 = tpu.memref_squeeze %dma_wait3A_88 : memref<1x128xi32, #tpu.memory_space<vmem>> -> memref<128xi32, #tpu.memory_space<vmem>>
        %dma_wait3A_90 = arith.constant 0 : i32
        %dma_wait3A_91 = arith.constant 0 : i32
        %dma_wait3A_92 = tpu.memref_slice %arg2[%dma_wait3A_90, %dma_wait3A_91] : memref<10000x128xf32, #tpu.memory_space<hbm>> -> memref<10000x128xf32, #tpu.memory_space<hbm>>
        tpu.wait_indirect_dma semaphore(%arg10 : memref<!tpu.dma_semaphore, #tpu.memory_space<semaphore_mem>>) src(%dma_wait3A_92 : memref<10000x128xf32, #tpu.memory_space<hbm>>) dst(%arg7 : memref<128x128xf32, #tpu.memory_space<vmem>>)
        %dma_start3A_93 = arith.constant 0 : i32
        %dma_start3A_94 = tpu.memref_slice %arg5[%add3A_87, %dma_start3A_93] : memref<40x128xi32, #tpu.memory_space<vmem>> -> memref<1x128xi32, #tpu.memory_space<vmem>>
        %dma_start3A_95 = tpu.memref_squeeze %dma_start3A_94 : memref<1x128xi32, #tpu.memory_space<vmem>> -> memref<128xi32, #tpu.memory_space<vmem>>
        %dma_start3A_96 = arith.constant 0 : i32
        %dma_start3A_97 = arith.constant 0 : i32
        %dma_start3A_98 = tpu.memref_slice %arg2[%dma_start3A_96, %dma_start3A_97] : memref<10000x128xf32, #tpu.memory_space<hbm>> -> memref<10000x128xf32, #tpu.memory_space<hbm>>
        tpu.enqueue_indirect_dma source(%dma_start3A_98 : memref<10000x128xf32, #tpu.memory_space<hbm>>) target(%arg8 : memref<128x128xf32, #tpu.memory_space<vmem>>) offsets(%dma_start3A_95 : memref<128xi32, #tpu.memory_space<vmem>>) semaphore(%arg11 : memref<!tpu.dma_semaphore, #tpu.memory_space<semaphore_mem>>)
        "tpu.region"() ({
          %run_scoped3A_110 = tpu.sem_alloc : memref<!tpu.dma_semaphore, #tpu.memory_space<semaphore_mem>>
          %dma_start3A_111 = arith.constant 0 : i32
          %dma_start3A_112 = tpu.memref_slice %arg6[%mul3A_85, %dma_start3A_111] : memref<40x128xi32, #tpu.memory_space<vmem>> -> memref<1x128xi32, #tpu.memory_space<vmem>>
          %dma_start3A_113 = tpu.memref_squeeze %dma_start3A_112 : memref<1x128xi32, #tpu.memory_space<vmem>> -> memref<128xi32, #tpu.memory_space<vmem>>
          %dma_start3A_114 = arith.constant 0 : i32
          %dma_start3A_115 = arith.constant 0 : i32
          %dma_start3A_116 = tpu.memref_slice %arg9[%dma_start3A_114, %dma_start3A_115] : memref<10240x128xf32, #tpu.memory_space<vmem_shared>> -> memref<10240x128xf32, #tpu.memory_space<vmem_shared>>
          tpu.enqueue_indirect_dma source(%arg7 : memref<128x128xf32, #tpu.memory_space<vmem>>) target(%dma_start3A_116 : memref<10240x128xf32, #tpu.memory_space<vmem_shared>>) offsets(%dma_start3A_113 : memref<128xi32, #tpu.memory_space<vmem>>) semaphore(%run_scoped3A_110 : memref<!tpu.dma_semaphore, #tpu.memory_space<semaphore_mem>>) {add = true}
          %dma_wait3A_117 = arith.constant 0 : i32
          %dma_wait3A_118 = tpu.memref_slice %arg6[%mul3A_85, %dma_wait3A_117] : memref<40x128xi32, #tpu.memory_space<vmem>> -> memref<1x128xi32, #tpu.memory_space<vmem>>
          %dma_wait3A_119 = tpu.memref_squeeze %dma_wait3A_118 : memref<1x128xi32, #tpu.memory_space<vmem>> -> memref<128xi32, #tpu.memory_space<vmem>>
          %dma_wait3A_120 = arith.constant 0 : i32
          %dma_wait3A_121 = arith.constant 0 : i32
          %dma_wait3A_122 = tpu.memref_slice %arg9[%dma_wait3A_120, %dma_wait3A_121] : memref<10240x128xf32, #tpu.memory_space<vmem_shared>> -> memref<10240x128xf32, #tpu.memory_space<vmem_shared>>
          tpu.wait_indirect_dma semaphore(%run_scoped3A_110 : memref<!tpu.dma_semaphore, #tpu.memory_space<semaphore_mem>>) src(%arg7 : memref<128x128xf32, #tpu.memory_space<vmem>>) dst(%dma_wait3A_122 : memref<10240x128xf32, #tpu.memory_space<vmem_shared>>)
          tpu.yield
        }) : () -> ()
        %dma_wait3A_99 = arith.constant 0 : i32
        %dma_wait3A_100 = tpu.memref_slice %arg5[%add3A_87, %dma_wait3A_99] : memref<40x128xi32, #tpu.memory_space<vmem>> -> memref<1x128xi32, #tpu.memory_space<vmem>>
        %dma_wait3A_101 = tpu.memref_squeeze %dma_wait3A_100 : memref<1x128xi32, #tpu.memory_space<vmem>> -> memref<128xi32, #tpu.memory_space<vmem>>
        %dma_wait3A_102 = arith.constant 0 : i32
        %dma_wait3A_103 = arith.constant 0 : i32
        %dma_wait3A_104 = tpu.memref_slice %arg2[%dma_wait3A_102, %dma_wait3A_103] : memref<10000x128xf32, #tpu.memory_space<hbm>> -> memref<10000x128xf32, #tpu.memory_space<hbm>>
        tpu.wait_indirect_dma semaphore(%arg11 : memref<!tpu.dma_semaphore, #tpu.memory_space<semaphore_mem>>) src(%dma_wait3A_104 : memref<10000x128xf32, #tpu.memory_space<hbm>>) dst(%arg8 : memref<128x128xf32, #tpu.memory_space<vmem>>)
        %add3A_105 = arith.constant 1 : i32
        %add3A_106 = arith.addi %add3A_87, %add3A_105 : i32
        %lt3A = arith.cmpi slt, %add3A_106, %min3A_31 : i32
        %convert_element_type3A_107 = arith.extui %lt3A : i1 to i32
        %cond3A_108 = arith.constant 0 : i32
        %cond3A_109 = arith.cmpi ne, %convert_element_type3A_107, %cond3A_108 : i32
        scf.if %cond3A_109 {
          %add3A_110 = arith.constant 1 : i32
          %add3A_111 = arith.addi %add3A_87, %add3A_110 : i32
          %dma_start3A_112 = arith.constant 0 : i32
          %dma_start3A_113 = tpu.memref_slice %arg5[%add3A_111, %dma_start3A_112] : memref<40x128xi32, #tpu.memory_space<vmem>> -> memref<1x128xi32, #tpu.memory_space<vmem>>
          %dma_start3A_114 = tpu.memref_squeeze %dma_start3A_113 : memref<1x128xi32, #tpu.memory_space<vmem>> -> memref<128xi32, #tpu.memory_space<vmem>>
          %dma_start3A_115 = arith.constant 0 : i32
          %dma_start3A_116 = arith.constant 0 : i32
          %dma_start3A_117 = tpu.memref_slice %arg2[%dma_start3A_115, %dma_start3A_116] : memref<10000x128xf32, #tpu.memory_space<hbm>> -> memref<10000x128xf32, #tpu.memory_space<hbm>>
          tpu.enqueue_indirect_dma source(%dma_start3A_117 : memref<10000x128xf32, #tpu.memory_space<hbm>>) target(%arg7 : memref<128x128xf32, #tpu.memory_space<vmem>>) offsets(%dma_start3A_114 : memref<128xi32, #tpu.memory_space<vmem>>) semaphore(%arg10 : memref<!tpu.dma_semaphore, #tpu.memory_space<semaphore_mem>>)
        } else {
        }
        "tpu.region"() ({
          %run_scoped3A_110 = tpu.sem_alloc : memref<!tpu.dma_semaphore, #tpu.memory_space<semaphore_mem>>
          %dma_start3A_111 = arith.constant 0 : i32
          %dma_start3A_112 = tpu.memref_slice %arg6[%add3A_87, %dma_start3A_111] : memref<40x128xi32, #tpu.memory_space<vmem>> -> memref<1x128xi32, #tpu.memory_space<vmem>>
          %dma_start3A_113 = tpu.memref_squeeze %dma_start3A_112 : memref<1x128xi32, #tpu.memory_space<vmem>> -> memref<128xi32, #tpu.memory_space<vmem>>
          %dma_start3A_114 = arith.constant 0 : i32
          %dma_start3A_115 = arith.constant 0 : i32
          %dma_start3A_116 = tpu.memref_slice %arg9[%dma_start3A_114, %dma_start3A_115] : memref<10240x128xf32, #tpu.memory_space<vmem_shared>> -> memref<10240x128xf32, #tpu.memory_space<vmem_shared>>
          tpu.enqueue_indirect_dma source(%arg8 : memref<128x128xf32, #tpu.memory_space<vmem>>) target(%dma_start3A_116 : memref<10240x128xf32, #tpu.memory_space<vmem_shared>>) offsets(%dma_start3A_113 : memref<128xi32, #tpu.memory_space<vmem>>) semaphore(%run_scoped3A_110 : memref<!tpu.dma_semaphore, #tpu.memory_space<semaphore_mem>>) {add = true}
          %dma_wait3A_117 = arith.constant 0 : i32
          %dma_wait3A_118 = tpu.memref_slice %arg6[%add3A_87, %dma_wait3A_117] : memref<40x128xi32, #tpu.memory_space<vmem>> -> memref<1x128xi32, #tpu.memory_space<vmem>>
          %dma_wait3A_119 = tpu.memref_squeeze %dma_wait3A_118 : memref<1x128xi32, #tpu.memory_space<vmem>> -> memref<128xi32, #tpu.memory_space<vmem>>
          %dma_wait3A_120 = arith.constant 0 : i32
          %dma_wait3A_121 = arith.constant 0 : i32
          %dma_wait3A_122 = tpu.memref_slice %arg9[%dma_wait3A_120, %dma_wait3A_121] : memref<10240x128xf32, #tpu.memory_space<vmem_shared>> -> memref<10240x128xf32, #tpu.memory_space<vmem_shared>>
          tpu.wait_indirect_dma semaphore(%run_scoped3A_110 : memref<!tpu.dma_semaphore, #tpu.memory_space<semaphore_mem>>) src(%arg8 : memref<128x128xf32, #tpu.memory_space<vmem>>) dst(%dma_wait3A_122 : memref<10240x128xf32, #tpu.memory_space<vmem_shared>>)
          tpu.yield
        }) : () -> ()
      }
      %while3A_82 = arith.constant 1 : i32
      scf.for %while3A_83 = %while3A_80 to %while3A_76 step %while3A_82  : i32 {
        %mul3A_84 = arith.constant 2 : i32
        %mul3A_85 = arith.muli %mul3A_84, %while3A_83 : i32
        %add3A_86 = arith.constant 1 : i32
        %add3A_87 = arith.addi %mul3A_85, %add3A_86 : i32
        %dma_wait3A = arith.constant 0 : i32
        %dma_wait3A_88 = tpu.memref_slice %arg5[%mul3A_85, %dma_wait3A] : memref<40x128xi32, #tpu.memory_space<vmem>> -> memref<1x128xi32, #tpu.memory_space<vmem>>
        %dma_wait3A_89 = tpu.memref_squeeze %dma_wait3A_88 : memref<1x128xi32, #tpu.memory_space<vmem>> -> memref<128xi32, #tpu.memory_space<vmem>>
        %dma_wait3A_90 = arith.constant 0 : i32
        %dma_wait3A_91 = arith.constant 0 : i32
        %dma_wait3A_92 = tpu.memref_slice %arg2[%dma_wait3A_90, %dma_wait3A_91] : memref<10000x128xf32, #tpu.memory_space<hbm>> -> memref<10000x128xf32, #tpu.memory_space<hbm>>
        tpu.wait_indirect_dma semaphore(%arg10 : memref<!tpu.dma_semaphore, #tpu.memory_space<semaphore_mem>>) src(%dma_wait3A_92 : memref<10000x128xf32, #tpu.memory_space<hbm>>) dst(%arg7 : memref<128x128xf32, #tpu.memory_space<vmem>>)
        %dma_start3A_93 = arith.constant 0 : i32
        %dma_start3A_94 = tpu.memref_slice %arg5[%add3A_87, %dma_start3A_93] : memref<40x128xi32, #tpu.memory_space<vmem>> -> memref<1x128xi32, #tpu.memory_space<vmem>>
        %dma_start3A_95 = tpu.memref_squeeze %dma_start3A_94 : memref<1x128xi32, #tpu.memory_space<vmem>> -> memref<128xi32, #tpu.memory_space<vmem>>
        %dma_start3A_96 = arith.constant 0 : i32
        %dma_start3A_97 = arith.constant 0 : i32
        %dma_start3A_98 = tpu.memref_slice %arg2[%dma_start3A_96, %dma_start3A_97] : memref<10000x128xf32, #tpu.memory_space<hbm>> -> memref<10000x128xf32, #tpu.memory_space<hbm>>
        tpu.enqueue_indirect_dma source(%dma_start3A_98 : memref<10000x128xf32, #tpu.memory_space<hbm>>) target(%arg8 : memref<128x128xf32, #tpu.memory_space<vmem>>) offsets(%dma_start3A_95 : memref<128xi32, #tpu.memory_space<vmem>>) semaphore(%arg11 : memref<!tpu.dma_semaphore, #tpu.memory_space<semaphore_mem>>)
        "tpu.region"() ({
          %run_scoped3A_110 = tpu.sem_alloc : memref<!tpu.dma_semaphore, #tpu.memory_space<semaphore_mem>>
          %dma_start3A_111 = arith.constant 0 : i32
          %dma_start3A_112 = tpu.memref_slice %arg6[%mul3A_85, %dma_start3A_111] : memref<40x128xi32, #tpu.memory_space<vmem>> -> memref<1x128xi32, #tpu.memory_space<vmem>>
          %dma_start3A_113 = tpu.memref_squeeze %dma_start3A_112 : memref<1x128xi32, #tpu.memory_space<vmem>> -> memref<128xi32, #tpu.memory_space<vmem>>
          %dma_start3A_114 = arith.constant 0 : i32
          %dma_start3A_115 = arith.constant 0 : i32
          %dma_start3A_116 = tpu.memref_slice %arg9[%dma_start3A_114, %dma_start3A_115] : memref<10240x128xf32, #tpu.memory_space<vmem_shared>> -> memref<10240x128xf32, #tpu.memory_space<vmem_shared>>
          tpu.enqueue_indirect_dma source(%arg7 : memref<128x128xf32, #tpu.memory_space<vmem>>) target(%dma_start3A_116 : memref<10240x128xf32, #tpu.memory_space<vmem_shared>>) offsets(%dma_start3A_113 : memref<128xi32, #tpu.memory_space<vmem>>) semaphore(%run_scoped3A_110 : memref<!tpu.dma_semaphore, #tpu.memory_space<semaphore_mem>>) {add = true}
          %dma_wait3A_117 = arith.constant 0 : i32
          %dma_wait3A_118 = tpu.memref_slice %arg6[%mul3A_85, %dma_wait3A_117] : memref<40x128xi32, #tpu.memory_space<vmem>> -> memref<1x128xi32, #tpu.memory_space<vmem>>
          %dma_wait3A_119 = tpu.memref_squeeze %dma_wait3A_118 : memref<1x128xi32, #tpu.memory_space<vmem>> -> memref<128xi32, #tpu.memory_space<vmem>>
          %dma_wait3A_120 = arith.constant 0 : i32
          %dma_wait3A_121 = arith.constant 0 : i32
          %dma_wait3A_122 = tpu.memref_slice %arg9[%dma_wait3A_120, %dma_wait3A_121] : memref<10240x128xf32, #tpu.memory_space<vmem_shared>> -> memref<10240x128xf32, #tpu.memory_space<vmem_shared>>
          tpu.wait_indirect_dma semaphore(%run_scoped3A_110 : memref<!tpu.dma_semaphore, #tpu.memory_space<semaphore_mem>>) src(%arg7 : memref<128x128xf32, #tpu.memory_space<vmem>>) dst(%dma_wait3A_122 : memref<10240x128xf32, #tpu.memory_space<vmem_shared>>)
          tpu.yield
        }) : () -> ()
        %dma_wait3A_99 = arith.constant 0 : i32
        %dma_wait3A_100 = tpu.memref_slice %arg5[%add3A_87, %dma_wait3A_99] : memref<40x128xi32, #tpu.memory_space<vmem>> -> memref<1x128xi32, #tpu.memory_space<vmem>>
        %dma_wait3A_101 = tpu.memref_squeeze %dma_wait3A_100 : memref<1x128xi32, #tpu.memory_space<vmem>> -> memref<128xi32, #tpu.memory_space<vmem>>
        %dma_wait3A_102 = arith.constant 0 : i32
        %dma_wait3A_103 = arith.constant 0 : i32
        %dma_wait3A_104 = tpu.memref_slice %arg2[%dma_wait3A_102, %dma_wait3A_103] : memref<10000x128xf32, #tpu.memory_space<hbm>> -> memref<10000x128xf32, #tpu.memory_space<hbm>>
        tpu.wait_indirect_dma semaphore(%arg11 : memref<!tpu.dma_semaphore, #tpu.memory_space<semaphore_mem>>) src(%dma_wait3A_104 : memref<10000x128xf32, #tpu.memory_space<hbm>>) dst(%arg8 : memref<128x128xf32, #tpu.memory_space<vmem>>)
        %add3A_105 = arith.constant 1 : i32
        %add3A_106 = arith.addi %add3A_87, %add3A_105 : i32
        %lt3A = arith.cmpi slt, %add3A_106, %min3A_31 : i32
        %convert_element_type3A_107 = arith.extui %lt3A : i1 to i32
        %cond3A_108 = arith.constant 0 : i32
        %cond3A_109 = arith.cmpi ne, %convert_element_type3A_107, %cond3A_108 : i32
        scf.if %cond3A_109 {
          %add3A_110 = arith.constant 1 : i32
          %add3A_111 = arith.addi %add3A_87, %add3A_110 : i32
          %dma_start3A_112 = arith.constant 0 : i32
          %dma_start3A_113 = tpu.memref_slice %arg5[%add3A_111, %dma_start3A_112] : memref<40x128xi32, #tpu.memory_space<vmem>> -> memref<1x128xi32, #tpu.memory_space<vmem>>
          %dma_start3A_114 = tpu.memref_squeeze %dma_start3A_113 : memref<1x128xi32, #tpu.memory_space<vmem>> -> memref<128xi32, #tpu.memory_space<vmem>>
          %dma_start3A_115 = arith.constant 0 : i32
          %dma_start3A_116 = arith.constant 0 : i32
          %dma_start3A_117 = tpu.memref_slice %arg2[%dma_start3A_115, %dma_start3A_116] : memref<10000x128xf32, #tpu.memory_space<hbm>> -> memref<10000x128xf32, #tpu.memory_space<hbm>>
          tpu.enqueue_indirect_dma source(%dma_start3A_117 : memref<10000x128xf32, #tpu.memory_space<hbm>>) target(%arg7 : memref<128x128xf32, #tpu.memory_space<vmem>>) offsets(%dma_start3A_114 : memref<128xi32, #tpu.memory_space<vmem>>) semaphore(%arg10 : memref<!tpu.dma_semaphore, #tpu.memory_space<semaphore_mem>>)
        } else {
        }
        "tpu.region"() ({
          %run_scoped3A_110 = tpu.sem_alloc : memref<!tpu.dma_semaphore, #tpu.memory_space<semaphore_mem>>
          %dma_start3A_111 = arith.constant 0 : i32
          %dma_start3A_112 = tpu.memref_slice %arg6[%add3A_87, %dma_start3A_111] : memref<40x128xi32, #tpu.memory_space<vmem>> -> memref<1x128xi32, #tpu.memory_space<vmem>>
          %dma_start3A_113 = tpu.memref_squeeze %dma_start3A_112 : memref<1x128xi32, #tpu.memory_space<vmem>> -> memref<128xi32, #tpu.memory_space<vmem>>
          %dma_start3A_114 = arith.constant 0 : i32
          %dma_start3A_115 = arith.constant 0 : i32
          %dma_start3A_116 = tpu.memref_slice %arg9[%dma_start3A_114, %dma_start3A_115] : memref<10240x128xf32, #tpu.memory_space<vmem_shared>> -> memref<10240x128xf32, #tpu.memory_space<vmem_shared>>
          tpu.enqueue_indirect_dma source(%arg8 : memref<128x128xf32, #tpu.memory_space<vmem>>) target(%dma_start3A_116 : memref<10240x128xf32, #tpu.memory_space<vmem_shared>>) offsets(%dma_start3A_113 : memref<128xi32, #tpu.memory_space<vmem>>) semaphore(%run_scoped3A_110 : memref<!tpu.dma_semaphore, #tpu.memory_space<semaphore_mem>>) {add = true}
          %dma_wait3A_117 = arith.constant 0 : i32
          %dma_wait3A_118 = tpu.memref_slice %arg6[%add3A_87, %dma_wait3A_117] : memref<40x128xi32, #tpu.memory_space<vmem>> -> memref<1x128xi32, #tpu.memory_space<vmem>>
          %dma_wait3A_119 = tpu.memref_squeeze %dma_wait3A_118 : memref<1x128xi32, #tpu.memory_space<vmem>> -> memref<128xi32, #tpu.memory_space<vmem>>
          %dma_wait3A_120 = arith.constant 0 : i32
          %dma_wait3A_121 = arith.constant 0 : i32
          %dma_wait3A_122 = tpu.memref_slice %arg9[%dma_wait3A_120, %dma_wait3A_121] : memref<10240x128xf32, #tpu.memory_space<vmem_shared>> -> memref<10240x128xf32, #tpu.memory_space<vmem_shared>>
          tpu.wait_indirect_dma semaphore(%run_scoped3A_110 : memref<!tpu.dma_semaphore, #tpu.memory_space<semaphore_mem>>) src(%arg8 : memref<128x128xf32, #tpu.memory_space<vmem>>) dst(%dma_wait3A_122 : memref<10240x128xf32, #tpu.memory_space<vmem_shared>>)
          tpu.yield
        }) : () -> ()
      }
    } else {
    }
    %sub3A_34 = arith.constant 40 : i32
    %sub3A_35 = arith.subi %min3A_26, %sub3A_34 : i32
    %jit3A_36 = arith.constant 0 : i32
    %jit3A_37 = arith.constant 40 : i32
    %max3A_38 = arith.maxsi %jit3A_36, %sub3A_35 : i32
    %min3A_39 = arith.minsi %jit3A_37, %max3A_38 : i32
    %gt3A_40 = arith.constant 0 : i32
    %gt3A_41 = arith.cmpi sgt, %min3A_39, %gt3A_40 : i32
    %convert_element_type3A_42 = arith.extui %gt3A_41 : i1 to i32
    %cond3A_43 = arith.constant 0 : i32
    %cond3A_44 = arith.cmpi ne, %convert_element_type3A_42, %cond3A_43 : i32
    scf.if %cond3A_44 {
      %add3A_46 = arith.constant 40 : i32
      %add3A_47 = arith.addi %multiple_of3A_21, %add3A_46 : i32
      %multiple_of3A_48 = tpu.assume_multiple %add3A_47, 8 : i32
      %run_scoped3A = arith.constant 0 : i32
      "tpu.region"() ({
        %run_scoped3A_83 = tpu.sem_alloc : memref<!tpu.dma_semaphore, #tpu.memory_space<semaphore_mem>>
        %dma_start3A_84 = arith.constant 0 : i32
        %dma_start3A_85 = tpu.memref_slice %arg3[%run_scoped3A, %multiple_of3A_48, %dma_start3A_84] : memref<2x2560x128xi32, #tpu.memory_space<hbm>> -> memref<1x40x128xi32, #tpu.memory_space<hbm>>
        %dma_start3A_86 = tpu.memref_squeeze %dma_start3A_85 : memref<1x40x128xi32, #tpu.memory_space<hbm>> -> memref<40x128xi32, #tpu.memory_space<hbm>>
        %dma_start3A_87 = arith.constant 0 : i32
        %dma_start3A_88 = tpu.memref_slice %arg3[%run_scoped3A, %multiple_of3A_48, %dma_start3A_87] : memref<2x2560x128xi32, #tpu.memory_space<hbm>> -> memref<1x40x128xi32, #tpu.memory_space<hbm>>
        %dma_start3A_89 = tpu.memref_squeeze %dma_start3A_88 : memref<1x40x128xi32, #tpu.memory_space<hbm>> -> memref<40x128xi32, #tpu.memory_space<hbm>>
        tpu.enqueue_dma source(%dma_start3A_89 : memref<40x128xi32, #tpu.memory_space<hbm>>) target(%arg5 : memref<40x128xi32, #tpu.memory_space<vmem>>) target_semaphore(%run_scoped3A_83 : memref<!tpu.dma_semaphore, #tpu.memory_space<semaphore_mem>>)
        %dma_wait3A = arith.constant 0 : i32
        %dma_wait3A_90 = tpu.memref_slice %arg3[%run_scoped3A, %multiple_of3A_48, %dma_wait3A] : memref<2x2560x128xi32, #tpu.memory_space<hbm>> -> memref<1x40x128xi32, #tpu.memory_space<hbm>>
        %dma_wait3A_91 = tpu.memref_squeeze %dma_wait3A_90 : memref<1x40x128xi32, #tpu.memory_space<hbm>> -> memref<40x128xi32, #tpu.memory_space<hbm>>
        %dma_wait3A_92 = arith.constant 0 : i32
        %dma_wait3A_93 = tpu.memref_slice %arg3[%run_scoped3A, %multiple_of3A_48, %dma_wait3A_92] : memref<2x2560x128xi32, #tpu.memory_space<hbm>> -> memref<1x40x128xi32, #tpu.memory_space<hbm>>
        %dma_wait3A_94 = tpu.memref_squeeze %dma_wait3A_93 : memref<1x40x128xi32, #tpu.memory_space<hbm>> -> memref<40x128xi32, #tpu.memory_space<hbm>>
        tpu.wait_dma2 semaphore(%run_scoped3A_83 : memref<!tpu.dma_semaphore, #tpu.memory_space<semaphore_mem>>) src(%dma_wait3A_94 : memref<40x128xi32, #tpu.memory_space<hbm>>) dst(%arg5 : memref<40x128xi32, #tpu.memory_space<vmem>>)
        tpu.yield
      }) : () -> ()
      %run_scoped3A_49 = arith.constant 1 : i32
      "tpu.region"() ({
        %run_scoped3A_83 = tpu.sem_alloc : memref<!tpu.dma_semaphore, #tpu.memory_space<semaphore_mem>>
        %dma_start3A_84 = arith.constant 0 : i32
        %dma_start3A_85 = tpu.memref_slice %arg3[%run_scoped3A_49, %multiple_of3A_48, %dma_start3A_84] : memref<2x2560x128xi32, #tpu.memory_space<hbm>> -> memref<1x40x128xi32, #tpu.memory_space<hbm>>
        %dma_start3A_86 = tpu.memref_squeeze %dma_start3A_85 : memref<1x40x128xi32, #tpu.memory_space<hbm>> -> memref<40x128xi32, #tpu.memory_space<hbm>>
        %dma_start3A_87 = arith.constant 0 : i32
        %dma_start3A_88 = tpu.memref_slice %arg3[%run_scoped3A_49, %multiple_of3A_48, %dma_start3A_87] : memref<2x2560x128xi32, #tpu.memory_space<hbm>> -> memref<1x40x128xi32, #tpu.memory_space<hbm>>
        %dma_start3A_89 = tpu.memref_squeeze %dma_start3A_88 : memref<1x40x128xi32, #tpu.memory_space<hbm>> -> memref<40x128xi32, #tpu.memory_space<hbm>>
        tpu.enqueue_dma source(%dma_start3A_89 : memref<40x128xi32, #tpu.memory_space<hbm>>) target(%arg6 : memref<40x128xi32, #tpu.memory_space<vmem>>) target_semaphore(%run_scoped3A_83 : memref<!tpu.dma_semaphore, #tpu.memory_space<semaphore_mem>>)
        %dma_wait3A = arith.constant 0 : i32
        %dma_wait3A_90 = tpu.memref_slice %arg3[%run_scoped3A_49, %multiple_of3A_48, %dma_wait3A] : memref<2x2560x128xi32, #tpu.memory_space<hbm>> -> memref<1x40x128xi32, #tpu.memory_space<hbm>>
        %dma_wait3A_91 = tpu.memref_squeeze %dma_wait3A_90 : memref<1x40x128xi32, #tpu.memory_space<hbm>> -> memref<40x128xi32, #tpu.memory_space<hbm>>
        %dma_wait3A_92 = arith.constant 0 : i32
        %dma_wait3A_93 = tpu.memref_slice %arg3[%run_scoped3A_49, %multiple_of3A_48, %dma_wait3A_92] : memref<2x2560x128xi32, #tpu.memory_space<hbm>> -> memref<1x40x128xi32, #tpu.memory_space<hbm>>
        %dma_wait3A_94 = tpu.memref_squeeze %dma_wait3A_93 : memref<1x40x128xi32, #tpu.memory_space<hbm>> -> memref<40x128xi32, #tpu.memory_space<hbm>>
        tpu.wait_dma2 semaphore(%run_scoped3A_83 : memref<!tpu.dma_semaphore, #tpu.memory_space<semaphore_mem>>) src(%dma_wait3A_94 : memref<40x128xi32, #tpu.memory_space<hbm>>) dst(%arg6 : memref<40x128xi32, #tpu.memory_space<vmem>>)
        tpu.yield
      }) : () -> ()
      %dma_start3A = arith.constant 0 : i32
      %dma_start3A_50 = arith.constant 0 : i32
      %dma_start3A_51 = tpu.memref_slice %arg5[%dma_start3A, %dma_start3A_50] : memref<40x128xi32, #tpu.memory_space<vmem>> -> memref<1x128xi32, #tpu.memory_space<vmem>>
      %dma_start3A_52 = tpu.memref_squeeze %dma_start3A_51 : memref<1x128xi32, #tpu.memory_space<vmem>> -> memref<128xi32, #tpu.memory_space<vmem>>
      %dma_start3A_53 = arith.constant 0 : i32
      %dma_start3A_54 = arith.constant 0 : i32
      %dma_start3A_55 = tpu.memref_slice %arg2[%dma_start3A_53, %dma_start3A_54] : memref<10000x128xf32, #tpu.memory_space<hbm>> -> memref<10000x128xf32, #tpu.memory_space<hbm>>
      tpu.enqueue_indirect_dma source(%dma_start3A_55 : memref<10000x128xf32, #tpu.memory_space<hbm>>) target(%arg7 : memref<128x128xf32, #tpu.memory_space<vmem>>) offsets(%dma_start3A_52 : memref<128xi32, #tpu.memory_space<vmem>>) semaphore(%arg10 : memref<!tpu.dma_semaphore, #tpu.memory_space<semaphore_mem>>)
      %jit3A_56 = arith.constant 2 : i32
      %div3A = arith.divsi %min3A_39, %jit3A_56 : i32
      %sign3A = arith.constant 0 : i32
      %sign3A_57 = arith.cmpi sgt, %min3A_39, %sign3A : i32
      %sign3A_58 = arith.extui %sign3A_57 : i1 to i32
      %sign3A_59 = arith.constant 0 : i32
      %sign3A_60 = arith.cmpi slt, %min3A_39, %sign3A_59 : i32
      %sign3A_61 = arith.extui %sign3A_60 : i1 to i32
      %sign3A_62 = arith.subi %sign3A_58, %sign3A_61 : i32
      %sign3A_63 = arith.constant 0 : i32
      %sign3A_64 = arith.cmpi sgt, %jit3A_56, %sign3A_63 : i32
      %sign3A_65 = arith.extui %sign3A_64 : i1 to i32
      %sign3A_66 = arith.constant 0 : i32
      %sign3A_67 = arith.cmpi slt, %jit3A_56, %sign3A_66 : i32
      %sign3A_68 = arith.extui %sign3A_67 : i1 to i32
      %sign3A_69 = arith.subi %sign3A_65, %sign3A_68 : i32
      %ne3A = arith.cmpi ne, %sign3A_62, %sign3A_69 : i32
      %rem3A = arith.remsi %min3A_39, %jit3A_56 : i32
      %ne3A_70 = arith.constant 0 : i32
      %ne3A_71 = arith.cmpi ne, %rem3A, %ne3A_70 : i32
      %and3A = arith.andi %ne3A, %ne3A_71 : i1
      %sub3A_72 = arith.constant 1 : i32
      %sub3A_73 = arith.subi %div3A, %sub3A_72 : i32
      %select_n3A = arith.select %and3A, %sub3A_73, %div3A : i32
      %while3A = arith.constant 0 : i32
      %while3A_74 = arith.constant 0 : i32
      %while3A_75 = arith.subi %select_n3A, %while3A_74 : i32
      %while3A_76 = arith.addi %while3A_74, %while3A_75 : i32
      %while3A_77 = arith.constant 1 : i32
      %while3A_78 = arith.divsi %while3A_75, %while3A_77 : i32
      %while3A_79 = arith.muli %while3A_78, %while3A_77 : i32
      %while3A_80 = arith.addi %while3A_74, %while3A_79 : i32
      %while3A_81 = arith.constant 1 : i32
      scf.for %while3A_83 = %while3A_74 to %while3A_80 step %while3A_81  : i32 {
        %mul3A_84 = arith.constant 2 : i32
        %mul3A_85 = arith.muli %mul3A_84, %while3A_83 : i32
        %add3A_86 = arith.constant 1 : i32
        %add3A_87 = arith.addi %mul3A_85, %add3A_86 : i32
        %dma_wait3A = arith.constant 0 : i32
        %dma_wait3A_88 = tpu.memref_slice %arg5[%mul3A_85, %dma_wait3A] : memref<40x128xi32, #tpu.memory_space<vmem>> -> memref<1x128xi32, #tpu.memory_space<vmem>>
        %dma_wait3A_89 = tpu.memref_squeeze %dma_wait3A_88 : memref<1x128xi32, #tpu.memory_space<vmem>> -> memref<128xi32, #tpu.memory_space<vmem>>
        %dma_wait3A_90 = arith.constant 0 : i32
        %dma_wait3A_91 = arith.constant 0 : i32
        %dma_wait3A_92 = tpu.memref_slice %arg2[%dma_wait3A_90, %dma_wait3A_91] : memref<10000x128xf32, #tpu.memory_space<hbm>> -> memref<10000x128xf32, #tpu.memory_space<hbm>>
        tpu.wait_indirect_dma semaphore(%arg10 : memref<!tpu.dma_semaphore, #tpu.memory_space<semaphore_mem>>) src(%dma_wait3A_92 : memref<10000x128xf32, #tpu.memory_space<hbm>>) dst(%arg7 : memref<128x128xf32, #tpu.memory_space<vmem>>)
        %dma_start3A_93 = arith.constant 0 : i32
        %dma_start3A_94 = tpu.memref_slice %arg5[%add3A_87, %dma_start3A_93] : memref<40x128xi32, #tpu.memory_space<vmem>> -> memref<1x128xi32, #tpu.memory_space<vmem>>
        %dma_start3A_95 = tpu.memref_squeeze %dma_start3A_94 : memref<1x128xi32, #tpu.memory_space<vmem>> -> memref<128xi32, #tpu.memory_space<vmem>>
        %dma_start3A_96 = arith.constant 0 : i32
        %dma_start3A_97 = arith.constant 0 : i32
        %dma_start3A_98 = tpu.memref_slice %arg2[%dma_start3A_96, %dma_start3A_97] : memref<10000x128xf32, #tpu.memory_space<hbm>> -> memref<10000x128xf32, #tpu.memory_space<hbm>>
        tpu.enqueue_indirect_dma source(%dma_start3A_98 : memref<10000x128xf32, #tpu.memory_space<hbm>>) target(%arg8 : memref<128x128xf32, #tpu.memory_space<vmem>>) offsets(%dma_start3A_95 : memref<128xi32, #tpu.memory_space<vmem>>) semaphore(%arg11 : memref<!tpu.dma_semaphore, #tpu.memory_space<semaphore_mem>>)
        "tpu.region"() ({
          %run_scoped3A_110 = tpu.sem_alloc : memref<!tpu.dma_semaphore, #tpu.memory_space<semaphore_mem>>
          %dma_start3A_111 = arith.constant 0 : i32
          %dma_start3A_112 = tpu.memref_slice %arg6[%mul3A_85, %dma_start3A_111] : memref<40x128xi32, #tpu.memory_space<vmem>> -> memref<1x128xi32, #tpu.memory_space<vmem>>
          %dma_start3A_113 = tpu.memref_squeeze %dma_start3A_112 : memref<1x128xi32, #tpu.memory_space<vmem>> -> memref<128xi32, #tpu.memory_space<vmem>>
          %dma_start3A_114 = arith.constant 0 : i32
          %dma_start3A_115 = arith.constant 0 : i32
          %dma_start3A_116 = tpu.memref_slice %arg9[%dma_start3A_114, %dma_start3A_115] : memref<10240x128xf32, #tpu.memory_space<vmem_shared>> -> memref<10240x128xf32, #tpu.memory_space<vmem_shared>>
          tpu.enqueue_indirect_dma source(%arg7 : memref<128x128xf32, #tpu.memory_space<vmem>>) target(%dma_start3A_116 : memref<10240x128xf32, #tpu.memory_space<vmem_shared>>) offsets(%dma_start3A_113 : memref<128xi32, #tpu.memory_space<vmem>>) semaphore(%run_scoped3A_110 : memref<!tpu.dma_semaphore, #tpu.memory_space<semaphore_mem>>) {add = true}
          %dma_wait3A_117 = arith.constant 0 : i32
          %dma_wait3A_118 = tpu.memref_slice %arg6[%mul3A_85, %dma_wait3A_117] : memref<40x128xi32, #tpu.memory_space<vmem>> -> memref<1x128xi32, #tpu.memory_space<vmem>>
          %dma_wait3A_119 = tpu.memref_squeeze %dma_wait3A_118 : memref<1x128xi32, #tpu.memory_space<vmem>> -> memref<128xi32, #tpu.memory_space<vmem>>
          %dma_wait3A_120 = arith.constant 0 : i32
          %dma_wait3A_121 = arith.constant 0 : i32
          %dma_wait3A_122 = tpu.memref_slice %arg9[%dma_wait3A_120, %dma_wait3A_121] : memref<10240x128xf32, #tpu.memory_space<vmem_shared>> -> memref<10240x128xf32, #tpu.memory_space<vmem_shared>>
          tpu.wait_indirect_dma semaphore(%run_scoped3A_110 : memref<!tpu.dma_semaphore, #tpu.memory_space<semaphore_mem>>) src(%arg7 : memref<128x128xf32, #tpu.memory_space<vmem>>) dst(%dma_wait3A_122 : memref<10240x128xf32, #tpu.memory_space<vmem_shared>>)
          tpu.yield
        }) : () -> ()
        %dma_wait3A_99 = arith.constant 0 : i32
        %dma_wait3A_100 = tpu.memref_slice %arg5[%add3A_87, %dma_wait3A_99] : memref<40x128xi32, #tpu.memory_space<vmem>> -> memref<1x128xi32, #tpu.memory_space<vmem>>
        %dma_wait3A_101 = tpu.memref_squeeze %dma_wait3A_100 : memref<1x128xi32, #tpu.memory_space<vmem>> -> memref<128xi32, #tpu.memory_space<vmem>>
        %dma_wait3A_102 = arith.constant 0 : i32
        %dma_wait3A_103 = arith.constant 0 : i32
        %dma_wait3A_104 = tpu.memref_slice %arg2[%dma_wait3A_102, %dma_wait3A_103] : memref<10000x128xf32, #tpu.memory_space<hbm>> -> memref<10000x128xf32, #tpu.memory_space<hbm>>
        tpu.wait_indirect_dma semaphore(%arg11 : memref<!tpu.dma_semaphore, #tpu.memory_space<semaphore_mem>>) src(%dma_wait3A_104 : memref<10000x128xf32, #tpu.memory_space<hbm>>) dst(%arg8 : memref<128x128xf32, #tpu.memory_space<vmem>>)
        %add3A_105 = arith.constant 1 : i32
        %add3A_106 = arith.addi %add3A_87, %add3A_105 : i32
        %lt3A = arith.cmpi slt, %add3A_106, %min3A_39 : i32
        %convert_element_type3A_107 = arith.extui %lt3A : i1 to i32
        %cond3A_108 = arith.constant 0 : i32
        %cond3A_109 = arith.cmpi ne, %convert_element_type3A_107, %cond3A_108 : i32
        scf.if %cond3A_109 {
          %add3A_110 = arith.constant 1 : i32
          %add3A_111 = arith.addi %add3A_87, %add3A_110 : i32
          %dma_start3A_112 = arith.constant 0 : i32
          %dma_start3A_113 = tpu.memref_slice %arg5[%add3A_111, %dma_start3A_112] : memref<40x128xi32, #tpu.memory_space<vmem>> -> memref<1x128xi32, #tpu.memory_space<vmem>>
          %dma_start3A_114 = tpu.memref_squeeze %dma_start3A_113 : memref<1x128xi32, #tpu.memory_space<vmem>> -> memref<128xi32, #tpu.memory_space<vmem>>
          %dma_start3A_115 = arith.constant 0 : i32
          %dma_start3A_116 = arith.constant 0 : i32
          %dma_start3A_117 = tpu.memref_slice %arg2[%dma_start3A_115, %dma_start3A_116] : memref<10000x128xf32, #tpu.memory_space<hbm>> -> memref<10000x128xf32, #tpu.memory_space<hbm>>
          tpu.enqueue_indirect_dma source(%dma_start3A_117 : memref<10000x128xf32, #tpu.memory_space<hbm>>) target(%arg7 : memref<128x128xf32, #tpu.memory_space<vmem>>) offsets(%dma_start3A_114 : memref<128xi32, #tpu.memory_space<vmem>>) semaphore(%arg10 : memref<!tpu.dma_semaphore, #tpu.memory_space<semaphore_mem>>)
        } else {
        }
        "tpu.region"() ({
          %run_scoped3A_110 = tpu.sem_alloc : memref<!tpu.dma_semaphore, #tpu.memory_space<semaphore_mem>>
          %dma_start3A_111 = arith.constant 0 : i32
          %dma_start3A_112 = tpu.memref_slice %arg6[%add3A_87, %dma_start3A_111] : memref<40x128xi32, #tpu.memory_space<vmem>> -> memref<1x128xi32, #tpu.memory_space<vmem>>
          %dma_start3A_113 = tpu.memref_squeeze %dma_start3A_112 : memref<1x128xi32, #tpu.memory_space<vmem>> -> memref<128xi32, #tpu.memory_space<vmem>>
          %dma_start3A_114 = arith.constant 0 : i32
          %dma_start3A_115 = arith.constant 0 : i32
          %dma_start3A_116 = tpu.memref_slice %arg9[%dma_start3A_114, %dma_start3A_115] : memref<10240x128xf32, #tpu.memory_space<vmem_shared>> -> memref<10240x128xf32, #tpu.memory_space<vmem_shared>>
          tpu.enqueue_indirect_dma source(%arg8 : memref<128x128xf32, #tpu.memory_space<vmem>>) target(%dma_start3A_116 : memref<10240x128xf32, #tpu.memory_space<vmem_shared>>) offsets(%dma_start3A_113 : memref<128xi32, #tpu.memory_space<vmem>>) semaphore(%run_scoped3A_110 : memref<!tpu.dma_semaphore, #tpu.memory_space<semaphore_mem>>) {add = true}
          %dma_wait3A_117 = arith.constant 0 : i32
          %dma_wait3A_118 = tpu.memref_slice %arg6[%add3A_87, %dma_wait3A_117] : memref<40x128xi32, #tpu.memory_space<vmem>> -> memref<1x128xi32, #tpu.memory_space<vmem>>
          %dma_wait3A_119 = tpu.memref_squeeze %dma_wait3A_118 : memref<1x128xi32, #tpu.memory_space<vmem>> -> memref<128xi32, #tpu.memory_space<vmem>>
          %dma_wait3A_120 = arith.constant 0 : i32
          %dma_wait3A_121 = arith.constant 0 : i32
          %dma_wait3A_122 = tpu.memref_slice %arg9[%dma_wait3A_120, %dma_wait3A_121] : memref<10240x128xf32, #tpu.memory_space<vmem_shared>> -> memref<10240x128xf32, #tpu.memory_space<vmem_shared>>
          tpu.wait_indirect_dma semaphore(%run_scoped3A_110 : memref<!tpu.dma_semaphore, #tpu.memory_space<semaphore_mem>>) src(%arg8 : memref<128x128xf32, #tpu.memory_space<vmem>>) dst(%dma_wait3A_122 : memref<10240x128xf32, #tpu.memory_space<vmem_shared>>)
          tpu.yield
        }) : () -> ()
      }
      %while3A_82 = arith.constant 1 : i32
      scf.for %while3A_83 = %while3A_80 to %while3A_76 step %while3A_82  : i32 {
        %mul3A_84 = arith.constant 2 : i32
        %mul3A_85 = arith.muli %mul3A_84, %while3A_83 : i32
        %add3A_86 = arith.constant 1 : i32
        %add3A_87 = arith.addi %mul3A_85, %add3A_86 : i32
        %dma_wait3A = arith.constant 0 : i32
        %dma_wait3A_88 = tpu.memref_slice %arg5[%mul3A_85, %dma_wait3A] : memref<40x128xi32, #tpu.memory_space<vmem>> -> memref<1x128xi32, #tpu.memory_space<vmem>>
        %dma_wait3A_89 = tpu.memref_squeeze %dma_wait3A_88 : memref<1x128xi32, #tpu.memory_space<vmem>> -> memref<128xi32, #tpu.memory_space<vmem>>
        %dma_wait3A_90 = arith.constant 0 : i32
        %dma_wait3A_91 = arith.constant 0 : i32
        %dma_wait3A_92 = tpu.memref_slice %arg2[%dma_wait3A_90, %dma_wait3A_91] : memref<10000x128xf32, #tpu.memory_space<hbm>> -> memref<10000x128xf32, #tpu.memory_space<hbm>>
        tpu.wait_indirect_dma semaphore(%arg10 : memref<!tpu.dma_semaphore, #tpu.memory_space<semaphore_mem>>) src(%dma_wait3A_92 : memref<10000x128xf32, #tpu.memory_space<hbm>>) dst(%arg7 : memref<128x128xf32, #tpu.memory_space<vmem>>)
        %dma_start3A_93 = arith.constant 0 : i32
        %dma_start3A_94 = tpu.memref_slice %arg5[%add3A_87, %dma_start3A_93] : memref<40x128xi32, #tpu.memory_space<vmem>> -> memref<1x128xi32, #tpu.memory_space<vmem>>
        %dma_start3A_95 = tpu.memref_squeeze %dma_start3A_94 : memref<1x128xi32, #tpu.memory_space<vmem>> -> memref<128xi32, #tpu.memory_space<vmem>>
        %dma_start3A_96 = arith.constant 0 : i32
        %dma_start3A_97 = arith.constant 0 : i32
        %dma_start3A_98 = tpu.memref_slice %arg2[%dma_start3A_96, %dma_start3A_97] : memref<10000x128xf32, #tpu.memory_space<hbm>> -> memref<10000x128xf32, #tpu.memory_space<hbm>>
        tpu.enqueue_indirect_dma source(%dma_start3A_98 : memref<10000x128xf32, #tpu.memory_space<hbm>>) target(%arg8 : memref<128x128xf32, #tpu.memory_space<vmem>>) offsets(%dma_start3A_95 : memref<128xi32, #tpu.memory_space<vmem>>) semaphore(%arg11 : memref<!tpu.dma_semaphore, #tpu.memory_space<semaphore_mem>>)
        "tpu.region"() ({
          %run_scoped3A_110 = tpu.sem_alloc : memref<!tpu.dma_semaphore, #tpu.memory_space<semaphore_mem>>
          %dma_start3A_111 = arith.constant 0 : i32
          %dma_start3A_112 = tpu.memref_slice %arg6[%mul3A_85, %dma_start3A_111] : memref<40x128xi32, #tpu.memory_space<vmem>> -> memref<1x128xi32, #tpu.memory_space<vmem>>
          %dma_start3A_113 = tpu.memref_squeeze %dma_start3A_112 : memref<1x128xi32, #tpu.memory_space<vmem>> -> memref<128xi32, #tpu.memory_space<vmem>>
          %dma_start3A_114 = arith.constant 0 : i32
          %dma_start3A_115 = arith.constant 0 : i32
          %dma_start3A_116 = tpu.memref_slice %arg9[%dma_start3A_114, %dma_start3A_115] : memref<10240x128xf32, #tpu.memory_space<vmem_shared>> -> memref<10240x128xf32, #tpu.memory_space<vmem_shared>>
          tpu.enqueue_indirect_dma source(%arg7 : memref<128x128xf32, #tpu.memory_space<vmem>>) target(%dma_start3A_116 : memref<10240x128xf32, #tpu.memory_space<vmem_shared>>) offsets(%dma_start3A_113 : memref<128xi32, #tpu.memory_space<vmem>>) semaphore(%run_scoped3A_110 : memref<!tpu.dma_semaphore, #tpu.memory_space<semaphore_mem>>) {add = true}
          %dma_wait3A_117 = arith.constant 0 : i32
          %dma_wait3A_118 = tpu.memref_slice %arg6[%mul3A_85, %dma_wait3A_117] : memref<40x128xi32, #tpu.memory_space<vmem>> -> memref<1x128xi32, #tpu.memory_space<vmem>>
          %dma_wait3A_119 = tpu.memref_squeeze %dma_wait3A_118 : memref<1x128xi32, #tpu.memory_space<vmem>> -> memref<128xi32, #tpu.memory_space<vmem>>
          %dma_wait3A_120 = arith.constant 0 : i32
          %dma_wait3A_121 = arith.constant 0 : i32
          %dma_wait3A_122 = tpu.memref_slice %arg9[%dma_wait3A_120, %dma_wait3A_121] : memref<10240x128xf32, #tpu.memory_space<vmem_shared>> -> memref<10240x128xf32, #tpu.memory_space<vmem_shared>>
          tpu.wait_indirect_dma semaphore(%run_scoped3A_110 : memref<!tpu.dma_semaphore, #tpu.memory_space<semaphore_mem>>) src(%arg7 : memref<128x128xf32, #tpu.memory_space<vmem>>) dst(%dma_wait3A_122 : memref<10240x128xf32, #tpu.memory_space<vmem_shared>>)
          tpu.yield
        }) : () -> ()
        %dma_wait3A_99 = arith.constant 0 : i32
        %dma_wait3A_100 = tpu.memref_slice %arg5[%add3A_87, %dma_wait3A_99] : memref<40x128xi32, #tpu.memory_space<vmem>> -> memref<1x128xi32, #tpu.memory_space<vmem>>
        %dma_wait3A_101 = tpu.memref_squeeze %dma_wait3A_100 : memref<1x128xi32, #tpu.memory_space<vmem>> -> memref<128xi32, #tpu.memory_space<vmem>>
        %dma_wait3A_102 = arith.constant 0 : i32
        %dma_wait3A_103 = arith.constant 0 : i32
        %dma_wait3A_104 = tpu.memref_slice %arg2[%dma_wait3A_102, %dma_wait3A_103] : memref<10000x128xf32, #tpu.memory_space<hbm>> -> memref<10000x128xf32, #tpu.memory_space<hbm>>
        tpu.wait_indirect_dma semaphore(%arg11 : memref<!tpu.dma_semaphore, #tpu.memory_space<semaphore_mem>>) src(%dma_wait3A_104 : memref<10000x128xf32, #tpu.memory_space<hbm>>) dst(%arg8 : memref<128x128xf32, #tpu.memory_space<vmem>>)
        %add3A_105 = arith.constant 1 : i32
        %add3A_106 = arith.addi %add3A_87, %add3A_105 : i32
        %lt3A = arith.cmpi slt, %add3A_106, %min3A_39 : i32
        %convert_element_type3A_107 = arith.extui %lt3A : i1 to i32
        %cond3A_108 = arith.constant 0 : i32
        %cond3A_109 = arith.cmpi ne, %convert_element_type3A_107, %cond3A_108 : i32
        scf.if %cond3A_109 {
          %add3A_110 = arith.constant 1 : i32
          %add3A_111 = arith.addi %add3A_87, %add3A_110 : i32
          %dma_start3A_112 = arith.constant 0 : i32
          %dma_start3A_113 = tpu.memref_slice %arg5[%add3A_111, %dma_start3A_112] : memref<40x128xi32, #tpu.memory_space<vmem>> -> memref<1x128xi32, #tpu.memory_space<vmem>>
          %dma_start3A_114 = tpu.memref_squeeze %dma_start3A_113 : memref<1x128xi32, #tpu.memory_space<vmem>> -> memref<128xi32, #tpu.memory_space<vmem>>
          %dma_start3A_115 = arith.constant 0 : i32
          %dma_start3A_116 = arith.constant 0 : i32
          %dma_start3A_117 = tpu.memref_slice %arg2[%dma_start3A_115, %dma_start3A_116] : memref<10000x128xf32, #tpu.memory_space<hbm>> -> memref<10000x128xf32, #tpu.memory_space<hbm>>
          tpu.enqueue_indirect_dma source(%dma_start3A_117 : memref<10000x128xf32, #tpu.memory_space<hbm>>) target(%arg7 : memref<128x128xf32, #tpu.memory_space<vmem>>) offsets(%dma_start3A_114 : memref<128xi32, #tpu.memory_space<vmem>>) semaphore(%arg10 : memref<!tpu.dma_semaphore, #tpu.memory_space<semaphore_mem>>)
        } else {
        }
        "tpu.region"() ({
          %run_scoped3A_110 = tpu.sem_alloc : memref<!tpu.dma_semaphore, #tpu.memory_space<semaphore_mem>>
          %dma_start3A_111 = arith.constant 0 : i32
          %dma_start3A_112 = tpu.memref_slice %arg6[%add3A_87, %dma_start3A_111] : memref<40x128xi32, #tpu.memory_space<vmem>> -> memref<1x128xi32, #tpu.memory_space<vmem>>
          %dma_start3A_113 = tpu.memref_squeeze %dma_start3A_112 : memref<1x128xi32, #tpu.memory_space<vmem>> -> memref<128xi32, #tpu.memory_space<vmem>>
          %dma_start3A_114 = arith.constant 0 : i32
          %dma_start3A_115 = arith.constant 0 : i32
          %dma_start3A_116 = tpu.memref_slice %arg9[%dma_start3A_114, %dma_start3A_115] : memref<10240x128xf32, #tpu.memory_space<vmem_shared>> -> memref<10240x128xf32, #tpu.memory_space<vmem_shared>>
          tpu.enqueue_indirect_dma source(%arg8 : memref<128x128xf32, #tpu.memory_space<vmem>>) target(%dma_start3A_116 : memref<10240x128xf32, #tpu.memory_space<vmem_shared>>) offsets(%dma_start3A_113 : memref<128xi32, #tpu.memory_space<vmem>>) semaphore(%run_scoped3A_110 : memref<!tpu.dma_semaphore, #tpu.memory_space<semaphore_mem>>) {add = true}
          %dma_wait3A_117 = arith.constant 0 : i32
          %dma_wait3A_118 = tpu.memref_slice %arg6[%add3A_87, %dma_wait3A_117] : memref<40x128xi32, #tpu.memory_space<vmem>> -> memref<1x128xi32, #tpu.memory_space<vmem>>
          %dma_wait3A_119 = tpu.memref_squeeze %dma_wait3A_118 : memref<1x128xi32, #tpu.memory_space<vmem>> -> memref<128xi32, #tpu.memory_space<vmem>>
          %dma_wait3A_120 = arith.constant 0 : i32
          %dma_wait3A_121 = arith.constant 0 : i32
          %dma_wait3A_122 = tpu.memref_slice %arg9[%dma_wait3A_120, %dma_wait3A_121] : memref<10240x128xf32, #tpu.memory_space<vmem_shared>> -> memref<10240x128xf32, #tpu.memory_space<vmem_shared>>
          tpu.wait_indirect_dma semaphore(%run_scoped3A_110 : memref<!tpu.dma_semaphore, #tpu.memory_space<semaphore_mem>>) src(%arg8 : memref<128x128xf32, #tpu.memory_space<vmem>>) dst(%dma_wait3A_122 : memref<10240x128xf32, #tpu.memory_space<vmem_shared>>)
          tpu.yield
        }) : () -> ()
      }
    } else {
    }
    %barrier3A_45 = arith.constant 0 : index
    tpu.barrier barrier_id(%barrier3A_45)
    "tpu.region"() ({
      %run_scoped3A = tpu.sem_alloc : memref<!tpu.dma_semaphore, #tpu.memory_space<semaphore_mem>>
      %dma_start3A = arith.constant 0 : i32
      %dma_start3A_46 = tpu.memref_slice %arg4[%arg0, %multiple_of3A, %dma_start3A] : memref<2x10240x128xf32, #tpu.memory_space<hbm>> -> memref<1x640x128xf32, #tpu.memory_space<hbm>>
      %dma_start3A_47 = tpu.memref_squeeze %dma_start3A_46 : memref<1x640x128xf32, #tpu.memory_space<hbm>> -> memref<640x128xf32, #tpu.memory_space<hbm>>
      %dma_start3A_48 = arith.constant 0 : i32
      %dma_start3A_49 = tpu.memref_slice %arg9[%multiple_of3A, %dma_start3A_48] : memref<10240x128xf32, #tpu.memory_space<vmem_shared>> -> memref<640x128xf32, #tpu.memory_space<vmem_shared>>
      tpu.enqueue_dma source(%dma_start3A_49 : memref<640x128xf32, #tpu.memory_space<vmem_shared>>) target(%dma_start3A_47 : memref<640x128xf32, #tpu.memory_space<hbm>>) target_semaphore(%run_scoped3A : memref<!tpu.dma_semaphore, #tpu.memory_space<semaphore_mem>>)
      %dma_wait3A = arith.constant 0 : i32
      %dma_wait3A_50 = tpu.memref_slice %arg4[%arg0, %multiple_of3A, %dma_wait3A] : memref<2x10240x128xf32, #tpu.memory_space<hbm>> -> memref<1x640x128xf32, #tpu.memory_space<hbm>>
      %dma_wait3A_51 = tpu.memref_squeeze %dma_wait3A_50 : memref<1x640x128xf32, #tpu.memory_space<hbm>> -> memref<640x128xf32, #tpu.memory_space<hbm>>
      %dma_wait3A_52 = arith.constant 0 : i32
      %dma_wait3A_53 = tpu.memref_slice %arg9[%multiple_of3A, %dma_wait3A_52] : memref<10240x128xf32, #tpu.memory_space<vmem_shared>> -> memref<640x128xf32, #tpu.memory_space<vmem_shared>>
      tpu.wait_dma2 semaphore(%run_scoped3A : memref<!tpu.dma_semaphore, #tpu.memory_space<semaphore_mem>>) src(%dma_wait3A_53 : memref<640x128xf32, #tpu.memory_space<vmem_shared>>) dst(%dma_wait3A_51 : memref<640x128xf32, #tpu.memory_space<hbm>>)
      tpu.yield
    }) : () -> ()
    return
  }
}

#map = affine_map<(d0, d1) -> (0, 0, 0)>
#map1 = affine_map<(d0, d1) -> (0, 0, 0, 0)>
module attributes {stable_mosaic.version = 14 : i64} {
  func.func @deg_kernel(%arg0: i32, %arg1: i32, %arg2: memref<2x2560x128xi32, #tpu.memory_space<hbm>>, %arg3: memref<2x16x2x10000xf32, #tpu.memory_space<hbm>>, %arg4: memref<80x128xi32, #tpu.memory_space<vmem>>, %arg5: memref<80x128xi32, #tpu.memory_space<vmem>>, %arg6: memref<10000xf32, #tpu.memory_space<vmem>>, %arg7: memref<10000xf32, #tpu.memory_space<vmem>>, %arg8: memref<!tpu.dma_semaphore, #tpu.memory_space<semaphore_mem>>, %arg9: memref<!tpu.dma_semaphore, #tpu.memory_space<semaphore_mem>>) attributes {dimension_semantics = [#tpu.dimension_semantics<core_parallel>, #tpu.dimension_semantics<subcore_parallel>], iteration_bounds = array<i64: 2, 16>, scalar_prefetch = 0 : i64, scratch_operands = 6 : i64, tpu.core_type = #tpu.core_type<sc_vector_subcore>, window_params = [{transform_indices = #map}, {transform_indices = #map1}]} {
    %mul3A = arith.constant 16 : i32
    %mul3A_0 = arith.muli %arg0, %mul3A : i32
    %add3A = arith.addi %mul3A_0, %arg1 : i32
    %mul3A_1 = arith.constant 80 : i32
    %mul3A_2 = arith.muli %add3A, %mul3A_1 : i32
    %multiple_of3A = tpu.assume_multiple %mul3A_2, 8 : i32
    %mul3A_3 = arith.constant 80 : i32
    %mul3A_4 = arith.muli %add3A, %mul3A_3 : i32
    %sub3A = arith.constant 2500 : i32
    %sub3A_5 = arith.subi %sub3A, %mul3A_4 : i32
    %max3A = arith.constant 0 : i32
    %max3A_6 = arith.maxsi %sub3A_5, %max3A : i32
    %min3A = arith.constant 80 : i32
    %min3A_7 = arith.minsi %min3A, %max3A_6 : i32
    %dma_start3A = arith.constant 0 : i32
    %dma_start3A_8 = arith.constant 0 : i32
    %dma_start3A_9 = tpu.memref_slice %arg2[%dma_start3A, %multiple_of3A, %dma_start3A_8] : memref<2x2560x128xi32, #tpu.memory_space<hbm>> -> memref<1x80x128xi32, #tpu.memory_space<hbm>>
    %dma_start3A_10 = tpu.memref_squeeze %dma_start3A_9 : memref<1x80x128xi32, #tpu.memory_space<hbm>> -> memref<80x128xi32, #tpu.memory_space<hbm>>
    %dma_start3A_11 = arith.constant 0 : i32
    %dma_start3A_12 = tpu.memref_slice %arg2[%dma_start3A, %multiple_of3A, %dma_start3A_11] : memref<2x2560x128xi32, #tpu.memory_space<hbm>> -> memref<1x80x128xi32, #tpu.memory_space<hbm>>
    %dma_start3A_13 = tpu.memref_squeeze %dma_start3A_12 : memref<1x80x128xi32, #tpu.memory_space<hbm>> -> memref<80x128xi32, #tpu.memory_space<hbm>>
    tpu.enqueue_dma source(%dma_start3A_13 : memref<80x128xi32, #tpu.memory_space<hbm>>) target(%arg4 : memref<80x128xi32, #tpu.memory_space<vmem>>) target_semaphore(%arg8 : memref<!tpu.dma_semaphore, #tpu.memory_space<semaphore_mem>>)
    %dma_start3A_14 = arith.constant 1 : i32
    %dma_start3A_15 = arith.constant 0 : i32
    %dma_start3A_16 = tpu.memref_slice %arg2[%dma_start3A_14, %multiple_of3A, %dma_start3A_15] : memref<2x2560x128xi32, #tpu.memory_space<hbm>> -> memref<1x80x128xi32, #tpu.memory_space<hbm>>
    %dma_start3A_17 = tpu.memref_squeeze %dma_start3A_16 : memref<1x80x128xi32, #tpu.memory_space<hbm>> -> memref<80x128xi32, #tpu.memory_space<hbm>>
    %dma_start3A_18 = arith.constant 0 : i32
    %dma_start3A_19 = tpu.memref_slice %arg2[%dma_start3A_14, %multiple_of3A, %dma_start3A_18] : memref<2x2560x128xi32, #tpu.memory_space<hbm>> -> memref<1x80x128xi32, #tpu.memory_space<hbm>>
    %dma_start3A_20 = tpu.memref_squeeze %dma_start3A_19 : memref<1x80x128xi32, #tpu.memory_space<hbm>> -> memref<80x128xi32, #tpu.memory_space<hbm>>
    tpu.enqueue_dma source(%dma_start3A_20 : memref<80x128xi32, #tpu.memory_space<hbm>>) target(%arg5 : memref<80x128xi32, #tpu.memory_space<vmem>>) target_semaphore(%arg9 : memref<!tpu.dma_semaphore, #tpu.memory_space<semaphore_mem>>)
    %broadcast_in_dim3A = arith.constant 0.000000e+00 : f32
    %broadcast_in_dim3A_21 = vector.broadcast %broadcast_in_dim3A : f32 to vector<16xf32>
    %scan3A = arith.constant 0 : i32
    %scan3A_22 = arith.constant 0 : i32
    %scan3A_23 = arith.constant 625 : i32
    %scan3A_24 = arith.addi %scan3A_22, %scan3A_23 : i32
    %scan3A_25 = arith.constant 1 : i32
    scf.for %scan3A_52 = %scan3A_22 to %scan3A_24 step %scan3A_25  : i32 {
      %mul3A_53 = arith.constant 16 : i32
      %mul3A_54 = arith.muli %scan3A_52, %mul3A_53 : i32
      %swap3A = arith.index_cast %mul3A_54 : i32 to index
      %swap3A_55 = tpu.vector_load %arg6[%swap3A] {strides = array<i32>} : memref<10000xf32, #tpu.memory_space<vmem>>, vector<16xf32>,
      tpu.vector_store %arg6[%swap3A], %broadcast_in_dim3A_21 {strides = array<i32>} : memref<10000xf32, #tpu.memory_space<vmem>>, vector<16xf32>,
      %mul3A_56 = arith.constant 16 : i32
      %mul3A_57 = arith.muli %scan3A_52, %mul3A_56 : i32
      %swap3A_58 = arith.index_cast %mul3A_57 : i32 to index
      %swap3A_59 = tpu.vector_load %arg7[%swap3A_58] {strides = array<i32>} : memref<10000xf32, #tpu.memory_space<vmem>>, vector<16xf32>,
      tpu.vector_store %arg7[%swap3A_58], %broadcast_in_dim3A_21 {strides = array<i32>} : memref<10000xf32, #tpu.memory_space<vmem>>, vector<16xf32>,
    }
    %scan3A_26 = arith.constant 625 : i32
    %dma_wait3A = arith.constant 0 : i32
    %dma_wait3A_27 = arith.constant 0 : i32
    %dma_wait3A_28 = tpu.memref_slice %arg2[%dma_wait3A, %multiple_of3A, %dma_wait3A_27] : memref<2x2560x128xi32, #tpu.memory_space<hbm>> -> memref<1x80x128xi32, #tpu.memory_space<hbm>>
    %dma_wait3A_29 = tpu.memref_squeeze %dma_wait3A_28 : memref<1x80x128xi32, #tpu.memory_space<hbm>> -> memref<80x128xi32, #tpu.memory_space<hbm>>
    %dma_wait3A_30 = arith.constant 0 : i32
    %dma_wait3A_31 = tpu.memref_slice %arg2[%dma_wait3A, %multiple_of3A, %dma_wait3A_30] : memref<2x2560x128xi32, #tpu.memory_space<hbm>> -> memref<1x80x128xi32, #tpu.memory_space<hbm>>
    %dma_wait3A_32 = tpu.memref_squeeze %dma_wait3A_31 : memref<1x80x128xi32, #tpu.memory_space<hbm>> -> memref<80x128xi32, #tpu.memory_space<hbm>>
    tpu.wait_dma2 semaphore(%arg8 : memref<!tpu.dma_semaphore, #tpu.memory_space<semaphore_mem>>) src(%dma_wait3A_32 : memref<80x128xi32, #tpu.memory_space<hbm>>) dst(%arg4 : memref<80x128xi32, #tpu.memory_space<vmem>>)
    %dma_wait3A_33 = arith.constant 1 : i32
    %dma_wait3A_34 = arith.constant 0 : i32
    %dma_wait3A_35 = tpu.memref_slice %arg2[%dma_wait3A_33, %multiple_of3A, %dma_wait3A_34] : memref<2x2560x128xi32, #tpu.memory_space<hbm>> -> memref<1x80x128xi32, #tpu.memory_space<hbm>>
    %dma_wait3A_36 = tpu.memref_squeeze %dma_wait3A_35 : memref<1x80x128xi32, #tpu.memory_space<hbm>> -> memref<80x128xi32, #tpu.memory_space<hbm>>
    %dma_wait3A_37 = arith.constant 0 : i32
    %dma_wait3A_38 = tpu.memref_slice %arg2[%dma_wait3A_33, %multiple_of3A, %dma_wait3A_37] : memref<2x2560x128xi32, #tpu.memory_space<hbm>> -> memref<1x80x128xi32, #tpu.memory_space<hbm>>
    %dma_wait3A_39 = tpu.memref_squeeze %dma_wait3A_38 : memref<1x80x128xi32, #tpu.memory_space<hbm>> -> memref<80x128xi32, #tpu.memory_space<hbm>>
    tpu.wait_dma2 semaphore(%arg9 : memref<!tpu.dma_semaphore, #tpu.memory_space<semaphore_mem>>) src(%dma_wait3A_39 : memref<80x128xi32, #tpu.memory_space<hbm>>) dst(%arg5 : memref<80x128xi32, #tpu.memory_space<vmem>>)
    %broadcast_in_dim3A_40 = arith.constant 1.000000e+00 : f32
    %broadcast_in_dim3A_41 = vector.broadcast %broadcast_in_dim3A_40 : f32 to vector<16xf32>
    %while3A = arith.constant 0 : i32
    %while3A_42 = arith.constant 0 : i32
    %while3A_43 = arith.subi %min3A_7, %while3A_42 : i32
    %while3A_44 = arith.addi %while3A_42, %while3A_43 : i32
    %while3A_45 = arith.constant 1 : i32
    %while3A_46 = arith.divsi %while3A_43, %while3A_45 : i32
    %while3A_47 = arith.muli %while3A_46, %while3A_45 : i32
    %while3A_48 = arith.addi %while3A_42, %while3A_47 : i32
    %while3A_49 = arith.constant 1 : i32
    scf.for %while3A_52 = %while3A_42 to %while3A_48 step %while3A_49  : i32 {
      %get3A = arith.index_cast %while3A_52 : i32 to index
      %get3A_53 = arith.constant 0 : index
      %get3A_54 = tpu.vector_load %arg4[%get3A, %get3A_53] {strides = array<i32>} : memref<80x128xi32, #tpu.memory_space<vmem>>, vector<16xi32>,
      tpu.vector_store_idx %arg6[%get3A_54], %broadcast_in_dim3A_41 {add = true} : memref<10000xf32, #tpu.memory_space<vmem>>[vector<16xi32>], vector<16xf32>,
      %get3A_55 = arith.index_cast %while3A_52 : i32 to index
      %get3A_56 = arith.constant 0 : index
      %get3A_57 = tpu.vector_load %arg5[%get3A_55, %get3A_56] {strides = array<i32>} : memref<80x128xi32, #tpu.memory_space<vmem>>, vector<16xi32>,
      tpu.vector_store_idx %arg7[%get3A_57], %broadcast_in_dim3A_41 {add = true} : memref<10000xf32, #tpu.memory_space<vmem>>[vector<16xi32>], vector<16xf32>,
      %get3A_58 = arith.index_cast %while3A_52 : i32 to index
      %get3A_59 = arith.constant 16 : index
      %get3A_60 = tpu.vector_load %arg4[%get3A_58, %get3A_59] {strides = array<i32>} : memref<80x128xi32, #tpu.memory_space<vmem>>, vector<16xi32>,
      tpu.vector_store_idx %arg6[%get3A_60], %broadcast_in_dim3A_41 {add = true} : memref<10000xf32, #tpu.memory_space<vmem>>[vector<16xi32>], vector<16xf32>,
      %get3A_61 = arith.index_cast %while3A_52 : i32 to index
      %get3A_62 = arith.constant 16 : index
      %get3A_63 = tpu.vector_load %arg5[%get3A_61, %get3A_62] {strides = array<i32>} : memref<80x128xi32, #tpu.memory_space<vmem>>, vector<16xi32>,
      tpu.vector_store_idx %arg7[%get3A_63], %broadcast_in_dim3A_41 {add = true} : memref<10000xf32, #tpu.memory_space<vmem>>[vector<16xi32>], vector<16xf32>,
      %get3A_64 = arith.index_cast %while3A_52 : i32 to index
      %get3A_65 = arith.constant 32 : index
      %get3A_66 = tpu.vector_load %arg4[%get3A_64, %get3A_65] {strides = array<i32>} : memref<80x128xi32, #tpu.memory_space<vmem>>, vector<16xi32>,
      tpu.vector_store_idx %arg6[%get3A_66], %broadcast_in_dim3A_41 {add = true} : memref<10000xf32, #tpu.memory_space<vmem>>[vector<16xi32>], vector<16xf32>,
      %get3A_67 = arith.index_cast %while3A_52 : i32 to index
      %get3A_68 = arith.constant 32 : index
      %get3A_69 = tpu.vector_load %arg5[%get3A_67, %get3A_68] {strides = array<i32>} : memref<80x128xi32, #tpu.memory_space<vmem>>, vector<16xi32>,
      tpu.vector_store_idx %arg7[%get3A_69], %broadcast_in_dim3A_41 {add = true} : memref<10000xf32, #tpu.memory_space<vmem>>[vector<16xi32>], vector<16xf32>,
      %get3A_70 = arith.index_cast %while3A_52 : i32 to index
      %get3A_71 = arith.constant 48 : index
      %get3A_72 = tpu.vector_load %arg4[%get3A_70, %get3A_71] {strides = array<i32>} : memref<80x128xi32, #tpu.memory_space<vmem>>, vector<16xi32>,
      tpu.vector_store_idx %arg6[%get3A_72], %broadcast_in_dim3A_41 {add = true} : memref<10000xf32, #tpu.memory_space<vmem>>[vector<16xi32>], vector<16xf32>,
      %get3A_73 = arith.index_cast %while3A_52 : i32 to index
      %get3A_74 = arith.constant 48 : index
      %get3A_75 = tpu.vector_load %arg5[%get3A_73, %get3A_74] {strides = array<i32>} : memref<80x128xi32, #tpu.memory_space<vmem>>, vector<16xi32>,
      tpu.vector_store_idx %arg7[%get3A_75], %broadcast_in_dim3A_41 {add = true} : memref<10000xf32, #tpu.memory_space<vmem>>[vector<16xi32>], vector<16xf32>,
      %get3A_76 = arith.index_cast %while3A_52 : i32 to index
      %get3A_77 = arith.constant 64 : index
      %get3A_78 = tpu.vector_load %arg4[%get3A_76, %get3A_77] {strides = array<i32>} : memref<80x128xi32, #tpu.memory_space<vmem>>, vector<16xi32>,
      tpu.vector_store_idx %arg6[%get3A_78], %broadcast_in_dim3A_41 {add = true} : memref<10000xf32, #tpu.memory_space<vmem>>[vector<16xi32>], vector<16xf32>,
      %get3A_79 = arith.index_cast %while3A_52 : i32 to index
      %get3A_80 = arith.constant 64 : index
      %get3A_81 = tpu.vector_load %arg5[%get3A_79, %get3A_80] {strides = array<i32>} : memref<80x128xi32, #tpu.memory_space<vmem>>, vector<16xi32>,
      tpu.vector_store_idx %arg7[%get3A_81], %broadcast_in_dim3A_41 {add = true} : memref<10000xf32, #tpu.memory_space<vmem>>[vector<16xi32>], vector<16xf32>,
      %get3A_82 = arith.index_cast %while3A_52 : i32 to index
      %get3A_83 = arith.constant 80 : index
      %get3A_84 = tpu.vector_load %arg4[%get3A_82, %get3A_83] {strides = array<i32>} : memref<80x128xi32, #tpu.memory_space<vmem>>, vector<16xi32>,
      tpu.vector_store_idx %arg6[%get3A_84], %broadcast_in_dim3A_41 {add = true} : memref<10000xf32, #tpu.memory_space<vmem>>[vector<16xi32>], vector<16xf32>,
      %get3A_85 = arith.index_cast %while3A_52 : i32 to index
      %get3A_86 = arith.constant 80 : index
      %get3A_87 = tpu.vector_load %arg5[%get3A_85, %get3A_86] {strides = array<i32>} : memref<80x128xi32, #tpu.memory_space<vmem>>, vector<16xi32>,
      tpu.vector_store_idx %arg7[%get3A_87], %broadcast_in_dim3A_41 {add = true} : memref<10000xf32, #tpu.memory_space<vmem>>[vector<16xi32>], vector<16xf32>,
      %get3A_88 = arith.index_cast %while3A_52 : i32 to index
      %get3A_89 = arith.constant 96 : index
      %get3A_90 = tpu.vector_load %arg4[%get3A_88, %get3A_89] {strides = array<i32>} : memref<80x128xi32, #tpu.memory_space<vmem>>, vector<16xi32>,
      tpu.vector_store_idx %arg6[%get3A_90], %broadcast_in_dim3A_41 {add = true} : memref<10000xf32, #tpu.memory_space<vmem>>[vector<16xi32>], vector<16xf32>,
      %get3A_91 = arith.index_cast %while3A_52 : i32 to index
      %get3A_92 = arith.constant 96 : index
      %get3A_93 = tpu.vector_load %arg5[%get3A_91, %get3A_92] {strides = array<i32>} : memref<80x128xi32, #tpu.memory_space<vmem>>, vector<16xi32>,
      tpu.vector_store_idx %arg7[%get3A_93], %broadcast_in_dim3A_41 {add = true} : memref<10000xf32, #tpu.memory_space<vmem>>[vector<16xi32>], vector<16xf32>,
      %get3A_94 = arith.index_cast %while3A_52 : i32 to index
      %get3A_95 = arith.constant 112 : index
      %get3A_96 = tpu.vector_load %arg4[%get3A_94, %get3A_95] {strides = array<i32>} : memref<80x128xi32, #tpu.memory_space<vmem>>, vector<16xi32>,
      tpu.vector_store_idx %arg6[%get3A_96], %broadcast_in_dim3A_41 {add = true} : memref<10000xf32, #tpu.memory_space<vmem>>[vector<16xi32>], vector<16xf32>,
      %get3A_97 = arith.index_cast %while3A_52 : i32 to index
      %get3A_98 = arith.constant 112 : index
      %get3A_99 = tpu.vector_load %arg5[%get3A_97, %get3A_98] {strides = array<i32>} : memref<80x128xi32, #tpu.memory_space<vmem>>, vector<16xi32>,
      tpu.vector_store_idx %arg7[%get3A_99], %broadcast_in_dim3A_41 {add = true} : memref<10000xf32, #tpu.memory_space<vmem>>[vector<16xi32>], vector<16xf32>,
    }
    %while3A_50 = arith.constant 1 : i32
    scf.for %while3A_52 = %while3A_48 to %while3A_44 step %while3A_50  : i32 {
      %get3A = arith.index_cast %while3A_52 : i32 to index
      %get3A_53 = arith.constant 0 : index
      %get3A_54 = tpu.vector_load %arg4[%get3A, %get3A_53] {strides = array<i32>} : memref<80x128xi32, #tpu.memory_space<vmem>>, vector<16xi32>,
      tpu.vector_store_idx %arg6[%get3A_54], %broadcast_in_dim3A_41 {add = true} : memref<10000xf32, #tpu.memory_space<vmem>>[vector<16xi32>], vector<16xf32>,
      %get3A_55 = arith.index_cast %while3A_52 : i32 to index
      %get3A_56 = arith.constant 0 : index
      %get3A_57 = tpu.vector_load %arg5[%get3A_55, %get3A_56] {strides = array<i32>} : memref<80x128xi32, #tpu.memory_space<vmem>>, vector<16xi32>,
      tpu.vector_store_idx %arg7[%get3A_57], %broadcast_in_dim3A_41 {add = true} : memref<10000xf32, #tpu.memory_space<vmem>>[vector<16xi32>], vector<16xf32>,
      %get3A_58 = arith.index_cast %while3A_52 : i32 to index
      %get3A_59 = arith.constant 16 : index
      %get3A_60 = tpu.vector_load %arg4[%get3A_58, %get3A_59] {strides = array<i32>} : memref<80x128xi32, #tpu.memory_space<vmem>>, vector<16xi32>,
      tpu.vector_store_idx %arg6[%get3A_60], %broadcast_in_dim3A_41 {add = true} : memref<10000xf32, #tpu.memory_space<vmem>>[vector<16xi32>], vector<16xf32>,
      %get3A_61 = arith.index_cast %while3A_52 : i32 to index
      %get3A_62 = arith.constant 16 : index
      %get3A_63 = tpu.vector_load %arg5[%get3A_61, %get3A_62] {strides = array<i32>} : memref<80x128xi32, #tpu.memory_space<vmem>>, vector<16xi32>,
      tpu.vector_store_idx %arg7[%get3A_63], %broadcast_in_dim3A_41 {add = true} : memref<10000xf32, #tpu.memory_space<vmem>>[vector<16xi32>], vector<16xf32>,
      %get3A_64 = arith.index_cast %while3A_52 : i32 to index
      %get3A_65 = arith.constant 32 : index
      %get3A_66 = tpu.vector_load %arg4[%get3A_64, %get3A_65] {strides = array<i32>} : memref<80x128xi32, #tpu.memory_space<vmem>>, vector<16xi32>,
      tpu.vector_store_idx %arg6[%get3A_66], %broadcast_in_dim3A_41 {add = true} : memref<10000xf32, #tpu.memory_space<vmem>>[vector<16xi32>], vector<16xf32>,
      %get3A_67 = arith.index_cast %while3A_52 : i32 to index
      %get3A_68 = arith.constant 32 : index
      %get3A_69 = tpu.vector_load %arg5[%get3A_67, %get3A_68] {strides = array<i32>} : memref<80x128xi32, #tpu.memory_space<vmem>>, vector<16xi32>,
      tpu.vector_store_idx %arg7[%get3A_69], %broadcast_in_dim3A_41 {add = true} : memref<10000xf32, #tpu.memory_space<vmem>>[vector<16xi32>], vector<16xf32>,
      %get3A_70 = arith.index_cast %while3A_52 : i32 to index
      %get3A_71 = arith.constant 48 : index
      %get3A_72 = tpu.vector_load %arg4[%get3A_70, %get3A_71] {strides = array<i32>} : memref<80x128xi32, #tpu.memory_space<vmem>>, vector<16xi32>,
      tpu.vector_store_idx %arg6[%get3A_72], %broadcast_in_dim3A_41 {add = true} : memref<10000xf32, #tpu.memory_space<vmem>>[vector<16xi32>], vector<16xf32>,
      %get3A_73 = arith.index_cast %while3A_52 : i32 to index
      %get3A_74 = arith.constant 48 : index
      %get3A_75 = tpu.vector_load %arg5[%get3A_73, %get3A_74] {strides = array<i32>} : memref<80x128xi32, #tpu.memory_space<vmem>>, vector<16xi32>,
      tpu.vector_store_idx %arg7[%get3A_75], %broadcast_in_dim3A_41 {add = true} : memref<10000xf32, #tpu.memory_space<vmem>>[vector<16xi32>], vector<16xf32>,
      %get3A_76 = arith.index_cast %while3A_52 : i32 to index
      %get3A_77 = arith.constant 64 : index
      %get3A_78 = tpu.vector_load %arg4[%get3A_76, %get3A_77] {strides = array<i32>} : memref<80x128xi32, #tpu.memory_space<vmem>>, vector<16xi32>,
      tpu.vector_store_idx %arg6[%get3A_78], %broadcast_in_dim3A_41 {add = true} : memref<10000xf32, #tpu.memory_space<vmem>>[vector<16xi32>], vector<16xf32>,
      %get3A_79 = arith.index_cast %while3A_52 : i32 to index
      %get3A_80 = arith.constant 64 : index
      %get3A_81 = tpu.vector_load %arg5[%get3A_79, %get3A_80] {strides = array<i32>} : memref<80x128xi32, #tpu.memory_space<vmem>>, vector<16xi32>,
      tpu.vector_store_idx %arg7[%get3A_81], %broadcast_in_dim3A_41 {add = true} : memref<10000xf32, #tpu.memory_space<vmem>>[vector<16xi32>], vector<16xf32>,
      %get3A_82 = arith.index_cast %while3A_52 : i32 to index
      %get3A_83 = arith.constant 80 : index
      %get3A_84 = tpu.vector_load %arg4[%get3A_82, %get3A_83] {strides = array<i32>} : memref<80x128xi32, #tpu.memory_space<vmem>>, vector<16xi32>,
      tpu.vector_store_idx %arg6[%get3A_84], %broadcast_in_dim3A_41 {add = true} : memref<10000xf32, #tpu.memory_space<vmem>>[vector<16xi32>], vector<16xf32>,
      %get3A_85 = arith.index_cast %while3A_52 : i32 to index
      %get3A_86 = arith.constant 80 : index
      %get3A_87 = tpu.vector_load %arg5[%get3A_85, %get3A_86] {strides = array<i32>} : memref<80x128xi32, #tpu.memory_space<vmem>>, vector<16xi32>,
      tpu.vector_store_idx %arg7[%get3A_87], %broadcast_in_dim3A_41 {add = true} : memref<10000xf32, #tpu.memory_space<vmem>>[vector<16xi32>], vector<16xf32>,
      %get3A_88 = arith.index_cast %while3A_52 : i32 to index
      %get3A_89 = arith.constant 96 : index
      %get3A_90 = tpu.vector_load %arg4[%get3A_88, %get3A_89] {strides = array<i32>} : memref<80x128xi32, #tpu.memory_space<vmem>>, vector<16xi32>,
      tpu.vector_store_idx %arg6[%get3A_90], %broadcast_in_dim3A_41 {add = true} : memref<10000xf32, #tpu.memory_space<vmem>>[vector<16xi32>], vector<16xf32>,
      %get3A_91 = arith.index_cast %while3A_52 : i32 to index
      %get3A_92 = arith.constant 96 : index
      %get3A_93 = tpu.vector_load %arg5[%get3A_91, %get3A_92] {strides = array<i32>} : memref<80x128xi32, #tpu.memory_space<vmem>>, vector<16xi32>,
      tpu.vector_store_idx %arg7[%get3A_93], %broadcast_in_dim3A_41 {add = true} : memref<10000xf32, #tpu.memory_space<vmem>>[vector<16xi32>], vector<16xf32>,
      %get3A_94 = arith.index_cast %while3A_52 : i32 to index
      %get3A_95 = arith.constant 112 : index
      %get3A_96 = tpu.vector_load %arg4[%get3A_94, %get3A_95] {strides = array<i32>} : memref<80x128xi32, #tpu.memory_space<vmem>>, vector<16xi32>,
      tpu.vector_store_idx %arg6[%get3A_96], %broadcast_in_dim3A_41 {add = true} : memref<10000xf32, #tpu.memory_space<vmem>>[vector<16xi32>], vector<16xf32>,
      %get3A_97 = arith.index_cast %while3A_52 : i32 to index
      %get3A_98 = arith.constant 112 : index
      %get3A_99 = tpu.vector_load %arg5[%get3A_97, %get3A_98] {strides = array<i32>} : memref<80x128xi32, #tpu.memory_space<vmem>>, vector<16xi32>,
      tpu.vector_store_idx %arg7[%get3A_99], %broadcast_in_dim3A_41 {add = true} : memref<10000xf32, #tpu.memory_space<vmem>>[vector<16xi32>], vector<16xf32>,
    }
    %run_scoped3A = arith.constant 0 : i32
    "tpu.region"() ({
      %run_scoped3A_52 = tpu.sem_alloc : memref<!tpu.dma_semaphore, #tpu.memory_space<semaphore_mem>>
      %dma_start3A_53 = arith.constant 0 : i32
      %dma_start3A_54 = tpu.memref_slice %arg3[%arg0, %arg1, %run_scoped3A, %dma_start3A_53] : memref<2x16x2x10000xf32, #tpu.memory_space<hbm>> -> memref<1x1x1x10000xf32, #tpu.memory_space<hbm>>
      %dma_start3A_55 = tpu.memref_squeeze %dma_start3A_54 : memref<1x1x1x10000xf32, #tpu.memory_space<hbm>> -> memref<10000xf32, #tpu.memory_space<hbm>>
      %dma_start3A_56 = arith.constant 0 : i32
      %dma_start3A_57 = tpu.memref_slice %arg3[%arg0, %arg1, %run_scoped3A, %dma_start3A_56] : memref<2x16x2x10000xf32, #tpu.memory_space<hbm>> -> memref<1x1x1x10000xf32, #tpu.memory_space<hbm>>
      %dma_start3A_58 = tpu.memref_squeeze %dma_start3A_57 : memref<1x1x1x10000xf32, #tpu.memory_space<hbm>> -> memref<10000xf32, #tpu.memory_space<hbm>>
      tpu.enqueue_dma source(%arg6 : memref<10000xf32, #tpu.memory_space<vmem>>) target(%dma_start3A_58 : memref<10000xf32, #tpu.memory_space<hbm>>) target_semaphore(%run_scoped3A_52 : memref<!tpu.dma_semaphore, #tpu.memory_space<semaphore_mem>>)
      %dma_wait3A_59 = arith.constant 0 : i32
      %dma_wait3A_60 = tpu.memref_slice %arg3[%arg0, %arg1, %run_scoped3A, %dma_wait3A_59] : memref<2x16x2x10000xf32, #tpu.memory_space<hbm>> -> memref<1x1x1x10000xf32, #tpu.memory_space<hbm>>
      %dma_wait3A_61 = tpu.memref_squeeze %dma_wait3A_60 : memref<1x1x1x10000xf32, #tpu.memory_space<hbm>> -> memref<10000xf32, #tpu.memory_space<hbm>>
      %dma_wait3A_62 = arith.constant 0 : i32
      %dma_wait3A_63 = tpu.memref_slice %arg3[%arg0, %arg1, %run_scoped3A, %dma_wait3A_62] : memref<2x16x2x10000xf32, #tpu.memory_space<hbm>> -> memref<1x1x1x10000xf32, #tpu.memory_space<hbm>>
      %dma_wait3A_64 = tpu.memref_squeeze %dma_wait3A_63 : memref<1x1x1x10000xf32, #tpu.memory_space<hbm>> -> memref<10000xf32, #tpu.memory_space<hbm>>
      tpu.wait_dma2 semaphore(%run_scoped3A_52 : memref<!tpu.dma_semaphore, #tpu.memory_space<semaphore_mem>>) src(%arg6 : memref<10000xf32, #tpu.memory_space<vmem>>) dst(%dma_wait3A_64 : memref<10000xf32, #tpu.memory_space<hbm>>)
      tpu.yield
    }) : () -> ()
    %run_scoped3A_51 = arith.constant 1 : i32
    "tpu.region"() ({
      %run_scoped3A_52 = tpu.sem_alloc : memref<!tpu.dma_semaphore, #tpu.memory_space<semaphore_mem>>
      %dma_start3A_53 = arith.constant 0 : i32
      %dma_start3A_54 = tpu.memref_slice %arg3[%arg0, %arg1, %run_scoped3A_51, %dma_start3A_53] : memref<2x16x2x10000xf32, #tpu.memory_space<hbm>> -> memref<1x1x1x10000xf32, #tpu.memory_space<hbm>>
      %dma_start3A_55 = tpu.memref_squeeze %dma_start3A_54 : memref<1x1x1x10000xf32, #tpu.memory_space<hbm>> -> memref<10000xf32, #tpu.memory_space<hbm>>
      %dma_start3A_56 = arith.constant 0 : i32
      %dma_start3A_57 = tpu.memref_slice %arg3[%arg0, %arg1, %run_scoped3A_51, %dma_start3A_56] : memref<2x16x2x10000xf32, #tpu.memory_space<hbm>> -> memref<1x1x1x10000xf32, #tpu.memory_space<hbm>>
      %dma_start3A_58 = tpu.memref_squeeze %dma_start3A_57 : memref<1x1x1x10000xf32, #tpu.memory_space<hbm>> -> memref<10000xf32, #tpu.memory_space<hbm>>
      tpu.enqueue_dma source(%arg7 : memref<10000xf32, #tpu.memory_space<vmem>>) target(%dma_start3A_58 : memref<10000xf32, #tpu.memory_space<hbm>>) target_semaphore(%run_scoped3A_52 : memref<!tpu.dma_semaphore, #tpu.memory_space<semaphore_mem>>)
      %dma_wait3A_59 = arith.constant 0 : i32
      %dma_wait3A_60 = tpu.memref_slice %arg3[%arg0, %arg1, %run_scoped3A_51, %dma_wait3A_59] : memref<2x16x2x10000xf32, #tpu.memory_space<hbm>> -> memref<1x1x1x10000xf32, #tpu.memory_space<hbm>>
      %dma_wait3A_61 = tpu.memref_squeeze %dma_wait3A_60 : memref<1x1x1x10000xf32, #tpu.memory_space<hbm>> -> memref<10000xf32, #tpu.memory_space<hbm>>
      %dma_wait3A_62 = arith.constant 0 : i32
      %dma_wait3A_63 = tpu.memref_slice %arg3[%arg0, %arg1, %run_scoped3A_51, %dma_wait3A_62] : memref<2x16x2x10000xf32, #tpu.memory_space<hbm>> -> memref<1x1x1x10000xf32, #tpu.memory_space<hbm>>
      %dma_wait3A_64 = tpu.memref_squeeze %dma_wait3A_63 : memref<1x1x1x10000xf32, #tpu.memory_space<hbm>> -> memref<10000xf32, #tpu.memory_space<hbm>>
      tpu.wait_dma2 semaphore(%run_scoped3A_52 : memref<!tpu.dma_semaphore, #tpu.memory_space<semaphore_mem>>) src(%arg7 : memref<10000xf32, #tpu.memory_space<vmem>>) dst(%dma_wait3A_64 : memref<10000xf32, #tpu.memory_space<hbm>>)
      tpu.yield
    }) : () -> ()
    return
  }
}

#map = affine_map<(d0, d1) -> (0, 0)>
#map1 = affine_map<(d0, d1) -> (0, 0, 0)>
module attributes {stable_mosaic.version = 14 : i64} {
  func.func @mp_kernel(%arg0: i32, %arg1: i32, %arg2: memref<10000x128xf32, #tpu.memory_space<hbm>>, %arg3: memref<2x2560x128xi32, #tpu.memory_space<hbm>>, %arg4: memref<2x10240x128xf32, #tpu.memory_space<hbm>>, %arg5: memref<40x128xi32, #tpu.memory_space<vmem>>, %arg6: memref<40x128xi32, #tpu.memory_space<vmem>>, %arg7: memref<128x128xf32, #tpu.memory_space<vmem>>, %arg8: memref<128x128xf32, #tpu.memory_space<vmem>>, %arg9: memref<10240x128xf32, #tpu.memory_space<vmem_shared>>, %arg10: memref<!tpu.dma_semaphore, #tpu.memory_space<semaphore_mem>>, %arg11: memref<!tpu.dma_semaphore, #tpu.memory_space<semaphore_mem>>) attributes {dimension_semantics = [#tpu.dimension_semantics<core_parallel>, #tpu.dimension_semantics<subcore_parallel>], iteration_bounds = array<i64: 2, 16>, scalar_prefetch = 0 : i64, scratch_operands = 7 : i64, tpu.core_type = #tpu.core_type<sc_vector_subcore>, window_params = [{transform_indices = #map}, {transform_indices = #map1}, {transform_indices = #map1}]} {
    %mul3A = arith.constant 16 : i32
    %mul3A_0 = arith.muli %arg0, %mul3A : i32
    %add3A = arith.addi %mul3A_0, %arg1 : i32
    %mul3A_1 = arith.constant 640 : i32
    %mul3A_2 = arith.muli %arg1, %mul3A_1 : i32
    %multiple_of3A = tpu.assume_multiple %mul3A_2, 8 : i32
    %broadcast_in_dim3A = arith.constant 0.000000e+00 : f32
    %broadcast_in_dim3A_3 = vector.broadcast %broadcast_in_dim3A : f32 to vector<16xf32>
    %scan3A = arith.constant 0 : i32
    %scan3A_4 = arith.constant 0 : i32
    %scan3A_5 = arith.constant 128 : i32
    %scan3A_6 = arith.addi %scan3A_4, %scan3A_5 : i32
    %scan3A_7 = arith.constant 1 : i32
    scf.for %scan3A_46 = %scan3A_4 to %scan3A_6 step %scan3A_7  : i32 {
      %swap3A = arith.index_cast %scan3A_46 : i32 to index
      %swap3A_47 = arith.constant 0 : index
      %swap3A_48 = tpu.vector_load %arg7[%swap3A, %swap3A_47] {strides = array<i32>} : memref<128x128xf32, #tpu.memory_space<vmem>>, vector<16xf32>,
      tpu.vector_store %arg7[%swap3A, %swap3A_47], %broadcast_in_dim3A_3 {strides = array<i32>} : memref<128x128xf32, #tpu.memory_space<vmem>>, vector<16xf32>,
      %swap3A_49 = arith.index_cast %scan3A_46 : i32 to index
      %swap3A_50 = arith.constant 16 : index
      %swap3A_51 = tpu.vector_load %arg7[%swap3A_49, %swap3A_50] {strides = array<i32>} : memref<128x128xf32, #tpu.memory_space<vmem>>, vector<16xf32>,
      tpu.vector_store %arg7[%swap3A_49, %swap3A_50], %broadcast_in_dim3A_3 {strides = array<i32>} : memref<128x128xf32, #tpu.memory_space<vmem>>, vector<16xf32>,
      %swap3A_52 = arith.index_cast %scan3A_46 : i32 to index
      %swap3A_53 = arith.constant 32 : index
      %swap3A_54 = tpu.vector_load %arg7[%swap3A_52, %swap3A_53] {strides = array<i32>} : memref<128x128xf32, #tpu.memory_space<vmem>>, vector<16xf32>,
      tpu.vector_store %arg7[%swap3A_52, %swap3A_53], %broadcast_in_dim3A_3 {strides = array<i32>} : memref<128x128xf32, #tpu.memory_space<vmem>>, vector<16xf32>,
      %swap3A_55 = arith.index_cast %scan3A_46 : i32 to index
      %swap3A_56 = arith.constant 48 : index
      %swap3A_57 = tpu.vector_load %arg7[%swap3A_55, %swap3A_56] {strides = array<i32>} : memref<128x128xf32, #tpu.memory_space<vmem>>, vector<16xf32>,
      tpu.vector_store %arg7[%swap3A_55, %swap3A_56], %broadcast_in_dim3A_3 {strides = array<i32>} : memref<128x128xf32, #tpu.memory_space<vmem>>, vector<16xf32>,
      %swap3A_58 = arith.index_cast %scan3A_46 : i32 to index
      %swap3A_59 = arith.constant 64 : index
      %swap3A_60 = tpu.vector_load %arg7[%swap3A_58, %swap3A_59] {strides = array<i32>} : memref<128x128xf32, #tpu.memory_space<vmem>>, vector<16xf32>,
      tpu.vector_store %arg7[%swap3A_58, %swap3A_59], %broadcast_in_dim3A_3 {strides = array<i32>} : memref<128x128xf32, #tpu.memory_space<vmem>>, vector<16xf32>,
      %swap3A_61 = arith.index_cast %scan3A_46 : i32 to index
      %swap3A_62 = arith.constant 80 : index
      %swap3A_63 = tpu.vector_load %arg7[%swap3A_61, %swap3A_62] {strides = array<i32>} : memref<128x128xf32, #tpu.memory_space<vmem>>, vector<16xf32>,
      tpu.vector_store %arg7[%swap3A_61, %swap3A_62], %broadcast_in_dim3A_3 {strides = array<i32>} : memref<128x128xf32, #tpu.memory_space<vmem>>, vector<16xf32>,
      %swap3A_64 = arith.index_cast %scan3A_46 : i32 to index
      %swap3A_65 = arith.constant 96 : index
      %swap3A_66 = tpu.vector_load %arg7[%swap3A_64, %swap3A_65] {strides = array<i32>} : memref<128x128xf32, #tpu.memory_space<vmem>>, vector<16xf32>,
      tpu.vector_store %arg7[%swap3A_64, %swap3A_65], %broadcast_in_dim3A_3 {strides = array<i32>} : memref<128x128xf32, #tpu.memory_space<vmem>>, vector<16xf32>,
      %swap3A_67 = arith.index_cast %scan3A_46 : i32 to index
      %swap3A_68 = arith.constant 112 : index
      %swap3A_69 = tpu.vector_load %arg7[%swap3A_67, %swap3A_68] {strides = array<i32>} : memref<128x128xf32, #tpu.memory_space<vmem>>, vector<16xf32>,
      tpu.vector_store %arg7[%swap3A_67, %swap3A_68], %broadcast_in_dim3A_3 {strides = array<i32>} : memref<128x128xf32, #tpu.memory_space<vmem>>, vector<16xf32>,
    }
    %scan3A_8 = arith.constant 128 : i32
    %add3A_9 = arith.constant 0 : i32
    %add3A_10 = arith.addi %multiple_of3A, %add3A_9 : i32
    "tpu.region"() ({
      %run_scoped3A = tpu.sem_alloc : memref<!tpu.dma_semaphore, #tpu.memory_space<semaphore_mem>>
      %dma_start3A = arith.constant 0 : i32
      %dma_start3A_46 = tpu.memref_slice %arg9[%add3A_10, %dma_start3A] : memref<10240x128xf32, #tpu.memory_space<vmem_shared>> -> memref<128x128xf32, #tpu.memory_space<vmem_shared>>
      %dma_start3A_47 = arith.constant 0 : i32
      %dma_start3A_48 = tpu.memref_slice %arg9[%add3A_10, %dma_start3A_47] : memref<10240x128xf32, #tpu.memory_space<vmem_shared>> -> memref<128x128xf32, #tpu.memory_space<vmem_shared>>
      tpu.enqueue_dma source(%arg7 : memref<128x128xf32, #tpu.memory_space<vmem>>) target(%dma_start3A_48 : memref<128x128xf32, #tpu.memory_space<vmem_shared>>) target_semaphore(%run_scoped3A : memref<!tpu.dma_semaphore, #tpu.memory_space<semaphore_mem>>)
      %dma_wait3A = arith.constant 0 : i32
      %dma_wait3A_49 = tpu.memref_slice %arg9[%add3A_10, %dma_wait3A] : memref<10240x128xf32, #tpu.memory_space<vmem_shared>> -> memref<128x128xf32, #tpu.memory_space<vmem_shared>>
      %dma_wait3A_50 = arith.constant 0 : i32
      %dma_wait3A_51 = tpu.memref_slice %arg9[%add3A_10, %dma_wait3A_50] : memref<10240x128xf32, #tpu.memory_space<vmem_shared>> -> memref<128x128xf32, #tpu.memory_space<vmem_shared>>
      tpu.wait_dma2 semaphore(%run_scoped3A : memref<!tpu.dma_semaphore, #tpu.memory_space<semaphore_mem>>) src(%arg7 : memref<128x128xf32, #tpu.memory_space<vmem>>) dst(%dma_wait3A_51 : memref<128x128xf32, #tpu.memory_space<vmem_shared>>)
      tpu.yield
    }) : () -> ()
    %add3A_11 = arith.constant 128 : i32
    %add3A_12 = arith.addi %multiple_of3A, %add3A_11 : i32
    "tpu.region"() ({
      %run_scoped3A = tpu.sem_alloc : memref<!tpu.dma_semaphore, #tpu.memory_space<semaphore_mem>>
      %dma_start3A = arith.constant 0 : i32
      %dma_start3A_46 = tpu.memref_slice %arg9[%add3A_12, %dma_start3A] : memref<10240x128xf32, #tpu.memory_space<vmem_shared>> -> memref<128x128xf32, #tpu.memory_space<vmem_shared>>
      %dma_start3A_47 = arith.constant 0 : i32
      %dma_start3A_48 = tpu.memref_slice %arg9[%add3A_12, %dma_start3A_47] : memref<10240x128xf32, #tpu.memory_space<vmem_shared>> -> memref<128x128xf32, #tpu.memory_space<vmem_shared>>
      tpu.enqueue_dma source(%arg7 : memref<128x128xf32, #tpu.memory_space<vmem>>) target(%dma_start3A_48 : memref<128x128xf32, #tpu.memory_space<vmem_shared>>) target_semaphore(%run_scoped3A : memref<!tpu.dma_semaphore, #tpu.memory_space<semaphore_mem>>)
      %dma_wait3A = arith.constant 0 : i32
      %dma_wait3A_49 = tpu.memref_slice %arg9[%add3A_12, %dma_wait3A] : memref<10240x128xf32, #tpu.memory_space<vmem_shared>> -> memref<128x128xf32, #tpu.memory_space<vmem_shared>>
      %dma_wait3A_50 = arith.constant 0 : i32
      %dma_wait3A_51 = tpu.memref_slice %arg9[%add3A_12, %dma_wait3A_50] : memref<10240x128xf32, #tpu.memory_space<vmem_shared>> -> memref<128x128xf32, #tpu.memory_space<vmem_shared>>
      tpu.wait_dma2 semaphore(%run_scoped3A : memref<!tpu.dma_semaphore, #tpu.memory_space<semaphore_mem>>) src(%arg7 : memref<128x128xf32, #tpu.memory_space<vmem>>) dst(%dma_wait3A_51 : memref<128x128xf32, #tpu.memory_space<vmem_shared>>)
      tpu.yield
    }) : () -> ()
    %add3A_13 = arith.constant 256 : i32
    %add3A_14 = arith.addi %multiple_of3A, %add3A_13 : i32
    "tpu.region"() ({
      %run_scoped3A = tpu.sem_alloc : memref<!tpu.dma_semaphore, #tpu.memory_space<semaphore_mem>>
      %dma_start3A = arith.constant 0 : i32
      %dma_start3A_46 = tpu.memref_slice %arg9[%add3A_14, %dma_start3A] : memref<10240x128xf32, #tpu.memory_space<vmem_shared>> -> memref<128x128xf32, #tpu.memory_space<vmem_shared>>
      %dma_start3A_47 = arith.constant 0 : i32
      %dma_start3A_48 = tpu.memref_slice %arg9[%add3A_14, %dma_start3A_47] : memref<10240x128xf32, #tpu.memory_space<vmem_shared>> -> memref<128x128xf32, #tpu.memory_space<vmem_shared>>
      tpu.enqueue_dma source(%arg7 : memref<128x128xf32, #tpu.memory_space<vmem>>) target(%dma_start3A_48 : memref<128x128xf32, #tpu.memory_space<vmem_shared>>) target_semaphore(%run_scoped3A : memref<!tpu.dma_semaphore, #tpu.memory_space<semaphore_mem>>)
      %dma_wait3A = arith.constant 0 : i32
      %dma_wait3A_49 = tpu.memref_slice %arg9[%add3A_14, %dma_wait3A] : memref<10240x128xf32, #tpu.memory_space<vmem_shared>> -> memref<128x128xf32, #tpu.memory_space<vmem_shared>>
      %dma_wait3A_50 = arith.constant 0 : i32
      %dma_wait3A_51 = tpu.memref_slice %arg9[%add3A_14, %dma_wait3A_50] : memref<10240x128xf32, #tpu.memory_space<vmem_shared>> -> memref<128x128xf32, #tpu.memory_space<vmem_shared>>
      tpu.wait_dma2 semaphore(%run_scoped3A : memref<!tpu.dma_semaphore, #tpu.memory_space<semaphore_mem>>) src(%arg7 : memref<128x128xf32, #tpu.memory_space<vmem>>) dst(%dma_wait3A_51 : memref<128x128xf32, #tpu.memory_space<vmem_shared>>)
      tpu.yield
    }) : () -> ()
    %add3A_15 = arith.constant 384 : i32
    %add3A_16 = arith.addi %multiple_of3A, %add3A_15 : i32
    "tpu.region"() ({
      %run_scoped3A = tpu.sem_alloc : memref<!tpu.dma_semaphore, #tpu.memory_space<semaphore_mem>>
      %dma_start3A = arith.constant 0 : i32
      %dma_start3A_46 = tpu.memref_slice %arg9[%add3A_16, %dma_start3A] : memref<10240x128xf32, #tpu.memory_space<vmem_shared>> -> memref<128x128xf32, #tpu.memory_space<vmem_shared>>
      %dma_start3A_47 = arith.constant 0 : i32
      %dma_start3A_48 = tpu.memref_slice %arg9[%add3A_16, %dma_start3A_47] : memref<10240x128xf32, #tpu.memory_space<vmem_shared>> -> memref<128x128xf32, #tpu.memory_space<vmem_shared>>
      tpu.enqueue_dma source(%arg7 : memref<128x128xf32, #tpu.memory_space<vmem>>) target(%dma_start3A_48 : memref<128x128xf32, #tpu.memory_space<vmem_shared>>) target_semaphore(%run_scoped3A : memref<!tpu.dma_semaphore, #tpu.memory_space<semaphore_mem>>)
      %dma_wait3A = arith.constant 0 : i32
      %dma_wait3A_49 = tpu.memref_slice %arg9[%add3A_16, %dma_wait3A] : memref<10240x128xf32, #tpu.memory_space<vmem_shared>> -> memref<128x128xf32, #tpu.memory_space<vmem_shared>>
      %dma_wait3A_50 = arith.constant 0 : i32
      %dma_wait3A_51 = tpu.memref_slice %arg9[%add3A_16, %dma_wait3A_50] : memref<10240x128xf32, #tpu.memory_space<vmem_shared>> -> memref<128x128xf32, #tpu.memory_space<vmem_shared>>
      tpu.wait_dma2 semaphore(%run_scoped3A : memref<!tpu.dma_semaphore, #tpu.memory_space<semaphore_mem>>) src(%arg7 : memref<128x128xf32, #tpu.memory_space<vmem>>) dst(%dma_wait3A_51 : memref<128x128xf32, #tpu.memory_space<vmem_shared>>)
      tpu.yield
    }) : () -> ()
    %add3A_17 = arith.constant 512 : i32
    %add3A_18 = arith.addi %multiple_of3A, %add3A_17 : i32
    "tpu.region"() ({
      %run_scoped3A = tpu.sem_alloc : memref<!tpu.dma_semaphore, #tpu.memory_space<semaphore_mem>>
      %dma_start3A = arith.constant 0 : i32
      %dma_start3A_46 = tpu.memref_slice %arg9[%add3A_18, %dma_start3A] : memref<10240x128xf32, #tpu.memory_space<vmem_shared>> -> memref<128x128xf32, #tpu.memory_space<vmem_shared>>
      %dma_start3A_47 = arith.constant 0 : i32
      %dma_start3A_48 = tpu.memref_slice %arg9[%add3A_18, %dma_start3A_47] : memref<10240x128xf32, #tpu.memory_space<vmem_shared>> -> memref<128x128xf32, #tpu.memory_space<vmem_shared>>
      tpu.enqueue_dma source(%arg7 : memref<128x128xf32, #tpu.memory_space<vmem>>) target(%dma_start3A_48 : memref<128x128xf32, #tpu.memory_space<vmem_shared>>) target_semaphore(%run_scoped3A : memref<!tpu.dma_semaphore, #tpu.memory_space<semaphore_mem>>)
      %dma_wait3A = arith.constant 0 : i32
      %dma_wait3A_49 = tpu.memref_slice %arg9[%add3A_18, %dma_wait3A] : memref<10240x128xf32, #tpu.memory_space<vmem_shared>> -> memref<128x128xf32, #tpu.memory_space<vmem_shared>>
      %dma_wait3A_50 = arith.constant 0 : i32
      %dma_wait3A_51 = tpu.memref_slice %arg9[%add3A_18, %dma_wait3A_50] : memref<10240x128xf32, #tpu.memory_space<vmem_shared>> -> memref<128x128xf32, #tpu.memory_space<vmem_shared>>
      tpu.wait_dma2 semaphore(%run_scoped3A : memref<!tpu.dma_semaphore, #tpu.memory_space<semaphore_mem>>) src(%arg7 : memref<128x128xf32, #tpu.memory_space<vmem>>) dst(%dma_wait3A_51 : memref<128x128xf32, #tpu.memory_space<vmem_shared>>)
      tpu.yield
    }) : () -> ()
    %mul3A_19 = arith.constant 80 : i32
    %mul3A_20 = arith.muli %add3A, %mul3A_19 : i32
    %multiple_of3A_21 = tpu.assume_multiple %mul3A_20, 8 : i32
    %mul3A_22 = arith.constant 80 : i32
    %mul3A_23 = arith.muli %add3A, %mul3A_22 : i32
    %sub3A = arith.constant 2500 : i32
    %sub3A_24 = arith.subi %sub3A, %mul3A_23 : i32
    %max3A = arith.constant 0 : i32
    %max3A_25 = arith.maxsi %sub3A_24, %max3A : i32
    %min3A = arith.constant 80 : i32
    %min3A_26 = arith.minsi %min3A, %max3A_25 : i32
    %barrier3A = arith.constant 0 : index
    tpu.barrier barrier_id(%barrier3A)
    %sub3A_27 = arith.constant 0 : i32
    %sub3A_28 = arith.subi %min3A_26, %sub3A_27 : i32
    %jit3A = arith.constant 0 : i32
    %jit3A_29 = arith.constant 40 : i32
    %max3A_30 = arith.maxsi %jit3A, %sub3A_28 : i32
    %min3A_31 = arith.minsi %jit3A_29, %max3A_30 : i32
    %gt3A = arith.constant 0 : i32
    %gt3A_32 = arith.cmpi sgt, %min3A_31, %gt3A : i32
    %convert_element_type3A = arith.extui %gt3A_32 : i1 to i32
    %cond3A = arith.constant 0 : i32
    %cond3A_33 = arith.cmpi ne, %convert_element_type3A, %cond3A : i32
    scf.if %cond3A_33 {
      %add3A_46 = arith.constant 0 : i32
      %add3A_47 = arith.addi %multiple_of3A_21, %add3A_46 : i32
      %multiple_of3A_48 = tpu.assume_multiple %add3A_47, 8 : i32
      %run_scoped3A = arith.constant 0 : i32
      "tpu.region"() ({
        %run_scoped3A_83 = tpu.sem_alloc : memref<!tpu.dma_semaphore, #tpu.memory_space<semaphore_mem>>
        %dma_start3A_84 = arith.constant 0 : i32
        %dma_start3A_85 = tpu.memref_slice %arg3[%run_scoped3A, %multiple_of3A_48, %dma_start3A_84] : memref<2x2560x128xi32, #tpu.memory_space<hbm>> -> memref<1x40x128xi32, #tpu.memory_space<hbm>>
        %dma_start3A_86 = tpu.memref_squeeze %dma_start3A_85 : memref<1x40x128xi32, #tpu.memory_space<hbm>> -> memref<40x128xi32, #tpu.memory_space<hbm>>
        %dma_start3A_87 = arith.constant 0 : i32
        %dma_start3A_88 = tpu.memref_slice %arg3[%run_scoped3A, %multiple_of3A_48, %dma_start3A_87] : memref<2x2560x128xi32, #tpu.memory_space<hbm>> -> memref<1x40x128xi32, #tpu.memory_space<hbm>>
        %dma_start3A_89 = tpu.memref_squeeze %dma_start3A_88 : memref<1x40x128xi32, #tpu.memory_space<hbm>> -> memref<40x128xi32, #tpu.memory_space<hbm>>
        tpu.enqueue_dma source(%dma_start3A_89 : memref<40x128xi32, #tpu.memory_space<hbm>>) target(%arg5 : memref<40x128xi32, #tpu.memory_space<vmem>>) target_semaphore(%run_scoped3A_83 : memref<!tpu.dma_semaphore, #tpu.memory_space<semaphore_mem>>)
        %dma_wait3A = arith.constant 0 : i32
        %dma_wait3A_90 = tpu.memref_slice %arg3[%run_scoped3A, %multiple_of3A_48, %dma_wait3A] : memref<2x2560x128xi32, #tpu.memory_space<hbm>> -> memref<1x40x128xi32, #tpu.memory_space<hbm>>
        %dma_wait3A_91 = tpu.memref_squeeze %dma_wait3A_90 : memref<1x40x128xi32, #tpu.memory_space<hbm>> -> memref<40x128xi32, #tpu.memory_space<hbm>>
        %dma_wait3A_92 = arith.constant 0 : i32
        %dma_wait3A_93 = tpu.memref_slice %arg3[%run_scoped3A, %multiple_of3A_48, %dma_wait3A_92] : memref<2x2560x128xi32, #tpu.memory_space<hbm>> -> memref<1x40x128xi32, #tpu.memory_space<hbm>>
        %dma_wait3A_94 = tpu.memref_squeeze %dma_wait3A_93 : memref<1x40x128xi32, #tpu.memory_space<hbm>> -> memref<40x128xi32, #tpu.memory_space<hbm>>
        tpu.wait_dma2 semaphore(%run_scoped3A_83 : memref<!tpu.dma_semaphore, #tpu.memory_space<semaphore_mem>>) src(%dma_wait3A_94 : memref<40x128xi32, #tpu.memory_space<hbm>>) dst(%arg5 : memref<40x128xi32, #tpu.memory_space<vmem>>)
        tpu.yield
      }) : () -> ()
      %run_scoped3A_49 = arith.constant 1 : i32
      "tpu.region"() ({
        %run_scoped3A_83 = tpu.sem_alloc : memref<!tpu.dma_semaphore, #tpu.memory_space<semaphore_mem>>
        %dma_start3A_84 = arith.constant 0 : i32
        %dma_start3A_85 = tpu.memref_slice %arg3[%run_scoped3A_49, %multiple_of3A_48, %dma_start3A_84] : memref<2x2560x128xi32, #tpu.memory_space<hbm>> -> memref<1x40x128xi32, #tpu.memory_space<hbm>>
        %dma_start3A_86 = tpu.memref_squeeze %dma_start3A_85 : memref<1x40x128xi32, #tpu.memory_space<hbm>> -> memref<40x128xi32, #tpu.memory_space<hbm>>
        %dma_start3A_87 = arith.constant 0 : i32
        %dma_start3A_88 = tpu.memref_slice %arg3[%run_scoped3A_49, %multiple_of3A_48, %dma_start3A_87] : memref<2x2560x128xi32, #tpu.memory_space<hbm>> -> memref<1x40x128xi32, #tpu.memory_space<hbm>>
        %dma_start3A_89 = tpu.memref_squeeze %dma_start3A_88 : memref<1x40x128xi32, #tpu.memory_space<hbm>> -> memref<40x128xi32, #tpu.memory_space<hbm>>
        tpu.enqueue_dma source(%dma_start3A_89 : memref<40x128xi32, #tpu.memory_space<hbm>>) target(%arg6 : memref<40x128xi32, #tpu.memory_space<vmem>>) target_semaphore(%run_scoped3A_83 : memref<!tpu.dma_semaphore, #tpu.memory_space<semaphore_mem>>)
        %dma_wait3A = arith.constant 0 : i32
        %dma_wait3A_90 = tpu.memref_slice %arg3[%run_scoped3A_49, %multiple_of3A_48, %dma_wait3A] : memref<2x2560x128xi32, #tpu.memory_space<hbm>> -> memref<1x40x128xi32, #tpu.memory_space<hbm>>
        %dma_wait3A_91 = tpu.memref_squeeze %dma_wait3A_90 : memref<1x40x128xi32, #tpu.memory_space<hbm>> -> memref<40x128xi32, #tpu.memory_space<hbm>>
        %dma_wait3A_92 = arith.constant 0 : i32
        %dma_wait3A_93 = tpu.memref_slice %arg3[%run_scoped3A_49, %multiple_of3A_48, %dma_wait3A_92] : memref<2x2560x128xi32, #tpu.memory_space<hbm>> -> memref<1x40x128xi32, #tpu.memory_space<hbm>>
        %dma_wait3A_94 = tpu.memref_squeeze %dma_wait3A_93 : memref<1x40x128xi32, #tpu.memory_space<hbm>> -> memref<40x128xi32, #tpu.memory_space<hbm>>
        tpu.wait_dma2 semaphore(%run_scoped3A_83 : memref<!tpu.dma_semaphore, #tpu.memory_space<semaphore_mem>>) src(%dma_wait3A_94 : memref<40x128xi32, #tpu.memory_space<hbm>>) dst(%arg6 : memref<40x128xi32, #tpu.memory_space<vmem>>)
        tpu.yield
      }) : () -> ()
      %dma_start3A = arith.constant 0 : i32
      %dma_start3A_50 = arith.constant 0 : i32
      %dma_start3A_51 = tpu.memref_slice %arg5[%dma_start3A, %dma_start3A_50] : memref<40x128xi32, #tpu.memory_space<vmem>> -> memref<1x128xi32, #tpu.memory_space<vmem>>
      %dma_start3A_52 = tpu.memref_squeeze %dma_start3A_51 : memref<1x128xi32, #tpu.memory_space<vmem>> -> memref<128xi32, #tpu.memory_space<vmem>>
      %dma_start3A_53 = arith.constant 0 : i32
      %dma_start3A_54 = arith.constant 0 : i32
      %dma_start3A_55 = tpu.memref_slice %arg2[%dma_start3A_53, %dma_start3A_54] : memref<10000x128xf32, #tpu.memory_space<hbm>> -> memref<10000x128xf32, #tpu.memory_space<hbm>>
      tpu.enqueue_indirect_dma source(%dma_start3A_55 : memref<10000x128xf32, #tpu.memory_space<hbm>>) target(%arg7 : memref<128x128xf32, #tpu.memory_space<vmem>>) offsets(%dma_start3A_52 : memref<128xi32, #tpu.memory_space<vmem>>) semaphore(%arg10 : memref<!tpu.dma_semaphore, #tpu.memory_space<semaphore_mem>>)
      %jit3A_56 = arith.constant 2 : i32
      %div3A = arith.divsi %min3A_31, %jit3A_56 : i32
      %sign3A = arith.constant 0 : i32
      %sign3A_57 = arith.cmpi sgt, %min3A_31, %sign3A : i32
      %sign3A_58 = arith.extui %sign3A_57 : i1 to i32
      %sign3A_59 = arith.constant 0 : i32
      %sign3A_60 = arith.cmpi slt, %min3A_31, %sign3A_59 : i32
      %sign3A_61 = arith.extui %sign3A_60 : i1 to i32
      %sign3A_62 = arith.subi %sign3A_58, %sign3A_61 : i32
      %sign3A_63 = arith.constant 0 : i32
      %sign3A_64 = arith.cmpi sgt, %jit3A_56, %sign3A_63 : i32
      %sign3A_65 = arith.extui %sign3A_64 : i1 to i32
      %sign3A_66 = arith.constant 0 : i32
      %sign3A_67 = arith.cmpi slt, %jit3A_56, %sign3A_66 : i32
      %sign3A_68 = arith.extui %sign3A_67 : i1 to i32
      %sign3A_69 = arith.subi %sign3A_65, %sign3A_68 : i32
      %ne3A = arith.cmpi ne, %sign3A_62, %sign3A_69 : i32
      %rem3A = arith.remsi %min3A_31, %jit3A_56 : i32
      %ne3A_70 = arith.constant 0 : i32
      %ne3A_71 = arith.cmpi ne, %rem3A, %ne3A_70 : i32
      %and3A = arith.andi %ne3A, %ne3A_71 : i1
      %sub3A_72 = arith.constant 1 : i32
      %sub3A_73 = arith.subi %div3A, %sub3A_72 : i32
      %select_n3A = arith.select %and3A, %sub3A_73, %div3A : i32
      %while3A = arith.constant 0 : i32
      %while3A_74 = arith.constant 0 : i32
      %while3A_75 = arith.subi %select_n3A, %while3A_74 : i32
      %while3A_76 = arith.addi %while3A_74, %while3A_75 : i32
      %while3A_77 = arith.constant 1 : i32
      %while3A_78 = arith.divsi %while3A_75, %while3A_77 : i32
      %while3A_79 = arith.muli %while3A_78, %while3A_77 : i32
      %while3A_80 = arith.addi %while3A_74, %while3A_79 : i32
      %while3A_81 = arith.constant 1 : i32
      scf.for %while3A_83 = %while3A_74 to %while3A_80 step %while3A_81  : i32 {
        %mul3A_84 = arith.constant 2 : i32
        %mul3A_85 = arith.muli %mul3A_84, %while3A_83 : i32
        %add3A_86 = arith.constant 1 : i32
        %add3A_87 = arith.addi %mul3A_85, %add3A_86 : i32
        %dma_wait3A = arith.constant 0 : i32
        %dma_wait3A_88 = tpu.memref_slice %arg5[%mul3A_85, %dma_wait3A] : memref<40x128xi32, #tpu.memory_space<vmem>> -> memref<1x128xi32, #tpu.memory_space<vmem>>
        %dma_wait3A_89 = tpu.memref_squeeze %dma_wait3A_88 : memref<1x128xi32, #tpu.memory_space<vmem>> -> memref<128xi32, #tpu.memory_space<vmem>>
        %dma_wait3A_90 = arith.constant 0 : i32
        %dma_wait3A_91 = arith.constant 0 : i32
        %dma_wait3A_92 = tpu.memref_slice %arg2[%dma_wait3A_90, %dma_wait3A_91] : memref<10000x128xf32, #tpu.memory_space<hbm>> -> memref<10000x128xf32, #tpu.memory_space<hbm>>
        tpu.wait_indirect_dma semaphore(%arg10 : memref<!tpu.dma_semaphore, #tpu.memory_space<semaphore_mem>>) src(%dma_wait3A_92 : memref<10000x128xf32, #tpu.memory_space<hbm>>) dst(%arg7 : memref<128x128xf32, #tpu.memory_space<vmem>>)
        %dma_start3A_93 = arith.constant 0 : i32
        %dma_start3A_94 = tpu.memref_slice %arg5[%add3A_87, %dma_start3A_93] : memref<40x128xi32, #tpu.memory_space<vmem>> -> memref<1x128xi32, #tpu.memory_space<vmem>>
        %dma_start3A_95 = tpu.memref_squeeze %dma_start3A_94 : memref<1x128xi32, #tpu.memory_space<vmem>> -> memref<128xi32, #tpu.memory_space<vmem>>
        %dma_start3A_96 = arith.constant 0 : i32
        %dma_start3A_97 = arith.constant 0 : i32
        %dma_start3A_98 = tpu.memref_slice %arg2[%dma_start3A_96, %dma_start3A_97] : memref<10000x128xf32, #tpu.memory_space<hbm>> -> memref<10000x128xf32, #tpu.memory_space<hbm>>
        tpu.enqueue_indirect_dma source(%dma_start3A_98 : memref<10000x128xf32, #tpu.memory_space<hbm>>) target(%arg8 : memref<128x128xf32, #tpu.memory_space<vmem>>) offsets(%dma_start3A_95 : memref<128xi32, #tpu.memory_space<vmem>>) semaphore(%arg11 : memref<!tpu.dma_semaphore, #tpu.memory_space<semaphore_mem>>)
        "tpu.region"() ({
          %run_scoped3A_110 = tpu.sem_alloc : memref<!tpu.dma_semaphore, #tpu.memory_space<semaphore_mem>>
          %dma_start3A_111 = arith.constant 0 : i32
          %dma_start3A_112 = tpu.memref_slice %arg6[%mul3A_85, %dma_start3A_111] : memref<40x128xi32, #tpu.memory_space<vmem>> -> memref<1x128xi32, #tpu.memory_space<vmem>>
          %dma_start3A_113 = tpu.memref_squeeze %dma_start3A_112 : memref<1x128xi32, #tpu.memory_space<vmem>> -> memref<128xi32, #tpu.memory_space<vmem>>
          %dma_start3A_114 = arith.constant 0 : i32
          %dma_start3A_115 = arith.constant 0 : i32
          %dma_start3A_116 = tpu.memref_slice %arg9[%dma_start3A_114, %dma_start3A_115] : memref<10240x128xf32, #tpu.memory_space<vmem_shared>> -> memref<10240x128xf32, #tpu.memory_space<vmem_shared>>
          tpu.enqueue_indirect_dma source(%arg7 : memref<128x128xf32, #tpu.memory_space<vmem>>) target(%dma_start3A_116 : memref<10240x128xf32, #tpu.memory_space<vmem_shared>>) offsets(%dma_start3A_113 : memref<128xi32, #tpu.memory_space<vmem>>) semaphore(%run_scoped3A_110 : memref<!tpu.dma_semaphore, #tpu.memory_space<semaphore_mem>>) {add = true}
          %dma_wait3A_117 = arith.constant 0 : i32
          %dma_wait3A_118 = tpu.memref_slice %arg6[%mul3A_85, %dma_wait3A_117] : memref<40x128xi32, #tpu.memory_space<vmem>> -> memref<1x128xi32, #tpu.memory_space<vmem>>
          %dma_wait3A_119 = tpu.memref_squeeze %dma_wait3A_118 : memref<1x128xi32, #tpu.memory_space<vmem>> -> memref<128xi32, #tpu.memory_space<vmem>>
          %dma_wait3A_120 = arith.constant 0 : i32
          %dma_wait3A_121 = arith.constant 0 : i32
          %dma_wait3A_122 = tpu.memref_slice %arg9[%dma_wait3A_120, %dma_wait3A_121] : memref<10240x128xf32, #tpu.memory_space<vmem_shared>> -> memref<10240x128xf32, #tpu.memory_space<vmem_shared>>
          tpu.wait_indirect_dma semaphore(%run_scoped3A_110 : memref<!tpu.dma_semaphore, #tpu.memory_space<semaphore_mem>>) src(%arg7 : memref<128x128xf32, #tpu.memory_space<vmem>>) dst(%dma_wait3A_122 : memref<10240x128xf32, #tpu.memory_space<vmem_shared>>)
          tpu.yield
        }) : () -> ()
        %dma_wait3A_99 = arith.constant 0 : i32
        %dma_wait3A_100 = tpu.memref_slice %arg5[%add3A_87, %dma_wait3A_99] : memref<40x128xi32, #tpu.memory_space<vmem>> -> memref<1x128xi32, #tpu.memory_space<vmem>>
        %dma_wait3A_101 = tpu.memref_squeeze %dma_wait3A_100 : memref<1x128xi32, #tpu.memory_space<vmem>> -> memref<128xi32, #tpu.memory_space<vmem>>
        %dma_wait3A_102 = arith.constant 0 : i32
        %dma_wait3A_103 = arith.constant 0 : i32
        %dma_wait3A_104 = tpu.memref_slice %arg2[%dma_wait3A_102, %dma_wait3A_103] : memref<10000x128xf32, #tpu.memory_space<hbm>> -> memref<10000x128xf32, #tpu.memory_space<hbm>>
        tpu.wait_indirect_dma semaphore(%arg11 : memref<!tpu.dma_semaphore, #tpu.memory_space<semaphore_mem>>) src(%dma_wait3A_104 : memref<10000x128xf32, #tpu.memory_space<hbm>>) dst(%arg8 : memref<128x128xf32, #tpu.memory_space<vmem>>)
        %add3A_105 = arith.constant 1 : i32
        %add3A_106 = arith.addi %add3A_87, %add3A_105 : i32
        %lt3A = arith.cmpi slt, %add3A_106, %min3A_31 : i32
        %convert_element_type3A_107 = arith.extui %lt3A : i1 to i32
        %cond3A_108 = arith.constant 0 : i32
        %cond3A_109 = arith.cmpi ne, %convert_element_type3A_107, %cond3A_108 : i32
        scf.if %cond3A_109 {
          %add3A_110 = arith.constant 1 : i32
          %add3A_111 = arith.addi %add3A_87, %add3A_110 : i32
          %dma_start3A_112 = arith.constant 0 : i32
          %dma_start3A_113 = tpu.memref_slice %arg5[%add3A_111, %dma_start3A_112] : memref<40x128xi32, #tpu.memory_space<vmem>> -> memref<1x128xi32, #tpu.memory_space<vmem>>
          %dma_start3A_114 = tpu.memref_squeeze %dma_start3A_113 : memref<1x128xi32, #tpu.memory_space<vmem>> -> memref<128xi32, #tpu.memory_space<vmem>>
          %dma_start3A_115 = arith.constant 0 : i32
          %dma_start3A_116 = arith.constant 0 : i32
          %dma_start3A_117 = tpu.memref_slice %arg2[%dma_start3A_115, %dma_start3A_116] : memref<10000x128xf32, #tpu.memory_space<hbm>> -> memref<10000x128xf32, #tpu.memory_space<hbm>>
          tpu.enqueue_indirect_dma source(%dma_start3A_117 : memref<10000x128xf32, #tpu.memory_space<hbm>>) target(%arg7 : memref<128x128xf32, #tpu.memory_space<vmem>>) offsets(%dma_start3A_114 : memref<128xi32, #tpu.memory_space<vmem>>) semaphore(%arg10 : memref<!tpu.dma_semaphore, #tpu.memory_space<semaphore_mem>>)
        } else {
        }
        "tpu.region"() ({
          %run_scoped3A_110 = tpu.sem_alloc : memref<!tpu.dma_semaphore, #tpu.memory_space<semaphore_mem>>
          %dma_start3A_111 = arith.constant 0 : i32
          %dma_start3A_112 = tpu.memref_slice %arg6[%add3A_87, %dma_start3A_111] : memref<40x128xi32, #tpu.memory_space<vmem>> -> memref<1x128xi32, #tpu.memory_space<vmem>>
          %dma_start3A_113 = tpu.memref_squeeze %dma_start3A_112 : memref<1x128xi32, #tpu.memory_space<vmem>> -> memref<128xi32, #tpu.memory_space<vmem>>
          %dma_start3A_114 = arith.constant 0 : i32
          %dma_start3A_115 = arith.constant 0 : i32
          %dma_start3A_116 = tpu.memref_slice %arg9[%dma_start3A_114, %dma_start3A_115] : memref<10240x128xf32, #tpu.memory_space<vmem_shared>> -> memref<10240x128xf32, #tpu.memory_space<vmem_shared>>
          tpu.enqueue_indirect_dma source(%arg8 : memref<128x128xf32, #tpu.memory_space<vmem>>) target(%dma_start3A_116 : memref<10240x128xf32, #tpu.memory_space<vmem_shared>>) offsets(%dma_start3A_113 : memref<128xi32, #tpu.memory_space<vmem>>) semaphore(%run_scoped3A_110 : memref<!tpu.dma_semaphore, #tpu.memory_space<semaphore_mem>>) {add = true}
          %dma_wait3A_117 = arith.constant 0 : i32
          %dma_wait3A_118 = tpu.memref_slice %arg6[%add3A_87, %dma_wait3A_117] : memref<40x128xi32, #tpu.memory_space<vmem>> -> memref<1x128xi32, #tpu.memory_space<vmem>>
          %dma_wait3A_119 = tpu.memref_squeeze %dma_wait3A_118 : memref<1x128xi32, #tpu.memory_space<vmem>> -> memref<128xi32, #tpu.memory_space<vmem>>
          %dma_wait3A_120 = arith.constant 0 : i32
          %dma_wait3A_121 = arith.constant 0 : i32
          %dma_wait3A_122 = tpu.memref_slice %arg9[%dma_wait3A_120, %dma_wait3A_121] : memref<10240x128xf32, #tpu.memory_space<vmem_shared>> -> memref<10240x128xf32, #tpu.memory_space<vmem_shared>>
          tpu.wait_indirect_dma semaphore(%run_scoped3A_110 : memref<!tpu.dma_semaphore, #tpu.memory_space<semaphore_mem>>) src(%arg8 : memref<128x128xf32, #tpu.memory_space<vmem>>) dst(%dma_wait3A_122 : memref<10240x128xf32, #tpu.memory_space<vmem_shared>>)
          tpu.yield
        }) : () -> ()
      }
      %while3A_82 = arith.constant 1 : i32
      scf.for %while3A_83 = %while3A_80 to %while3A_76 step %while3A_82  : i32 {
        %mul3A_84 = arith.constant 2 : i32
        %mul3A_85 = arith.muli %mul3A_84, %while3A_83 : i32
        %add3A_86 = arith.constant 1 : i32
        %add3A_87 = arith.addi %mul3A_85, %add3A_86 : i32
        %dma_wait3A = arith.constant 0 : i32
        %dma_wait3A_88 = tpu.memref_slice %arg5[%mul3A_85, %dma_wait3A] : memref<40x128xi32, #tpu.memory_space<vmem>> -> memref<1x128xi32, #tpu.memory_space<vmem>>
        %dma_wait3A_89 = tpu.memref_squeeze %dma_wait3A_88 : memref<1x128xi32, #tpu.memory_space<vmem>> -> memref<128xi32, #tpu.memory_space<vmem>>
        %dma_wait3A_90 = arith.constant 0 : i32
        %dma_wait3A_91 = arith.constant 0 : i32
        %dma_wait3A_92 = tpu.memref_slice %arg2[%dma_wait3A_90, %dma_wait3A_91] : memref<10000x128xf32, #tpu.memory_space<hbm>> -> memref<10000x128xf32, #tpu.memory_space<hbm>>
        tpu.wait_indirect_dma semaphore(%arg10 : memref<!tpu.dma_semaphore, #tpu.memory_space<semaphore_mem>>) src(%dma_wait3A_92 : memref<10000x128xf32, #tpu.memory_space<hbm>>) dst(%arg7 : memref<128x128xf32, #tpu.memory_space<vmem>>)
        %dma_start3A_93 = arith.constant 0 : i32
        %dma_start3A_94 = tpu.memref_slice %arg5[%add3A_87, %dma_start3A_93] : memref<40x128xi32, #tpu.memory_space<vmem>> -> memref<1x128xi32, #tpu.memory_space<vmem>>
        %dma_start3A_95 = tpu.memref_squeeze %dma_start3A_94 : memref<1x128xi32, #tpu.memory_space<vmem>> -> memref<128xi32, #tpu.memory_space<vmem>>
        %dma_start3A_96 = arith.constant 0 : i32
        %dma_start3A_97 = arith.constant 0 : i32
        %dma_start3A_98 = tpu.memref_slice %arg2[%dma_start3A_96, %dma_start3A_97] : memref<10000x128xf32, #tpu.memory_space<hbm>> -> memref<10000x128xf32, #tpu.memory_space<hbm>>
        tpu.enqueue_indirect_dma source(%dma_start3A_98 : memref<10000x128xf32, #tpu.memory_space<hbm>>) target(%arg8 : memref<128x128xf32, #tpu.memory_space<vmem>>) offsets(%dma_start3A_95 : memref<128xi32, #tpu.memory_space<vmem>>) semaphore(%arg11 : memref<!tpu.dma_semaphore, #tpu.memory_space<semaphore_mem>>)
        "tpu.region"() ({
          %run_scoped3A_110 = tpu.sem_alloc : memref<!tpu.dma_semaphore, #tpu.memory_space<semaphore_mem>>
          %dma_start3A_111 = arith.constant 0 : i32
          %dma_start3A_112 = tpu.memref_slice %arg6[%mul3A_85, %dma_start3A_111] : memref<40x128xi32, #tpu.memory_space<vmem>> -> memref<1x128xi32, #tpu.memory_space<vmem>>
          %dma_start3A_113 = tpu.memref_squeeze %dma_start3A_112 : memref<1x128xi32, #tpu.memory_space<vmem>> -> memref<128xi32, #tpu.memory_space<vmem>>
          %dma_start3A_114 = arith.constant 0 : i32
          %dma_start3A_115 = arith.constant 0 : i32
          %dma_start3A_116 = tpu.memref_slice %arg9[%dma_start3A_114, %dma_start3A_115] : memref<10240x128xf32, #tpu.memory_space<vmem_shared>> -> memref<10240x128xf32, #tpu.memory_space<vmem_shared>>
          tpu.enqueue_indirect_dma source(%arg7 : memref<128x128xf32, #tpu.memory_space<vmem>>) target(%dma_start3A_116 : memref<10240x128xf32, #tpu.memory_space<vmem_shared>>) offsets(%dma_start3A_113 : memref<128xi32, #tpu.memory_space<vmem>>) semaphore(%run_scoped3A_110 : memref<!tpu.dma_semaphore, #tpu.memory_space<semaphore_mem>>) {add = true}
          %dma_wait3A_117 = arith.constant 0 : i32
          %dma_wait3A_118 = tpu.memref_slice %arg6[%mul3A_85, %dma_wait3A_117] : memref<40x128xi32, #tpu.memory_space<vmem>> -> memref<1x128xi32, #tpu.memory_space<vmem>>
          %dma_wait3A_119 = tpu.memref_squeeze %dma_wait3A_118 : memref<1x128xi32, #tpu.memory_space<vmem>> -> memref<128xi32, #tpu.memory_space<vmem>>
          %dma_wait3A_120 = arith.constant 0 : i32
          %dma_wait3A_121 = arith.constant 0 : i32
          %dma_wait3A_122 = tpu.memref_slice %arg9[%dma_wait3A_120, %dma_wait3A_121] : memref<10240x128xf32, #tpu.memory_space<vmem_shared>> -> memref<10240x128xf32, #tpu.memory_space<vmem_shared>>
          tpu.wait_indirect_dma semaphore(%run_scoped3A_110 : memref<!tpu.dma_semaphore, #tpu.memory_space<semaphore_mem>>) src(%arg7 : memref<128x128xf32, #tpu.memory_space<vmem>>) dst(%dma_wait3A_122 : memref<10240x128xf32, #tpu.memory_space<vmem_shared>>)
          tpu.yield
        }) : () -> ()
        %dma_wait3A_99 = arith.constant 0 : i32
        %dma_wait3A_100 = tpu.memref_slice %arg5[%add3A_87, %dma_wait3A_99] : memref<40x128xi32, #tpu.memory_space<vmem>> -> memref<1x128xi32, #tpu.memory_space<vmem>>
        %dma_wait3A_101 = tpu.memref_squeeze %dma_wait3A_100 : memref<1x128xi32, #tpu.memory_space<vmem>> -> memref<128xi32, #tpu.memory_space<vmem>>
        %dma_wait3A_102 = arith.constant 0 : i32
        %dma_wait3A_103 = arith.constant 0 : i32
        %dma_wait3A_104 = tpu.memref_slice %arg2[%dma_wait3A_102, %dma_wait3A_103] : memref<10000x128xf32, #tpu.memory_space<hbm>> -> memref<10000x128xf32, #tpu.memory_space<hbm>>
        tpu.wait_indirect_dma semaphore(%arg11 : memref<!tpu.dma_semaphore, #tpu.memory_space<semaphore_mem>>) src(%dma_wait3A_104 : memref<10000x128xf32, #tpu.memory_space<hbm>>) dst(%arg8 : memref<128x128xf32, #tpu.memory_space<vmem>>)
        %add3A_105 = arith.constant 1 : i32
        %add3A_106 = arith.addi %add3A_87, %add3A_105 : i32
        %lt3A = arith.cmpi slt, %add3A_106, %min3A_31 : i32
        %convert_element_type3A_107 = arith.extui %lt3A : i1 to i32
        %cond3A_108 = arith.constant 0 : i32
        %cond3A_109 = arith.cmpi ne, %convert_element_type3A_107, %cond3A_108 : i32
        scf.if %cond3A_109 {
          %add3A_110 = arith.constant 1 : i32
          %add3A_111 = arith.addi %add3A_87, %add3A_110 : i32
          %dma_start3A_112 = arith.constant 0 : i32
          %dma_start3A_113 = tpu.memref_slice %arg5[%add3A_111, %dma_start3A_112] : memref<40x128xi32, #tpu.memory_space<vmem>> -> memref<1x128xi32, #tpu.memory_space<vmem>>
          %dma_start3A_114 = tpu.memref_squeeze %dma_start3A_113 : memref<1x128xi32, #tpu.memory_space<vmem>> -> memref<128xi32, #tpu.memory_space<vmem>>
          %dma_start3A_115 = arith.constant 0 : i32
          %dma_start3A_116 = arith.constant 0 : i32
          %dma_start3A_117 = tpu.memref_slice %arg2[%dma_start3A_115, %dma_start3A_116] : memref<10000x128xf32, #tpu.memory_space<hbm>> -> memref<10000x128xf32, #tpu.memory_space<hbm>>
          tpu.enqueue_indirect_dma source(%dma_start3A_117 : memref<10000x128xf32, #tpu.memory_space<hbm>>) target(%arg7 : memref<128x128xf32, #tpu.memory_space<vmem>>) offsets(%dma_start3A_114 : memref<128xi32, #tpu.memory_space<vmem>>) semaphore(%arg10 : memref<!tpu.dma_semaphore, #tpu.memory_space<semaphore_mem>>)
        } else {
        }
        "tpu.region"() ({
          %run_scoped3A_110 = tpu.sem_alloc : memref<!tpu.dma_semaphore, #tpu.memory_space<semaphore_mem>>
          %dma_start3A_111 = arith.constant 0 : i32
          %dma_start3A_112 = tpu.memref_slice %arg6[%add3A_87, %dma_start3A_111] : memref<40x128xi32, #tpu.memory_space<vmem>> -> memref<1x128xi32, #tpu.memory_space<vmem>>
          %dma_start3A_113 = tpu.memref_squeeze %dma_start3A_112 : memref<1x128xi32, #tpu.memory_space<vmem>> -> memref<128xi32, #tpu.memory_space<vmem>>
          %dma_start3A_114 = arith.constant 0 : i32
          %dma_start3A_115 = arith.constant 0 : i32
          %dma_start3A_116 = tpu.memref_slice %arg9[%dma_start3A_114, %dma_start3A_115] : memref<10240x128xf32, #tpu.memory_space<vmem_shared>> -> memref<10240x128xf32, #tpu.memory_space<vmem_shared>>
          tpu.enqueue_indirect_dma source(%arg8 : memref<128x128xf32, #tpu.memory_space<vmem>>) target(%dma_start3A_116 : memref<10240x128xf32, #tpu.memory_space<vmem_shared>>) offsets(%dma_start3A_113 : memref<128xi32, #tpu.memory_space<vmem>>) semaphore(%run_scoped3A_110 : memref<!tpu.dma_semaphore, #tpu.memory_space<semaphore_mem>>) {add = true}
          %dma_wait3A_117 = arith.constant 0 : i32
          %dma_wait3A_118 = tpu.memref_slice %arg6[%add3A_87, %dma_wait3A_117] : memref<40x128xi32, #tpu.memory_space<vmem>> -> memref<1x128xi32, #tpu.memory_space<vmem>>
          %dma_wait3A_119 = tpu.memref_squeeze %dma_wait3A_118 : memref<1x128xi32, #tpu.memory_space<vmem>> -> memref<128xi32, #tpu.memory_space<vmem>>
          %dma_wait3A_120 = arith.constant 0 : i32
          %dma_wait3A_121 = arith.constant 0 : i32
          %dma_wait3A_122 = tpu.memref_slice %arg9[%dma_wait3A_120, %dma_wait3A_121] : memref<10240x128xf32, #tpu.memory_space<vmem_shared>> -> memref<10240x128xf32, #tpu.memory_space<vmem_shared>>
          tpu.wait_indirect_dma semaphore(%run_scoped3A_110 : memref<!tpu.dma_semaphore, #tpu.memory_space<semaphore_mem>>) src(%arg8 : memref<128x128xf32, #tpu.memory_space<vmem>>) dst(%dma_wait3A_122 : memref<10240x128xf32, #tpu.memory_space<vmem_shared>>)
          tpu.yield
        }) : () -> ()
      }
    } else {
    }
    %sub3A_34 = arith.constant 40 : i32
    %sub3A_35 = arith.subi %min3A_26, %sub3A_34 : i32
    %jit3A_36 = arith.constant 0 : i32
    %jit3A_37 = arith.constant 40 : i32
    %max3A_38 = arith.maxsi %jit3A_36, %sub3A_35 : i32
    %min3A_39 = arith.minsi %jit3A_37, %max3A_38 : i32
    %gt3A_40 = arith.constant 0 : i32
    %gt3A_41 = arith.cmpi sgt, %min3A_39, %gt3A_40 : i32
    %convert_element_type3A_42 = arith.extui %gt3A_41 : i1 to i32
    %cond3A_43 = arith.constant 0 : i32
    %cond3A_44 = arith.cmpi ne, %convert_element_type3A_42, %cond3A_43 : i32
    scf.if %cond3A_44 {
      %add3A_46 = arith.constant 40 : i32
      %add3A_47 = arith.addi %multiple_of3A_21, %add3A_46 : i32
      %multiple_of3A_48 = tpu.assume_multiple %add3A_47, 8 : i32
      %run_scoped3A = arith.constant 0 : i32
      "tpu.region"() ({
        %run_scoped3A_83 = tpu.sem_alloc : memref<!tpu.dma_semaphore, #tpu.memory_space<semaphore_mem>>
        %dma_start3A_84 = arith.constant 0 : i32
        %dma_start3A_85 = tpu.memref_slice %arg3[%run_scoped3A, %multiple_of3A_48, %dma_start3A_84] : memref<2x2560x128xi32, #tpu.memory_space<hbm>> -> memref<1x40x128xi32, #tpu.memory_space<hbm>>
        %dma_start3A_86 = tpu.memref_squeeze %dma_start3A_85 : memref<1x40x128xi32, #tpu.memory_space<hbm>> -> memref<40x128xi32, #tpu.memory_space<hbm>>
        %dma_start3A_87 = arith.constant 0 : i32
        %dma_start3A_88 = tpu.memref_slice %arg3[%run_scoped3A, %multiple_of3A_48, %dma_start3A_87] : memref<2x2560x128xi32, #tpu.memory_space<hbm>> -> memref<1x40x128xi32, #tpu.memory_space<hbm>>
        %dma_start3A_89 = tpu.memref_squeeze %dma_start3A_88 : memref<1x40x128xi32, #tpu.memory_space<hbm>> -> memref<40x128xi32, #tpu.memory_space<hbm>>
        tpu.enqueue_dma source(%dma_start3A_89 : memref<40x128xi32, #tpu.memory_space<hbm>>) target(%arg5 : memref<40x128xi32, #tpu.memory_space<vmem>>) target_semaphore(%run_scoped3A_83 : memref<!tpu.dma_semaphore, #tpu.memory_space<semaphore_mem>>)
        %dma_wait3A = arith.constant 0 : i32
        %dma_wait3A_90 = tpu.memref_slice %arg3[%run_scoped3A, %multiple_of3A_48, %dma_wait3A] : memref<2x2560x128xi32, #tpu.memory_space<hbm>> -> memref<1x40x128xi32, #tpu.memory_space<hbm>>
        %dma_wait3A_91 = tpu.memref_squeeze %dma_wait3A_90 : memref<1x40x128xi32, #tpu.memory_space<hbm>> -> memref<40x128xi32, #tpu.memory_space<hbm>>
        %dma_wait3A_92 = arith.constant 0 : i32
        %dma_wait3A_93 = tpu.memref_slice %arg3[%run_scoped3A, %multiple_of3A_48, %dma_wait3A_92] : memref<2x2560x128xi32, #tpu.memory_space<hbm>> -> memref<1x40x128xi32, #tpu.memory_space<hbm>>
        %dma_wait3A_94 = tpu.memref_squeeze %dma_wait3A_93 : memref<1x40x128xi32, #tpu.memory_space<hbm>> -> memref<40x128xi32, #tpu.memory_space<hbm>>
        tpu.wait_dma2 semaphore(%run_scoped3A_83 : memref<!tpu.dma_semaphore, #tpu.memory_space<semaphore_mem>>) src(%dma_wait3A_94 : memref<40x128xi32, #tpu.memory_space<hbm>>) dst(%arg5 : memref<40x128xi32, #tpu.memory_space<vmem>>)
        tpu.yield
      }) : () -> ()
      %run_scoped3A_49 = arith.constant 1 : i32
      "tpu.region"() ({
        %run_scoped3A_83 = tpu.sem_alloc : memref<!tpu.dma_semaphore, #tpu.memory_space<semaphore_mem>>
        %dma_start3A_84 = arith.constant 0 : i32
        %dma_start3A_85 = tpu.memref_slice %arg3[%run_scoped3A_49, %multiple_of3A_48, %dma_start3A_84] : memref<2x2560x128xi32, #tpu.memory_space<hbm>> -> memref<1x40x128xi32, #tpu.memory_space<hbm>>
        %dma_start3A_86 = tpu.memref_squeeze %dma_start3A_85 : memref<1x40x128xi32, #tpu.memory_space<hbm>> -> memref<40x128xi32, #tpu.memory_space<hbm>>
        %dma_start3A_87 = arith.constant 0 : i32
        %dma_start3A_88 = tpu.memref_slice %arg3[%run_scoped3A_49, %multiple_of3A_48, %dma_start3A_87] : memref<2x2560x128xi32, #tpu.memory_space<hbm>> -> memref<1x40x128xi32, #tpu.memory_space<hbm>>
        %dma_start3A_89 = tpu.memref_squeeze %dma_start3A_88 : memref<1x40x128xi32, #tpu.memory_space<hbm>> -> memref<40x128xi32, #tpu.memory_space<hbm>>
        tpu.enqueue_dma source(%dma_start3A_89 : memref<40x128xi32, #tpu.memory_space<hbm>>) target(%arg6 : memref<40x128xi32, #tpu.memory_space<vmem>>) target_semaphore(%run_scoped3A_83 : memref<!tpu.dma_semaphore, #tpu.memory_space<semaphore_mem>>)
        %dma_wait3A = arith.constant 0 : i32
        %dma_wait3A_90 = tpu.memref_slice %arg3[%run_scoped3A_49, %multiple_of3A_48, %dma_wait3A] : memref<2x2560x128xi32, #tpu.memory_space<hbm>> -> memref<1x40x128xi32, #tpu.memory_space<hbm>>
        %dma_wait3A_91 = tpu.memref_squeeze %dma_wait3A_90 : memref<1x40x128xi32, #tpu.memory_space<hbm>> -> memref<40x128xi32, #tpu.memory_space<hbm>>
        %dma_wait3A_92 = arith.constant 0 : i32
        %dma_wait3A_93 = tpu.memref_slice %arg3[%run_scoped3A_49, %multiple_of3A_48, %dma_wait3A_92] : memref<2x2560x128xi32, #tpu.memory_space<hbm>> -> memref<1x40x128xi32, #tpu.memory_space<hbm>>
        %dma_wait3A_94 = tpu.memref_squeeze %dma_wait3A_93 : memref<1x40x128xi32, #tpu.memory_space<hbm>> -> memref<40x128xi32, #tpu.memory_space<hbm>>
        tpu.wait_dma2 semaphore(%run_scoped3A_83 : memref<!tpu.dma_semaphore, #tpu.memory_space<semaphore_mem>>) src(%dma_wait3A_94 : memref<40x128xi32, #tpu.memory_space<hbm>>) dst(%arg6 : memref<40x128xi32, #tpu.memory_space<vmem>>)
        tpu.yield
      }) : () -> ()
      %dma_start3A = arith.constant 0 : i32
      %dma_start3A_50 = arith.constant 0 : i32
      %dma_start3A_51 = tpu.memref_slice %arg5[%dma_start3A, %dma_start3A_50] : memref<40x128xi32, #tpu.memory_space<vmem>> -> memref<1x128xi32, #tpu.memory_space<vmem>>
      %dma_start3A_52 = tpu.memref_squeeze %dma_start3A_51 : memref<1x128xi32, #tpu.memory_space<vmem>> -> memref<128xi32, #tpu.memory_space<vmem>>
      %dma_start3A_53 = arith.constant 0 : i32
      %dma_start3A_54 = arith.constant 0 : i32
      %dma_start3A_55 = tpu.memref_slice %arg2[%dma_start3A_53, %dma_start3A_54] : memref<10000x128xf32, #tpu.memory_space<hbm>> -> memref<10000x128xf32, #tpu.memory_space<hbm>>
      tpu.enqueue_indirect_dma source(%dma_start3A_55 : memref<10000x128xf32, #tpu.memory_space<hbm>>) target(%arg7 : memref<128x128xf32, #tpu.memory_space<vmem>>) offsets(%dma_start3A_52 : memref<128xi32, #tpu.memory_space<vmem>>) semaphore(%arg10 : memref<!tpu.dma_semaphore, #tpu.memory_space<semaphore_mem>>)
      %jit3A_56 = arith.constant 2 : i32
      %div3A = arith.divsi %min3A_39, %jit3A_56 : i32
      %sign3A = arith.constant 0 : i32
      %sign3A_57 = arith.cmpi sgt, %min3A_39, %sign3A : i32
      %sign3A_58 = arith.extui %sign3A_57 : i1 to i32
      %sign3A_59 = arith.constant 0 : i32
      %sign3A_60 = arith.cmpi slt, %min3A_39, %sign3A_59 : i32
      %sign3A_61 = arith.extui %sign3A_60 : i1 to i32
      %sign3A_62 = arith.subi %sign3A_58, %sign3A_61 : i32
      %sign3A_63 = arith.constant 0 : i32
      %sign3A_64 = arith.cmpi sgt, %jit3A_56, %sign3A_63 : i32
      %sign3A_65 = arith.extui %sign3A_64 : i1 to i32
      %sign3A_66 = arith.constant 0 : i32
      %sign3A_67 = arith.cmpi slt, %jit3A_56, %sign3A_66 : i32
      %sign3A_68 = arith.extui %sign3A_67 : i1 to i32
      %sign3A_69 = arith.subi %sign3A_65, %sign3A_68 : i32
      %ne3A = arith.cmpi ne, %sign3A_62, %sign3A_69 : i32
      %rem3A = arith.remsi %min3A_39, %jit3A_56 : i32
      %ne3A_70 = arith.constant 0 : i32
      %ne3A_71 = arith.cmpi ne, %rem3A, %ne3A_70 : i32
      %and3A = arith.andi %ne3A, %ne3A_71 : i1
      %sub3A_72 = arith.constant 1 : i32
      %sub3A_73 = arith.subi %div3A, %sub3A_72 : i32
      %select_n3A = arith.select %and3A, %sub3A_73, %div3A : i32
      %while3A = arith.constant 0 : i32
      %while3A_74 = arith.constant 0 : i32
      %while3A_75 = arith.subi %select_n3A, %while3A_74 : i32
      %while3A_76 = arith.addi %while3A_74, %while3A_75 : i32
      %while3A_77 = arith.constant 1 : i32
      %while3A_78 = arith.divsi %while3A_75, %while3A_77 : i32
      %while3A_79 = arith.muli %while3A_78, %while3A_77 : i32
      %while3A_80 = arith.addi %while3A_74, %while3A_79 : i32
      %while3A_81 = arith.constant 1 : i32
      scf.for %while3A_83 = %while3A_74 to %while3A_80 step %while3A_81  : i32 {
        %mul3A_84 = arith.constant 2 : i32
        %mul3A_85 = arith.muli %mul3A_84, %while3A_83 : i32
        %add3A_86 = arith.constant 1 : i32
        %add3A_87 = arith.addi %mul3A_85, %add3A_86 : i32
        %dma_wait3A = arith.constant 0 : i32
        %dma_wait3A_88 = tpu.memref_slice %arg5[%mul3A_85, %dma_wait3A] : memref<40x128xi32, #tpu.memory_space<vmem>> -> memref<1x128xi32, #tpu.memory_space<vmem>>
        %dma_wait3A_89 = tpu.memref_squeeze %dma_wait3A_88 : memref<1x128xi32, #tpu.memory_space<vmem>> -> memref<128xi32, #tpu.memory_space<vmem>>
        %dma_wait3A_90 = arith.constant 0 : i32
        %dma_wait3A_91 = arith.constant 0 : i32
        %dma_wait3A_92 = tpu.memref_slice %arg2[%dma_wait3A_90, %dma_wait3A_91] : memref<10000x128xf32, #tpu.memory_space<hbm>> -> memref<10000x128xf32, #tpu.memory_space<hbm>>
        tpu.wait_indirect_dma semaphore(%arg10 : memref<!tpu.dma_semaphore, #tpu.memory_space<semaphore_mem>>) src(%dma_wait3A_92 : memref<10000x128xf32, #tpu.memory_space<hbm>>) dst(%arg7 : memref<128x128xf32, #tpu.memory_space<vmem>>)
        %dma_start3A_93 = arith.constant 0 : i32
        %dma_start3A_94 = tpu.memref_slice %arg5[%add3A_87, %dma_start3A_93] : memref<40x128xi32, #tpu.memory_space<vmem>> -> memref<1x128xi32, #tpu.memory_space<vmem>>
        %dma_start3A_95 = tpu.memref_squeeze %dma_start3A_94 : memref<1x128xi32, #tpu.memory_space<vmem>> -> memref<128xi32, #tpu.memory_space<vmem>>
        %dma_start3A_96 = arith.constant 0 : i32
        %dma_start3A_97 = arith.constant 0 : i32
        %dma_start3A_98 = tpu.memref_slice %arg2[%dma_start3A_96, %dma_start3A_97] : memref<10000x128xf32, #tpu.memory_space<hbm>> -> memref<10000x128xf32, #tpu.memory_space<hbm>>
        tpu.enqueue_indirect_dma source(%dma_start3A_98 : memref<10000x128xf32, #tpu.memory_space<hbm>>) target(%arg8 : memref<128x128xf32, #tpu.memory_space<vmem>>) offsets(%dma_start3A_95 : memref<128xi32, #tpu.memory_space<vmem>>) semaphore(%arg11 : memref<!tpu.dma_semaphore, #tpu.memory_space<semaphore_mem>>)
        "tpu.region"() ({
          %run_scoped3A_110 = tpu.sem_alloc : memref<!tpu.dma_semaphore, #tpu.memory_space<semaphore_mem>>
          %dma_start3A_111 = arith.constant 0 : i32
          %dma_start3A_112 = tpu.memref_slice %arg6[%mul3A_85, %dma_start3A_111] : memref<40x128xi32, #tpu.memory_space<vmem>> -> memref<1x128xi32, #tpu.memory_space<vmem>>
          %dma_start3A_113 = tpu.memref_squeeze %dma_start3A_112 : memref<1x128xi32, #tpu.memory_space<vmem>> -> memref<128xi32, #tpu.memory_space<vmem>>
          %dma_start3A_114 = arith.constant 0 : i32
          %dma_start3A_115 = arith.constant 0 : i32
          %dma_start3A_116 = tpu.memref_slice %arg9[%dma_start3A_114, %dma_start3A_115] : memref<10240x128xf32, #tpu.memory_space<vmem_shared>> -> memref<10240x128xf32, #tpu.memory_space<vmem_shared>>
          tpu.enqueue_indirect_dma source(%arg7 : memref<128x128xf32, #tpu.memory_space<vmem>>) target(%dma_start3A_116 : memref<10240x128xf32, #tpu.memory_space<vmem_shared>>) offsets(%dma_start3A_113 : memref<128xi32, #tpu.memory_space<vmem>>) semaphore(%run_scoped3A_110 : memref<!tpu.dma_semaphore, #tpu.memory_space<semaphore_mem>>) {add = true}
          %dma_wait3A_117 = arith.constant 0 : i32
          %dma_wait3A_118 = tpu.memref_slice %arg6[%mul3A_85, %dma_wait3A_117] : memref<40x128xi32, #tpu.memory_space<vmem>> -> memref<1x128xi32, #tpu.memory_space<vmem>>
          %dma_wait3A_119 = tpu.memref_squeeze %dma_wait3A_118 : memref<1x128xi32, #tpu.memory_space<vmem>> -> memref<128xi32, #tpu.memory_space<vmem>>
          %dma_wait3A_120 = arith.constant 0 : i32
          %dma_wait3A_121 = arith.constant 0 : i32
          %dma_wait3A_122 = tpu.memref_slice %arg9[%dma_wait3A_120, %dma_wait3A_121] : memref<10240x128xf32, #tpu.memory_space<vmem_shared>> -> memref<10240x128xf32, #tpu.memory_space<vmem_shared>>
          tpu.wait_indirect_dma semaphore(%run_scoped3A_110 : memref<!tpu.dma_semaphore, #tpu.memory_space<semaphore_mem>>) src(%arg7 : memref<128x128xf32, #tpu.memory_space<vmem>>) dst(%dma_wait3A_122 : memref<10240x128xf32, #tpu.memory_space<vmem_shared>>)
          tpu.yield
        }) : () -> ()
        %dma_wait3A_99 = arith.constant 0 : i32
        %dma_wait3A_100 = tpu.memref_slice %arg5[%add3A_87, %dma_wait3A_99] : memref<40x128xi32, #tpu.memory_space<vmem>> -> memref<1x128xi32, #tpu.memory_space<vmem>>
        %dma_wait3A_101 = tpu.memref_squeeze %dma_wait3A_100 : memref<1x128xi32, #tpu.memory_space<vmem>> -> memref<128xi32, #tpu.memory_space<vmem>>
        %dma_wait3A_102 = arith.constant 0 : i32
        %dma_wait3A_103 = arith.constant 0 : i32
        %dma_wait3A_104 = tpu.memref_slice %arg2[%dma_wait3A_102, %dma_wait3A_103] : memref<10000x128xf32, #tpu.memory_space<hbm>> -> memref<10000x128xf32, #tpu.memory_space<hbm>>
        tpu.wait_indirect_dma semaphore(%arg11 : memref<!tpu.dma_semaphore, #tpu.memory_space<semaphore_mem>>) src(%dma_wait3A_104 : memref<10000x128xf32, #tpu.memory_space<hbm>>) dst(%arg8 : memref<128x128xf32, #tpu.memory_space<vmem>>)
        %add3A_105 = arith.constant 1 : i32
        %add3A_106 = arith.addi %add3A_87, %add3A_105 : i32
        %lt3A = arith.cmpi slt, %add3A_106, %min3A_39 : i32
        %convert_element_type3A_107 = arith.extui %lt3A : i1 to i32
        %cond3A_108 = arith.constant 0 : i32
        %cond3A_109 = arith.cmpi ne, %convert_element_type3A_107, %cond3A_108 : i32
        scf.if %cond3A_109 {
          %add3A_110 = arith.constant 1 : i32
          %add3A_111 = arith.addi %add3A_87, %add3A_110 : i32
          %dma_start3A_112 = arith.constant 0 : i32
          %dma_start3A_113 = tpu.memref_slice %arg5[%add3A_111, %dma_start3A_112] : memref<40x128xi32, #tpu.memory_space<vmem>> -> memref<1x128xi32, #tpu.memory_space<vmem>>
          %dma_start3A_114 = tpu.memref_squeeze %dma_start3A_113 : memref<1x128xi32, #tpu.memory_space<vmem>> -> memref<128xi32, #tpu.memory_space<vmem>>
          %dma_start3A_115 = arith.constant 0 : i32
          %dma_start3A_116 = arith.constant 0 : i32
          %dma_start3A_117 = tpu.memref_slice %arg2[%dma_start3A_115, %dma_start3A_116] : memref<10000x128xf32, #tpu.memory_space<hbm>> -> memref<10000x128xf32, #tpu.memory_space<hbm>>
          tpu.enqueue_indirect_dma source(%dma_start3A_117 : memref<10000x128xf32, #tpu.memory_space<hbm>>) target(%arg7 : memref<128x128xf32, #tpu.memory_space<vmem>>) offsets(%dma_start3A_114 : memref<128xi32, #tpu.memory_space<vmem>>) semaphore(%arg10 : memref<!tpu.dma_semaphore, #tpu.memory_space<semaphore_mem>>)
        } else {
        }
        "tpu.region"() ({
          %run_scoped3A_110 = tpu.sem_alloc : memref<!tpu.dma_semaphore, #tpu.memory_space<semaphore_mem>>
          %dma_start3A_111 = arith.constant 0 : i32
          %dma_start3A_112 = tpu.memref_slice %arg6[%add3A_87, %dma_start3A_111] : memref<40x128xi32, #tpu.memory_space<vmem>> -> memref<1x128xi32, #tpu.memory_space<vmem>>
          %dma_start3A_113 = tpu.memref_squeeze %dma_start3A_112 : memref<1x128xi32, #tpu.memory_space<vmem>> -> memref<128xi32, #tpu.memory_space<vmem>>
          %dma_start3A_114 = arith.constant 0 : i32
          %dma_start3A_115 = arith.constant 0 : i32
          %dma_start3A_116 = tpu.memref_slice %arg9[%dma_start3A_114, %dma_start3A_115] : memref<10240x128xf32, #tpu.memory_space<vmem_shared>> -> memref<10240x128xf32, #tpu.memory_space<vmem_shared>>
          tpu.enqueue_indirect_dma source(%arg8 : memref<128x128xf32, #tpu.memory_space<vmem>>) target(%dma_start3A_116 : memref<10240x128xf32, #tpu.memory_space<vmem_shared>>) offsets(%dma_start3A_113 : memref<128xi32, #tpu.memory_space<vmem>>) semaphore(%run_scoped3A_110 : memref<!tpu.dma_semaphore, #tpu.memory_space<semaphore_mem>>) {add = true}
          %dma_wait3A_117 = arith.constant 0 : i32
          %dma_wait3A_118 = tpu.memref_slice %arg6[%add3A_87, %dma_wait3A_117] : memref<40x128xi32, #tpu.memory_space<vmem>> -> memref<1x128xi32, #tpu.memory_space<vmem>>
          %dma_wait3A_119 = tpu.memref_squeeze %dma_wait3A_118 : memref<1x128xi32, #tpu.memory_space<vmem>> -> memref<128xi32, #tpu.memory_space<vmem>>
          %dma_wait3A_120 = arith.constant 0 : i32
          %dma_wait3A_121 = arith.constant 0 : i32
          %dma_wait3A_122 = tpu.memref_slice %arg9[%dma_wait3A_120, %dma_wait3A_121] : memref<10240x128xf32, #tpu.memory_space<vmem_shared>> -> memref<10240x128xf32, #tpu.memory_space<vmem_shared>>
          tpu.wait_indirect_dma semaphore(%run_scoped3A_110 : memref<!tpu.dma_semaphore, #tpu.memory_space<semaphore_mem>>) src(%arg8 : memref<128x128xf32, #tpu.memory_space<vmem>>) dst(%dma_wait3A_122 : memref<10240x128xf32, #tpu.memory_space<vmem_shared>>)
          tpu.yield
        }) : () -> ()
      }
      %while3A_82 = arith.constant 1 : i32
      scf.for %while3A_83 = %while3A_80 to %while3A_76 step %while3A_82  : i32 {
        %mul3A_84 = arith.constant 2 : i32
        %mul3A_85 = arith.muli %mul3A_84, %while3A_83 : i32
        %add3A_86 = arith.constant 1 : i32
        %add3A_87 = arith.addi %mul3A_85, %add3A_86 : i32
        %dma_wait3A = arith.constant 0 : i32
        %dma_wait3A_88 = tpu.memref_slice %arg5[%mul3A_85, %dma_wait3A] : memref<40x128xi32, #tpu.memory_space<vmem>> -> memref<1x128xi32, #tpu.memory_space<vmem>>
        %dma_wait3A_89 = tpu.memref_squeeze %dma_wait3A_88 : memref<1x128xi32, #tpu.memory_space<vmem>> -> memref<128xi32, #tpu.memory_space<vmem>>
        %dma_wait3A_90 = arith.constant 0 : i32
        %dma_wait3A_91 = arith.constant 0 : i32
        %dma_wait3A_92 = tpu.memref_slice %arg2[%dma_wait3A_90, %dma_wait3A_91] : memref<10000x128xf32, #tpu.memory_space<hbm>> -> memref<10000x128xf32, #tpu.memory_space<hbm>>
        tpu.wait_indirect_dma semaphore(%arg10 : memref<!tpu.dma_semaphore, #tpu.memory_space<semaphore_mem>>) src(%dma_wait3A_92 : memref<10000x128xf32, #tpu.memory_space<hbm>>) dst(%arg7 : memref<128x128xf32, #tpu.memory_space<vmem>>)
        %dma_start3A_93 = arith.constant 0 : i32
        %dma_start3A_94 = tpu.memref_slice %arg5[%add3A_87, %dma_start3A_93] : memref<40x128xi32, #tpu.memory_space<vmem>> -> memref<1x128xi32, #tpu.memory_space<vmem>>
        %dma_start3A_95 = tpu.memref_squeeze %dma_start3A_94 : memref<1x128xi32, #tpu.memory_space<vmem>> -> memref<128xi32, #tpu.memory_space<vmem>>
        %dma_start3A_96 = arith.constant 0 : i32
        %dma_start3A_97 = arith.constant 0 : i32
        %dma_start3A_98 = tpu.memref_slice %arg2[%dma_start3A_96, %dma_start3A_97] : memref<10000x128xf32, #tpu.memory_space<hbm>> -> memref<10000x128xf32, #tpu.memory_space<hbm>>
        tpu.enqueue_indirect_dma source(%dma_start3A_98 : memref<10000x128xf32, #tpu.memory_space<hbm>>) target(%arg8 : memref<128x128xf32, #tpu.memory_space<vmem>>) offsets(%dma_start3A_95 : memref<128xi32, #tpu.memory_space<vmem>>) semaphore(%arg11 : memref<!tpu.dma_semaphore, #tpu.memory_space<semaphore_mem>>)
        "tpu.region"() ({
          %run_scoped3A_110 = tpu.sem_alloc : memref<!tpu.dma_semaphore, #tpu.memory_space<semaphore_mem>>
          %dma_start3A_111 = arith.constant 0 : i32
          %dma_start3A_112 = tpu.memref_slice %arg6[%mul3A_85, %dma_start3A_111] : memref<40x128xi32, #tpu.memory_space<vmem>> -> memref<1x128xi32, #tpu.memory_space<vmem>>
          %dma_start3A_113 = tpu.memref_squeeze %dma_start3A_112 : memref<1x128xi32, #tpu.memory_space<vmem>> -> memref<128xi32, #tpu.memory_space<vmem>>
          %dma_start3A_114 = arith.constant 0 : i32
          %dma_start3A_115 = arith.constant 0 : i32
          %dma_start3A_116 = tpu.memref_slice %arg9[%dma_start3A_114, %dma_start3A_115] : memref<10240x128xf32, #tpu.memory_space<vmem_shared>> -> memref<10240x128xf32, #tpu.memory_space<vmem_shared>>
          tpu.enqueue_indirect_dma source(%arg7 : memref<128x128xf32, #tpu.memory_space<vmem>>) target(%dma_start3A_116 : memref<10240x128xf32, #tpu.memory_space<vmem_shared>>) offsets(%dma_start3A_113 : memref<128xi32, #tpu.memory_space<vmem>>) semaphore(%run_scoped3A_110 : memref<!tpu.dma_semaphore, #tpu.memory_space<semaphore_mem>>) {add = true}
          %dma_wait3A_117 = arith.constant 0 : i32
          %dma_wait3A_118 = tpu.memref_slice %arg6[%mul3A_85, %dma_wait3A_117] : memref<40x128xi32, #tpu.memory_space<vmem>> -> memref<1x128xi32, #tpu.memory_space<vmem>>
          %dma_wait3A_119 = tpu.memref_squeeze %dma_wait3A_118 : memref<1x128xi32, #tpu.memory_space<vmem>> -> memref<128xi32, #tpu.memory_space<vmem>>
          %dma_wait3A_120 = arith.constant 0 : i32
          %dma_wait3A_121 = arith.constant 0 : i32
          %dma_wait3A_122 = tpu.memref_slice %arg9[%dma_wait3A_120, %dma_wait3A_121] : memref<10240x128xf32, #tpu.memory_space<vmem_shared>> -> memref<10240x128xf32, #tpu.memory_space<vmem_shared>>
          tpu.wait_indirect_dma semaphore(%run_scoped3A_110 : memref<!tpu.dma_semaphore, #tpu.memory_space<semaphore_mem>>) src(%arg7 : memref<128x128xf32, #tpu.memory_space<vmem>>) dst(%dma_wait3A_122 : memref<10240x128xf32, #tpu.memory_space<vmem_shared>>)
          tpu.yield
        }) : () -> ()
        %dma_wait3A_99 = arith.constant 0 : i32
        %dma_wait3A_100 = tpu.memref_slice %arg5[%add3A_87, %dma_wait3A_99] : memref<40x128xi32, #tpu.memory_space<vmem>> -> memref<1x128xi32, #tpu.memory_space<vmem>>
        %dma_wait3A_101 = tpu.memref_squeeze %dma_wait3A_100 : memref<1x128xi32, #tpu.memory_space<vmem>> -> memref<128xi32, #tpu.memory_space<vmem>>
        %dma_wait3A_102 = arith.constant 0 : i32
        %dma_wait3A_103 = arith.constant 0 : i32
        %dma_wait3A_104 = tpu.memref_slice %arg2[%dma_wait3A_102, %dma_wait3A_103] : memref<10000x128xf32, #tpu.memory_space<hbm>> -> memref<10000x128xf32, #tpu.memory_space<hbm>>
        tpu.wait_indirect_dma semaphore(%arg11 : memref<!tpu.dma_semaphore, #tpu.memory_space<semaphore_mem>>) src(%dma_wait3A_104 : memref<10000x128xf32, #tpu.memory_space<hbm>>) dst(%arg8 : memref<128x128xf32, #tpu.memory_space<vmem>>)
        %add3A_105 = arith.constant 1 : i32
        %add3A_106 = arith.addi %add3A_87, %add3A_105 : i32
        %lt3A = arith.cmpi slt, %add3A_106, %min3A_39 : i32
        %convert_element_type3A_107 = arith.extui %lt3A : i1 to i32
        %cond3A_108 = arith.constant 0 : i32
        %cond3A_109 = arith.cmpi ne, %convert_element_type3A_107, %cond3A_108 : i32
        scf.if %cond3A_109 {
          %add3A_110 = arith.constant 1 : i32
          %add3A_111 = arith.addi %add3A_87, %add3A_110 : i32
          %dma_start3A_112 = arith.constant 0 : i32
          %dma_start3A_113 = tpu.memref_slice %arg5[%add3A_111, %dma_start3A_112] : memref<40x128xi32, #tpu.memory_space<vmem>> -> memref<1x128xi32, #tpu.memory_space<vmem>>
          %dma_start3A_114 = tpu.memref_squeeze %dma_start3A_113 : memref<1x128xi32, #tpu.memory_space<vmem>> -> memref<128xi32, #tpu.memory_space<vmem>>
          %dma_start3A_115 = arith.constant 0 : i32
          %dma_start3A_116 = arith.constant 0 : i32
          %dma_start3A_117 = tpu.memref_slice %arg2[%dma_start3A_115, %dma_start3A_116] : memref<10000x128xf32, #tpu.memory_space<hbm>> -> memref<10000x128xf32, #tpu.memory_space<hbm>>
          tpu.enqueue_indirect_dma source(%dma_start3A_117 : memref<10000x128xf32, #tpu.memory_space<hbm>>) target(%arg7 : memref<128x128xf32, #tpu.memory_space<vmem>>) offsets(%dma_start3A_114 : memref<128xi32, #tpu.memory_space<vmem>>) semaphore(%arg10 : memref<!tpu.dma_semaphore, #tpu.memory_space<semaphore_mem>>)
        } else {
        }
        "tpu.region"() ({
          %run_scoped3A_110 = tpu.sem_alloc : memref<!tpu.dma_semaphore, #tpu.memory_space<semaphore_mem>>
          %dma_start3A_111 = arith.constant 0 : i32
          %dma_start3A_112 = tpu.memref_slice %arg6[%add3A_87, %dma_start3A_111] : memref<40x128xi32, #tpu.memory_space<vmem>> -> memref<1x128xi32, #tpu.memory_space<vmem>>
          %dma_start3A_113 = tpu.memref_squeeze %dma_start3A_112 : memref<1x128xi32, #tpu.memory_space<vmem>> -> memref<128xi32, #tpu.memory_space<vmem>>
          %dma_start3A_114 = arith.constant 0 : i32
          %dma_start3A_115 = arith.constant 0 : i32
          %dma_start3A_116 = tpu.memref_slice %arg9[%dma_start3A_114, %dma_start3A_115] : memref<10240x128xf32, #tpu.memory_space<vmem_shared>> -> memref<10240x128xf32, #tpu.memory_space<vmem_shared>>
          tpu.enqueue_indirect_dma source(%arg8 : memref<128x128xf32, #tpu.memory_space<vmem>>) target(%dma_start3A_116 : memref<10240x128xf32, #tpu.memory_space<vmem_shared>>) offsets(%dma_start3A_113 : memref<128xi32, #tpu.memory_space<vmem>>) semaphore(%run_scoped3A_110 : memref<!tpu.dma_semaphore, #tpu.memory_space<semaphore_mem>>) {add = true}
          %dma_wait3A_117 = arith.constant 0 : i32
          %dma_wait3A_118 = tpu.memref_slice %arg6[%add3A_87, %dma_wait3A_117] : memref<40x128xi32, #tpu.memory_space<vmem>> -> memref<1x128xi32, #tpu.memory_space<vmem>>
          %dma_wait3A_119 = tpu.memref_squeeze %dma_wait3A_118 : memref<1x128xi32, #tpu.memory_space<vmem>> -> memref<128xi32, #tpu.memory_space<vmem>>
          %dma_wait3A_120 = arith.constant 0 : i32
          %dma_wait3A_121 = arith.constant 0 : i32
          %dma_wait3A_122 = tpu.memref_slice %arg9[%dma_wait3A_120, %dma_wait3A_121] : memref<10240x128xf32, #tpu.memory_space<vmem_shared>> -> memref<10240x128xf32, #tpu.memory_space<vmem_shared>>
          tpu.wait_indirect_dma semaphore(%run_scoped3A_110 : memref<!tpu.dma_semaphore, #tpu.memory_space<semaphore_mem>>) src(%arg8 : memref<128x128xf32, #tpu.memory_space<vmem>>) dst(%dma_wait3A_122 : memref<10240x128xf32, #tpu.memory_space<vmem_shared>>)
          tpu.yield
        }) : () -> ()
      }
    } else {
    }
    %barrier3A_45 = arith.constant 0 : index
    tpu.barrier barrier_id(%barrier3A_45)
    "tpu.region"() ({
      %run_scoped3A = tpu.sem_alloc : memref<!tpu.dma_semaphore, #tpu.memory_space<semaphore_mem>>
      %dma_start3A = arith.constant 0 : i32
      %dma_start3A_46 = tpu.memref_slice %arg4[%arg0, %multiple_of3A, %dma_start3A] : memref<2x10240x128xf32, #tpu.memory_space<hbm>> -> memref<1x640x128xf32, #tpu.memory_space<hbm>>
      %dma_start3A_47 = tpu.memref_squeeze %dma_start3A_46 : memref<1x640x128xf32, #tpu.memory_space<hbm>> -> memref<640x128xf32, #tpu.memory_space<hbm>>
      %dma_start3A_48 = arith.constant 0 : i32
      %dma_start3A_49 = tpu.memref_slice %arg9[%multiple_of3A, %dma_start3A_48] : memref<10240x128xf32, #tpu.memory_space<vmem_shared>> -> memref<640x128xf32, #tpu.memory_space<vmem_shared>>
      tpu.enqueue_dma source(%dma_start3A_49 : memref<640x128xf32, #tpu.memory_space<vmem_shared>>) target(%dma_start3A_47 : memref<640x128xf32, #tpu.memory_space<hbm>>) target_semaphore(%run_scoped3A : memref<!tpu.dma_semaphore, #tpu.memory_space<semaphore_mem>>)
      %dma_wait3A = arith.constant 0 : i32
      %dma_wait3A_50 = tpu.memref_slice %arg4[%arg0, %multiple_of3A, %dma_wait3A] : memref<2x10240x128xf32, #tpu.memory_space<hbm>> -> memref<1x640x128xf32, #tpu.memory_space<hbm>>
      %dma_wait3A_51 = tpu.memref_squeeze %dma_wait3A_50 : memref<1x640x128xf32, #tpu.memory_space<hbm>> -> memref<640x128xf32, #tpu.memory_space<hbm>>
      %dma_wait3A_52 = arith.constant 0 : i32
      %dma_wait3A_53 = tpu.memref_slice %arg9[%multiple_of3A, %dma_wait3A_52] : memref<10240x128xf32, #tpu.memory_space<vmem_shared>> -> memref<640x128xf32, #tpu.memory_space<vmem_shared>>
      tpu.wait_dma2 semaphore(%run_scoped3A : memref<!tpu.dma_semaphore, #tpu.memory_space<semaphore_mem>>) src(%dma_wait3A_53 : memref<640x128xf32, #tpu.memory_space<vmem_shared>>) dst(%dma_wait3A_51 : memref<640x128xf32, #tpu.memory_space<hbm>>)
      tpu.yield
    }) : () -> ()
    return
  }
}

module attributes {stable_mosaic.version = 14 : i64} {
  func.func @_tc1_body(%arg0: i32, %arg1: memref<1024x128xf32, #tpu.memory_space<vmem>>, %arg2: memref<128x128xf32, #tpu.memory_space<vmem>>, %arg3: memref<2x16x2x1024xf32, #tpu.memory_space<vmem>>, %arg4: memref<1024x128xf32, #tpu.memory_space<vmem>>, %arg5: memref<2x1024xf32, #tpu.memory_space<vmem>>) attributes {dimension_semantics = [#tpu.dimension_semantics<arbitrary>], iteration_bounds = array<i64: 10>, scalar_prefetch = 0 : i64, scratch_operands = 0 : i64, tpu.core_type = #tpu.core_type<tc>, window_params = [{transform_indices = @transform_0, window_bounds = array<i64: 1024, 128>}, {pipeline_mode = #tpu.pipeline_mode<synchronous>, transform_indices = @transform_1, window_bounds = array<i64: 128, 128>}, {transform_indices = @transform_2, window_bounds = array<i64: 2, 16, 2, 1024>}, {transform_indices = @transform_3, window_bounds = array<i64: 1024, 128>}, {transform_indices = @transform_4, window_bounds = array<i64: 2, 1024>}]} {
    %get3A = arith.constant 0 : index
    %get3A_0 = arith.constant 0 : index
    %get3A_1 = arith.constant 0 : index
    %get3A_2 = arith.constant 0 : index
    %get3A_3 = vector.load %arg3[%get3A, %get3A_0, %get3A_1, %get3A_2] : memref<2x16x2x1024xf32, #tpu.memory_space<vmem>>, vector<2x16x2x1024xf32>
    %reduce_sum3A = arith.constant dense<0.000000e+00> : vector<2x1024xf32>
    %reduce_sum3A_4 = vector.multi_reduction <add>, %get3A_3, %reduce_sum3A [0, 1] : vector<2x16x2x1024xf32> to vector<2x1024xf32>
    %slice3A = vector.extract_strided_slice %reduce_sum3A_4 {offsets = [0, 0], sizes = [1, 1024], strides = [1, 1]} : vector<2x1024xf32> to vector<1x1024xf32>
    %squeeze3A = vector.shape_cast %slice3A : vector<1x1024xf32> to vector<1024xf32>
    %max3A = arith.constant 1.000000e+00 : f32
    %max3A_5 = vector.broadcast %max3A : f32 to vector<1024xf32>
    %max3A_6 = arith.maximumf %squeeze3A, %max3A_5 : vector<1024xf32>
    %rsqrt3A = math.rsqrt %max3A_6 : vector<1024xf32>
    %slice3A_7 = vector.extract_strided_slice %reduce_sum3A_4 {offsets = [1, 0], sizes = [1, 1024], strides = [1, 1]} : vector<2x1024xf32> to vector<1x1024xf32>
    %squeeze3A_8 = vector.shape_cast %slice3A_7 : vector<1x1024xf32> to vector<1024xf32>
    %max3A_9 = arith.constant 1.000000e+00 : f32
    %max3A_10 = vector.broadcast %max3A_9 : f32 to vector<1024xf32>
    %max3A_11 = arith.maximumf %squeeze3A_8, %max3A_10 : vector<1024xf32>
    %rsqrt3A_12 = math.rsqrt %max3A_11 : vector<1024xf32>
    %swap3A = arith.constant 0 : index
    %swap3A_13 = arith.constant 0 : index
    %swap3A_14 = vector.load %arg5[%swap3A, %swap3A_13] : memref<2x1024xf32, #tpu.memory_space<vmem>>, vector<1x1024xf32>
    %swap3A_15 = vector.shape_cast %swap3A_14 : vector<1x1024xf32> to vector<1024xf32>
    %swap3A_16 = vector.shape_cast %rsqrt3A : vector<1024xf32> to vector<1x1024xf32>
    tpu.vector_store %arg5[%swap3A, %swap3A_13], %swap3A_16 {strides = array<i32>} : memref<2x1024xf32, #tpu.memory_space<vmem>>, vector<1x1024xf32>,
    %swap3A_17 = arith.constant 1 : index
    %swap3A_18 = arith.constant 0 : index
    %swap3A_19 = vector.load %arg5[%swap3A_17, %swap3A_18] : memref<2x1024xf32, #tpu.memory_space<vmem>>, vector<1x1024xf32>
    %swap3A_20 = vector.shape_cast %swap3A_19 : vector<1x1024xf32> to vector<1024xf32>
    %swap3A_21 = vector.shape_cast %rsqrt3A_12 : vector<1024xf32> to vector<1x1024xf32>
    tpu.vector_store %arg5[%swap3A_17, %swap3A_18], %swap3A_21 {strides = array<i32>} : memref<2x1024xf32, #tpu.memory_space<vmem>>, vector<1x1024xf32>,
    %get3A_22 = arith.constant 0 : index
    %get3A_23 = arith.constant 0 : index
    %get3A_24 = vector.load %arg1[%get3A_22, %get3A_23] : memref<1024x128xf32, #tpu.memory_space<vmem>>, vector<1024x128xf32>
    %get3A_25 = arith.constant 0 : index
    %get3A_26 = arith.constant 0 : index
    %get3A_27 = vector.load %arg2[%get3A_25, %get3A_26] : memref<128x128xf32, #tpu.memory_space<vmem>>, vector<128x128xf32>
    %dot_general3A = arith.constant dense<0.000000e+00> : vector<1024x128xf32>
    %dot_general3A_28 = tpu.matmul %get3A_24, %get3A_27, %dot_general3A {dimension_numbers = #tpu.dot_dimension_numbers<[1], [0], [0], [1], [0, 0, 1, 1], [], []>, transpose_lhs_hint = false} : vector<1024x128xf32>, vector<128x128xf32>, vector<1024x128xf32> -> vector<1024x128xf32>
    %broadcast_in_dim3A = vector.shape_cast %rsqrt3A : vector<1024xf32> to vector<1024x1xf32>
    %mul3A = vector.broadcast %broadcast_in_dim3A : vector<1024x1xf32> to vector<1024x128xf32>
    %mul3A_29 = arith.mulf %dot_general3A_28, %mul3A : vector<1024x128xf32>
    %swap3A_30 = arith.constant 0 : index
    %swap3A_31 = arith.constant 0 : index
    %swap3A_32 = vector.load %arg4[%swap3A_30, %swap3A_31] : memref<1024x128xf32, #tpu.memory_space<vmem>>, vector<1024x128xf32>
    tpu.vector_store %arg4[%swap3A_30, %swap3A_31], %mul3A_29 {strides = array<i32>} : memref<1024x128xf32, #tpu.memory_space<vmem>>, vector<1024x128xf32>,
    return
  }
  func.func @transform_0(%arg0: i32) -> (i32, i32) {
    %c0_i32 = arith.constant 0 : i32
    %c0_i32_0 = arith.constant 0 : i32
    return %arg0, %c0_i32 : i32, i32
  }
  func.func @transform_1(%arg0: i32) -> (i32, i32) {
    %c0_i32 = arith.constant 0 : i32
    %c0_i32_0 = arith.constant 0 : i32
    %c0_i32_1 = arith.constant 0 : i32
    return %c0_i32, %c0_i32_0 : i32, i32
  }
  func.func @transform_2(%arg0: i32) -> (i32, i32, i32, i32) {
    %c0_i32 = arith.constant 0 : i32
    %c0_i32_0 = arith.constant 0 : i32
    %c0_i32_1 = arith.constant 0 : i32
    %c0_i32_2 = arith.constant 0 : i32
    return %c0_i32, %c0_i32_0, %c0_i32_1, %arg0 : i32, i32, i32, i32
  }
  func.func @transform_3(%arg0: i32) -> (i32, i32) {
    %c0_i32 = arith.constant 0 : i32
    %c0_i32_0 = arith.constant 0 : i32
    return %arg0, %c0_i32 : i32, i32
  }
  func.func @transform_4(%arg0: i32) -> (i32, i32) {
    %c0_i32 = arith.constant 0 : i32
    %c0_i32_0 = arith.constant 0 : i32
    return %c0_i32, %arg0 : i32, i32
  }
}

module attributes {stable_mosaic.version = 14 : i64} {
  func.func @_tc2_body(%arg0: i32, %arg1: memref<2x1024x128xf32, #tpu.memory_space<vmem>>, %arg2: memref<2x1024xf32, #tpu.memory_space<vmem>>, %arg3: memref<1x128xf32, #tpu.memory_space<vmem>>, %arg4: memref<1024x128xf32, #tpu.memory_space<vmem>>, %arg5: memref<1024x128xf32, #tpu.memory_space<vmem>>) attributes {dimension_semantics = [#tpu.dimension_semantics<arbitrary>], iteration_bounds = array<i64: 10>, scalar_prefetch = 0 : i64, scratch_operands = 0 : i64, tpu.core_type = #tpu.core_type<tc>, window_params = [{transform_indices = @transform_0, window_bounds = array<i64: 2, 1024, 128>}, {transform_indices = @transform_1, window_bounds = array<i64: 2, 1024>}, {pipeline_mode = #tpu.pipeline_mode<synchronous>, transform_indices = @transform_2, window_bounds = array<i64: 1, 128>}, {transform_indices = @transform_3, window_bounds = array<i64: 1024, 128>}, {transform_indices = @transform_4, window_bounds = array<i64: 1024, 128>}]} {
    %get3A = arith.constant 0 : index
    %get3A_0 = arith.constant 0 : index
    %get3A_1 = vector.load %arg2[%get3A, %get3A_0] : memref<2x1024xf32, #tpu.memory_space<vmem>>, vector<1x1024xf32>
    %get3A_2 = vector.shape_cast %get3A_1 : vector<1x1024xf32> to vector<1024xf32>
    %get3A_3 = arith.constant 1 : index
    %get3A_4 = arith.constant 0 : index
    %get3A_5 = vector.load %arg2[%get3A_3, %get3A_4] : memref<2x1024xf32, #tpu.memory_space<vmem>>, vector<1x1024xf32>
    %get3A_6 = vector.shape_cast %get3A_5 : vector<1x1024xf32> to vector<1024xf32>
    %get3A_7 = arith.constant 0 : index
    %get3A_8 = arith.constant 0 : index
    %get3A_9 = arith.constant 0 : index
    %get3A_10 = vector.load %arg1[%get3A_7, %get3A_8, %get3A_9] : memref<2x1024x128xf32, #tpu.memory_space<vmem>>, vector<1x1024x128xf32>
    %get3A_11 = vector.shape_cast %get3A_10 : vector<1x1024x128xf32> to vector<1024x128xf32>
    %get3A_12 = arith.constant 1 : index
    %get3A_13 = arith.constant 0 : index
    %get3A_14 = arith.constant 0 : index
    %get3A_15 = vector.load %arg1[%get3A_12, %get3A_13, %get3A_14] : memref<2x1024x128xf32, #tpu.memory_space<vmem>>, vector<1x1024x128xf32>
    %get3A_16 = vector.shape_cast %get3A_15 : vector<1x1024x128xf32> to vector<1024x128xf32>
    %add3A = arith.addf %get3A_11, %get3A_16 : vector<1024x128xf32>
    %broadcast_in_dim3A = vector.shape_cast %get3A_6 : vector<1024xf32> to vector<1024x1xf32>
    %mul3A = vector.broadcast %broadcast_in_dim3A : vector<1024x1xf32> to vector<1024x128xf32>
    %mul3A_17 = arith.mulf %add3A, %mul3A : vector<1024x128xf32>
    %get3A_18 = arith.constant 0 : index
    %get3A_19 = arith.constant 0 : index
    %get3A_20 = vector.load %arg3[%get3A_18, %get3A_19] : memref<1x128xf32, #tpu.memory_space<vmem>>, vector<1x128xf32>
    %add3A_21 = vector.broadcast %get3A_20 : vector<1x128xf32> to vector<1024x128xf32>
    %add3A_22 = arith.addf %mul3A_17, %add3A_21 : vector<1024x128xf32>
    %max3A = arith.constant 0.000000e+00 : f32
    %max3A_23 = vector.broadcast %max3A : f32 to vector<1024x128xf32>
    %max3A_24 = arith.maximumf %add3A_22, %max3A_23 : vector<1024x128xf32>
    %swap3A = arith.constant 0 : index
    %swap3A_25 = arith.constant 0 : index
    %swap3A_26 = vector.load %arg4[%swap3A, %swap3A_25] : memref<1024x128xf32, #tpu.memory_space<vmem>>, vector<1024x128xf32>
    tpu.vector_store %arg4[%swap3A, %swap3A_25], %max3A_24 {strides = array<i32>} : memref<1024x128xf32, #tpu.memory_space<vmem>>, vector<1024x128xf32>,
    %broadcast_in_dim3A_27 = vector.shape_cast %get3A_2 : vector<1024xf32> to vector<1024x1xf32>
    %mul3A_28 = vector.broadcast %broadcast_in_dim3A_27 : vector<1024x1xf32> to vector<1024x128xf32>
    %mul3A_29 = arith.mulf %max3A_24, %mul3A_28 : vector<1024x128xf32>
    %swap3A_30 = arith.constant 0 : index
    %swap3A_31 = arith.constant 0 : index
    %swap3A_32 = vector.load %arg5[%swap3A_30, %swap3A_31] : memref<1024x128xf32, #tpu.memory_space<vmem>>, vector<1024x128xf32>
    tpu.vector_store %arg5[%swap3A_30, %swap3A_31], %mul3A_29 {strides = array<i32>} : memref<1024x128xf32, #tpu.memory_space<vmem>>, vector<1024x128xf32>,
    return
  }
  func.func @transform_0(%arg0: i32) -> (i32, i32, i32) {
    %c0_i32 = arith.constant 0 : i32
    %c0_i32_0 = arith.constant 0 : i32
    %c0_i32_1 = arith.constant 0 : i32
    return %c0_i32, %arg0, %c0_i32_0 : i32, i32, i32
  }
  func.func @transform_1(%arg0: i32) -> (i32, i32) {
    %c0_i32 = arith.constant 0 : i32
    %c0_i32_0 = arith.constant 0 : i32
    return %c0_i32, %arg0 : i32, i32
  }
  func.func @transform_2(%arg0: i32) -> (i32, i32) {
    %c0_i32 = arith.constant 0 : i32
    %c0_i32_0 = arith.constant 0 : i32
    %c0_i32_1 = arith.constant 0 : i32
    return %c0_i32, %c0_i32_0 : i32, i32
  }
  func.func @transform_3(%arg0: i32) -> (i32, i32) {
    %c0_i32 = arith.constant 0 : i32
    %c0_i32_0 = arith.constant 0 : i32
    return %arg0, %c0_i32 : i32, i32
  }
  func.func @transform_4(%arg0: i32) -> (i32, i32) {
    %c0_i32 = arith.constant 0 : i32
    %c0_i32_0 = arith.constant 0 : i32
    return %arg0, %c0_i32 : i32, i32
  }
}

module attributes {stable_mosaic.version = 14 : i64} {
  func.func @_tc3_body(%arg0: i32, %arg1: memref<2x1024x128xf32, #tpu.memory_space<vmem>>, %arg2: memref<2x1024xf32, #tpu.memory_space<vmem>>, %arg3: memref<64x128xf32, #tpu.memory_space<vmem>>, %arg4: memref<1x64xf32, #tpu.memory_space<vmem>>, %arg5: memref<64x1024xf32, #tpu.memory_space<vmem>>) attributes {dimension_semantics = [#tpu.dimension_semantics<arbitrary>], iteration_bounds = array<i64: 10>, scalar_prefetch = 0 : i64, scratch_operands = 0 : i64, tpu.core_type = #tpu.core_type<tc>, window_params = [{transform_indices = @transform_0, window_bounds = array<i64: 2, 1024, 128>}, {transform_indices = @transform_1, window_bounds = array<i64: 2, 1024>}, {pipeline_mode = #tpu.pipeline_mode<synchronous>, transform_indices = @transform_2, window_bounds = array<i64: 64, 128>}, {pipeline_mode = #tpu.pipeline_mode<synchronous>, transform_indices = @transform_3, window_bounds = array<i64: 1, 64>}, {transform_indices = @transform_4, window_bounds = array<i64: 64, 1024>}]} {
    %get3A = arith.constant 1 : index
    %get3A_0 = arith.constant 0 : index
    %get3A_1 = vector.load %arg2[%get3A, %get3A_0] : memref<2x1024xf32, #tpu.memory_space<vmem>>, vector<1x1024xf32>
    %get3A_2 = vector.shape_cast %get3A_1 : vector<1x1024xf32> to vector<1024xf32>
    %get3A_3 = arith.constant 0 : index
    %get3A_4 = arith.constant 0 : index
    %get3A_5 = arith.constant 0 : index
    %get3A_6 = vector.load %arg1[%get3A_3, %get3A_4, %get3A_5] : memref<2x1024x128xf32, #tpu.memory_space<vmem>>, vector<1x1024x128xf32>
    %get3A_7 = vector.shape_cast %get3A_6 : vector<1x1024x128xf32> to vector<1024x128xf32>
    %get3A_8 = arith.constant 1 : index
    %get3A_9 = arith.constant 0 : index
    %get3A_10 = arith.constant 0 : index
    %get3A_11 = vector.load %arg1[%get3A_8, %get3A_9, %get3A_10] : memref<2x1024x128xf32, #tpu.memory_space<vmem>>, vector<1x1024x128xf32>
    %get3A_12 = vector.shape_cast %get3A_11 : vector<1x1024x128xf32> to vector<1024x128xf32>
    %add3A = arith.addf %get3A_7, %get3A_12 : vector<1024x128xf32>
    %get3A_13 = arith.constant 0 : index
    %get3A_14 = arith.constant 0 : index
    %get3A_15 = vector.load %arg3[%get3A_13, %get3A_14] : memref<64x128xf32, #tpu.memory_space<vmem>>, vector<64x128xf32>
    %dot_general3A = arith.constant dense<0.000000e+00> : vector<1024x64xf32>
    %dot_general3A_16 = tpu.matmul %add3A, %get3A_15, %dot_general3A {dimension_numbers = #tpu.dot_dimension_numbers<[1], [1], [0], [0], [0, 0, 1, 0], [], []>, transpose_lhs_hint = false} : vector<1024x128xf32>, vector<64x128xf32>, vector<1024x64xf32> -> vector<1024x64xf32>
    %broadcast_in_dim3A = vector.shape_cast %get3A_2 : vector<1024xf32> to vector<1024x1xf32>
    %mul3A = vector.broadcast %broadcast_in_dim3A : vector<1024x1xf32> to vector<1024x64xf32>
    %mul3A_17 = arith.mulf %dot_general3A_16, %mul3A : vector<1024x64xf32>
    %get3A_18 = arith.constant 0 : index
    %get3A_19 = arith.constant 0 : index
    %get3A_20 = vector.load %arg4[%get3A_18, %get3A_19] : memref<1x64xf32, #tpu.memory_space<vmem>>, vector<1x64xf32>
    %add3A_21 = vector.broadcast %get3A_20 : vector<1x64xf32> to vector<1024x64xf32>
    %add3A_22 = arith.addf %mul3A_17, %add3A_21 : vector<1024x64xf32>
    %max3A = arith.constant 0.000000e+00 : f32
    %max3A_23 = vector.broadcast %max3A : f32 to vector<1024x64xf32>
    %max3A_24 = arith.maximumf %add3A_22, %max3A_23 : vector<1024x64xf32>
    %transpose3A = tpu.transpose %max3A_24, [1, 0] : vector<1024x64xf32> -> vector<64x1024xf32>
    %swap3A = arith.constant 0 : index
    %swap3A_25 = arith.constant 0 : index
    %swap3A_26 = vector.load %arg5[%swap3A, %swap3A_25] : memref<64x1024xf32, #tpu.memory_space<vmem>>, vector<64x1024xf32>
    tpu.vector_store %arg5[%swap3A, %swap3A_25], %transpose3A {strides = array<i32>} : memref<64x1024xf32, #tpu.memory_space<vmem>>, vector<64x1024xf32>,
    return
  }
  func.func @transform_0(%arg0: i32) -> (i32, i32, i32) {
    %c0_i32 = arith.constant 0 : i32
    %c0_i32_0 = arith.constant 0 : i32
    %c0_i32_1 = arith.constant 0 : i32
    return %c0_i32, %arg0, %c0_i32_0 : i32, i32, i32
  }
  func.func @transform_1(%arg0: i32) -> (i32, i32) {
    %c0_i32 = arith.constant 0 : i32
    %c0_i32_0 = arith.constant 0 : i32
    return %c0_i32, %arg0 : i32, i32
  }
  func.func @transform_2(%arg0: i32) -> (i32, i32) {
    %c0_i32 = arith.constant 0 : i32
    %c0_i32_0 = arith.constant 0 : i32
    %c0_i32_1 = arith.constant 0 : i32
    return %c0_i32, %c0_i32_0 : i32, i32
  }
  func.func @transform_3(%arg0: i32) -> (i32, i32) {
    %c0_i32 = arith.constant 0 : i32
    %c0_i32_0 = arith.constant 0 : i32
    %c0_i32_1 = arith.constant 0 : i32
    return %c0_i32, %c0_i32_0 : i32, i32
  }
  func.func @transform_4(%arg0: i32) -> (i32, i32) {
    %c0_i32 = arith.constant 0 : i32
    %c0_i32_0 = arith.constant 0 : i32
    return %c0_i32, %arg0 : i32, i32
  }
}

</mosaic_0001>

<sc_bundles>
// kernel: kernel.11.cloned.1.call-start
scs
__scs_entry_jumppad:
0x0: {  	(pc) =	sbr.rel $0x88, $3  }
0x1: {  	(tag) =	ssettag $0x0;
	lr =	simm.s32 $0x1  }
0x2: {  	[smem:$0x3F9B] =	sst lr;
	_ =	strace $0xD0000000  }
0x3: {  	_ = 	snop  }
0x4: {  	_ = 	snop  }
0x5: {  	_ = 	snop  }
0x6: {  	_ = 	snop  }
0x7: {  	_ = 	snop  }
__scs_overlays_trampoline_lowered:
0x8: {  	[smem:$0x3FAA] =	sst s0  }
0x9: {  	[smem:$0x3FAB] =	sst s1  }
0xa: {  	[smem:$0x3FAC] =	sst s2  }
0xb: {  	[smem:$0x3FAD] =	sst s3  }
0xc: {  	[smem:$0x3FAE] =	sst s4  }
0xd: {  	[smem:$0x3FAF] =	sst s5  }
0xe: {  	[smem:$0x3FB0] =	sst s6  }
0xf: {  	[smem:$0x3FB1] =	sst s7  }
0x10: {  	[smem:$0x3FB2] =	sst s8  }
0x11: {  	[smem:$0x3FB3] =	sst s9;
	s0 =	simm.s32 @!p0 $0x0  }
0x12: {  	s1 =	sld [smem:$0x3F99];
	s0 =	simm.s32 @p0 $0x1  }
0x13: {  	[smem:$0x3FB4] =	sst s0;
	s0 =	simm.s32 @!p1 $0x0  }
0x14: {  	s2 =	sld [smem:$0x3F98];
	s0 =	simm.s32 @p1 $0x1  }
0x15: {  	[smem:$0x3FB5] =	sst s0;
	s0 =	simm.s32 @!p2 $0x0  }
0x16: {  	s3 =	sld [smem:$0x3FDB];
	s0 =	simm.s32 @p2 $0x1  }
0x17: {  	s4 =	simm.s32 $0x1BF5;
	[smem:$0x3FB7] =	sst s0  }
0x18: {  	s0 =	sld [smem:$0x3F9A];
	_ =	swait.ge [sflag:s4], $0x0  }
0x19: {  	s7 =	sld [smem:$0x3F9B]  }
0x1a: {  	s8 =	sadd.s32 $0xFFFFE003, lr  }
0x1b: {  	s9 =	sadd.s32 $0xFFFFFEF7, lr;
	s5 =	simm.s32 $0xFFFFFFFF;
	p2 =	slt.u32 s8, $0xFFFFF086  }
0x1c: {  	p1 =	slt.u32 s9, $0xF7A;
	s5 =	simm.s32 @!p2 $0x0  }
0x1d: {  	s5 =	simm.s32 @p1 $0x1;
	p0 =	seq.s32 s7, s2  }
0x1e: {  	s7 =	smul.u32 @!p0 $0xF7A, s2;
	p2 =	seq.s32 @!p0 s5, $0x0  }
0x1f: {  	s9 =	smul.u32 $0xF7A, s1;
	s8 =	simm.s32 @!p0 $0x1BF5;
	p2 =	por !p2, p0  }
0x20: {  	[sflag:s8] =	ssyncset.s32 @!p0 $0xFFFFF086;
	s6 =	sadd.s32 @!p0 s3, s7;
	s7 =	simm.s32 @!p0 $0x108  }
0x21: {  	s3 =	sadd.s32 s3, s9;
	s6 =	sadd.s32 @!p0 $0x88, s6;
	s7 =	simm.s32 @p2 $0x1082  }
0x22: {  	[simem:s7], [sflag:s8] =	dma.local @!p0 [hbm:s6], $0xF7A  }
0x23: {  	s9 =	sor.u32 $0xD0000000, s2;
	s6 =	simm.s32 $0x108;
	_ =	swait.ge @!p0 [sflag:s8], $0x0  }
0x24: {  	s3 =	sadd.s32 $0x88, s3;
	s6 =	simm.s32 @!p1 $0x1082;
	[sflag:s4] =	ssyncset.s32 $0xFFFFF086  }
0x25: {  	[simem:s6], [sflag:s4] =	dma.local [hbm:s3], $0xF7A  }
0x26: {  	[smem:$0x3F9B] =	sst s1;
	(tag) =	ssettag s2;
	_ =	strace s9  }
0x27: {  	s1 =	sld [smem:$0x3FAB]  }
0x28: {  	s2 =	sld [smem:$0x3FAC]  }
0x29: {  	s4 =	sld [smem:$0x3FAE]  }
0x2a: {  	p0 =	seq.s32 s5, $0x0;
	s5 =	sld [smem:$0x3FAF]  }
0x2b: {  	s6 =	sld [smem:$0x3FB0]  }
0x2c: {  	s7 =	sld [smem:$0x3FB1]  }
0x2d: {  	s3 =	simm.s32 $0x108;
	s8 =	sld [smem:$0x3FB2]  }
0x2e: {  	s3 =	simm.s32 @!p0 $0x1082;
	s9 =	sld [smem:$0x3FB3]  }
0x2f: {  	lr =	sadd.s32 s0, s3;
	s0 =	sld [smem:$0x3FAA]  }
0x30: {  	s3 =	sld [smem:$0x3FAD]  }
0x31: {  	[smem:$0x3FB6] =	sst s10  }
0x32: {  	s10 =	sld [smem:$0x3FB4];
	_ =	sdelay $0x3  }
0x33: {  	p0 =	seq.s32 s10, $0x1;
	s10 =	sld [smem:$0x3FB6];
	_ =	sdelay $0x3  }
0x34: {  	[smem:$0x3FB6] =	sst s10  }
0x35: {  	s10 =	sld [smem:$0x3FB5];
	_ =	sdelay $0x3  }
0x36: {  	p1 =	seq.s32 s10, $0x1;
	s10 =	sld [smem:$0x3FB6];
	_ =	sdelay $0x3  }
0x37: {  	[smem:$0x3FB6] =	sst s10  }
0x38: {  	s10 =	sld [smem:$0x3FB7]  }
0x39: {  	_ = 	snop;
	(pc) =	sbr.ind lr, $3  }
0x3a: {  	_ = 	snop  }
0x3b: {  	_ = 	snop  }
0x3c: {  	p2 =	seq.s32 s10, $0x1;
	s10 =	sld [smem:$0x3FB6]  }
0x3d: {  	_ =	shalt  }
0x3e: {  	_ =	shalt  }
0x3f: {  	_ =	shalt  }
0x40: {  	_ =	shalt  }
0x41: {  	_ =	shalt  }
0x42: {  	_ =	shalt  }
0x43: {  	_ =	shalt  }
0x44: {  	_ =	shalt  }
0x45: {  	_ =	shalt  }
0x46: {  	_ =	shalt  }
0x47: {  	_ =	shalt  }
0x48: {  	_ =	shalt  }
0x49: {  	_ =	shalt  }
0x4a: {  	_ =	shalt  }
0x4b: {  	_ =	shalt  }
0x4c: {  	_ =	shalt  }
0x4d: {  	_ =	shalt  }
0x4e: {  	_ =	shalt  }
0x4f: {  	_ =	shalt  }
0x50: {  	_ =	shalt  }
0x51: {  	_ =	shalt  }
0x52: {  	_ =	shalt  }
0x53: {  	_ =	shalt  }
0x54: {  	_ =	shalt  }
0x55: {  	_ =	shalt  }
0x56: {  	_ =	shalt  }
0x57: {  	_ =	shalt  }
0x58: {  	_ =	shalt  }
0x59: {  	_ =	shalt  }
0x5a: {  	_ =	shalt  }
0x5b: {  	_ =	shalt  }
0x5c: {  	_ =	shalt  }
0x5d: {  	_ =	shalt  }
0x5e: {  	_ =	shalt  }
0x5f: {  	_ =	shalt  }
0x60: {  	_ =	shalt  }
0x61: {  	_ =	shalt  }
0x62: {  	_ =	shalt  }
0x63: {  	_ =	shalt  }
0x64: {  	_ =	shalt  }
0x65: {  	_ =	shalt  }
0x66: {  	_ =	shalt  }
0x67: {  	_ =	shalt  }
0x68: {  	_ =	shalt  }
0x69: {  	_ =	shalt  }
0x6a: {  	_ =	shalt  }
0x6b: {  	_ =	shalt  }
0x6c: {  	_ =	shalt  }
0x6d: {  	_ =	shalt  }
0x6e: {  	_ =	shalt  }
0x6f: {  	_ =	shalt  }
0x70: {  	_ =	shalt  }
0x71: {  	_ =	shalt  }
0x72: {  	_ =	shalt  }
0x73: {  	_ =	shalt  }
0x74: {  	_ =	shalt  }
0x75: {  	_ =	shalt  }
0x76: {  	_ =	shalt  }
0x77: {  	_ =	shalt  }
0x78: {  	_ =	shalt  }
0x79: {  	_ =	shalt  }
0x7a: {  	_ =	shalt  }
0x7b: {  	_ =	shalt  }
0x7c: {  	_ =	shalt  }
0x7d: {  	_ =	shalt  }
0x7e: {  	_ =	shalt  }
0x7f: {  	_ =	shalt  }
0x80: {  	_ =	shalt  }
0x81: {  	_ =	shalt  }
0x82: {  	_ =	shalt  }
0x83: {  	_ =	shalt  }
0x84: {  	_ =	shalt  }
0x85: {  	_ =	shalt  }
0x86: {  	_ =	shalt  }
0x87: {  	_ =	shalt  }
.Lfunc_end0:
.L_simem_size_0:
called_computation.1_lowered:
.L_overlay_start_0:
0x88: {  	s2 =	sld [smem:$0x3FD9]  }
0x89: {  	s3 =	sld [smem:$0x3FFE];
	_ =	sdelay $0x1  }
0x8a: {  	s1 =	srdreg.scid  }
0x8b: {  	s0 =	sand.u32 $0x1, s1  }
0x8c: {  	s14 =	sshll.u32 s0, $0xA;
	s2 =	sadd.s32 s3, s2  }
0x8d: {  	s2 =	sadd.s32 s2, s14  }
0x8e: {  	[smem:$0x3FC2] =	sst s2  }
0x8f: {  	_ = 	snop  }
0x90: {  	s2 =	sld [smem:$0x3FD0];
	_ =	sdelay $0x2  }
0x91: {  	s15 =	simm.s32 $0xA;
	s4 =	simm.s32 $0x10  }
0x92: {  	[smem:s4], [sflag:s15] =	dma.local [hbm:s2], $0x1  }
0x93: {  	_ =	swait.eq [sflag:s15], $0x1  }
0x94: {  	[sflag:s15] =	ssyncset.done $0x0  }
0x95: {  	[sflag:s15] =	ssyncadd.s32 $0xFFFFFFFF  }
0x96: {  	s16 =	sld [smem:$0x10];
	(tm) =	ssettm $0x1  }
0x97: {  	s17 =	sld [smem:$0x3FFB];
	_ =	sdelay $0x3  }
0x98: {  	_ =	strace s17  }
0x99: {  	s3 =	sld [smem:$0x3FFC];
	_ =	sdelay $0x3  }
0x9a: {  	_ =	strace s3  }
0x9b: {  	s3 =	sld [smem:$0x3FFD];
	_ =	sdelay $0x3  }
0x9c: {  	_ =	strace s3  }
0x9d: {  	_ =	strace $0x8FFFFFFF  }
0x9e: {  	s18 =	sld [smem:$0x3FDB];
	_ =	sdelay $0x1  }
0x9f: {  	s19 =	simm.s32 $_scs_section_size  }
0xa0: {  	s5 =	simm.s32 $_size__tile_overlayer_lowered;
	s6 =	simm.s32 $_tile_overlayer_lowered  }
0xa1: {  	s22 =	simm.s32 $0x1BFF;
	s21 =	sshll.u32 s6, $0x1;
	s3 =	sadd.s32 s19, s18  }
0xa2: {  	s7 =	simm.s32 $0x0;
	s20 =	sshll.u32 s5, $0x1;
	s5 =	sadd.s32 s21, s3  }
0xa3: {  	[timem:s7], [sflag:s22] =	dma.local [hbm:s5], s20  }
0xa4: {  	_ =	swait.ge [sflag:s22], s20  }
0xa5: {  	s4 =	ssub.s32 $0x0, s20;
	[sflag:s22] =	ssyncset.done $0x0  }
0xa6: {  	[sflag:s22] =	ssyncadd.s32 s4;
	_ =	sdelay $0x1  }
0xa7: {  	s23 =	simm.s32 $0x1B8B  }
0xa8: {  	_ =	swait.ge [sflag:s23], $0x1  }
0xa9: {  	[sflag:s23] =	ssyncset.done $0x0  }
0xaa: {  	s25 =	simm.s32 $0x1B8E;
	s24 =	sld [smem:$0x3FFE];
	[sflag:s23] =	ssyncadd.s32 $0xFFFFFFFF  }
0xab: {  	s26 =	simm.s32 $execute0_lowered;
	[smem:$0x3FD2] =	sst s25  }
0xac: {  	s5 =	sshll.u32 s26, $0x1;
	_ =	strace $0x80000049;
	[dreg:$0x1] =	wrdreg $0xFFFFFFFF  }
0xad: {  	s28 =	simm.s32 $_size_execute0_lowered;
	s3 =	sadd.s32 s3, s5;
	[dreg:$0x0] =	wrdreg $0x0  }
0xae: {  	s5 =	sshll.u32 s28, $0x1;
	[dreg:$0x2] =	wrdreg s3  }
0xaf: {  	[dreg:$0x3] =	wrdreg s5  }
0xb0: {  	[dreg:$0x4] =	wrdreg $0xC0  }
0xb1: {  	_ =	task [dreg:s7], $0x5FFFF  }
0xb2: {  	[dreg:$0x1] =	wrdreg $0xFFFFFFFF  }
0xb3: {  	[dreg:$0x0] =	wrdreg $0x60  }
0xb4: {  	[dreg:$0x2] =	wrdreg s16  }
0xb5: {  	[dreg:$0x3] =	wrdreg s24  }
0xb6: {  	[dreg:$0x4] =	wrdreg $0xA8000  }
0xb7: {  	[dreg:$0x5] =	wrdreg $0x9  }
0xb8: {  	_ =	task.clear_ibuf [dreg:s7], $0x6FFFF;
	_ =	strace $0x90000049  }
0xb9: {  	s29 =	simm.s32 $0x9;
	_ =	strace $0x8000004B  }
0xba: {  	_ =	swait.ge [sflag:s29], $0x1  }
0xbb: {  	[sflag:s29] =	ssyncadd.s32 $0xFFFFFFFF  }
0xbc: {  	_ =	strace $0x9000004B  }
0xbd: {  	_ =	sfence  }
0xbe: {  	s30 =	sld [smem:$0x0];
	_ =	sdelay $0x2  }
0xbf: {  	s31 =	sshll.u32 s1, $0xD;
	s1 =	sshrl.u32 s1, $0x2  }
0xc0: {  	s3 =	sand.u32 $0x4000, s31;
	s1 =	sadd.s32 s1, s30  }
0xc1: {  	s0 =	sor.u32 s3, s0;
	s1 =	sshll.u32 s1, $0x11  }
0xc2: {  	s0 =	sor.u32 s1, s0  }
0xc3: {  	s0 =	sadd.s32 $0x8F2B, s0  }
0xc4: {  	[sflag:s0] =	ssyncadd.remote.s32 $0x1  }
0xc5: {  	_ =	sfence.sel $0xFFFF  }
0xc6: {  	[dreg:$0x0] =	wrdreg $0xFFFFFFFF;
	(pc) =	sbr.abs _section_cstart, $3  }
0xc7: {  	[dreg:$0x1] =	wrdreg $0xFFFFFFFF  }
0xc8: {  	_ =	task.clear_ibuf [dreg:s7], $0x2FFFF;
	_ =	strace $0x9FFFFFFF  }
0xc9: {  	(tm) =	ssettm $0x7FFFFFFF  }
tec
execute0_lowered:
.L_overlay_start_1:
0x0: {  	(tag) =	ssettag $0x1  }
0x1: {  	s1 =	rddreg [dreg:$0x0]  }
0x2: {  	s5 =	rddreg [dreg:$0x1]  }
0x3: {  	s3 =	rddreg [dreg:$0x2];
	s0 =	stileid.u32  }
0x4: {  	s2 =	srdreg.scid;
	s21 =	smul.u32 $0x14000, s0  }
0x5: {  	s4 =	simm.s32 $0x0;
	s20 =	simm.s32 $0x2800;
	s24 =	smul.u32 $0x50000, s0  }
0x6: {  	s6 =	sand.u32 $0x1, s2;
	[smem:$0x7FF] =	sst s4;
	s28 =	smul.u32 $0xFFFFFFB0, s0  }
0x7: {  	s7 =	sshll.u32 s6, $0x4;
	s8 =	smul.u32 $0x140000, s6;
	_ =	strace $0x8000004A  }
0x8: {  	s25 =	ssub.s32 $0x2, s6;
	s11 =	smul.u32 $0xFFFFFB00, s6;
	s23 =	sor.u32 s0, s7  }
0x9: {  	s26 =	sshrl.u32 s24, $0x2;
	s29 =	sshrl.u32 s25, $0x1;
	s9 =	smul.u32 $0x2800, s23  }
0xa: {  	s24 =	simm.s32 $0x6800;
	s7 =	sadd.s32 s21, s8;
	s10 =	smul.u32 $0xFFFFFFB0, s23  }
0xb: {  	s17 =	ssub.s32 s25, s29;
	s11 =	sadd.s32 s11, s28;
	s21 =	simm.s32 $0x3  }
0xc: {  	p0 =	seq.s32 s23, $0x1F;
	s23 =	simm.s32 $0x80;
	s25 =	simm.s32 $0x2  }
0xd: {  	s7 =	sshrl.u32 s7, $0x3;
	s18 =	sadd.s32 $0x9C4, s11;
	s17 =	smax.u32 s17, $0x1  }
0xe: {  	s22 =	sshrl.u32 s9, $0x3;
	s16 =	sadd.s32 s7, s5;
	s12 =	sadd.s32 $0x9C4, s10  }
0xf: {  	s14 =	smax.u32 s18, $0x28;
	s18 =	smin.u32 s18, $0x28;
	s15 =	sadd.s32 s22, s5  }
0x10: {  	s5 =	sadd.s32 s26, s3;
	s10 =	smin.u32 s12, $0x28;
	s13 =	smax.u32 s12, $0x28  }
0x11: {  	s19 =	smin.u32 s14, $0x50;
	s16 =	sadd.s32 $0x16A00, s16;
	s18 =	sshll.u32 s18, $0x9  }
0x12: {  	s22 =	simm.s32 $0x1;
	s26 =	simm.s32 $0x0;
	s30 =	sadd.s32 $0x4000, s5  }
0x13: {  	s31 =	sadd.s32 $0x8000, s5;
	s8 =	sadd.s32 $0xC000, s5;
	s9 =	sadd.s32 $0x10000, s5  }
.Ltmp0:
0x14: {  	s11 =	sadd.s32 $0x2A00, s15;
	s12 =	sadd.s32 $0xCA00, s15;
	(pc) =	sbr.rel .LBB2_1-.Ltmp0, $4  }
0x15: {  	s13 =	smin.u32 s13, $0x50;
	s14 =	sadd.s32 $0x2C80, s15;
	s19 =	sadd.s32 $0xFFFFFFD8, s19  }
0x16: {  	s15 =	sadd.s32 $0xCC80, s15;
	s13 =	sadd.s32 $0xFFFFFFD8, s13;
	s19 =	sshrl.u32 s19, $0x1  }
0x17: {  	[dreg:$0x4] =	wrdreg s30;
	s19 =	smax.u32 s19, $0x1;
	p1 =	seq.s32 @!p0 s13, $0x0  }
0x18: {  	v0 =	vimm.f32 $0.0e+00;
	[dreg:$0x5] =	wrdreg s31;
	s19 =	sshll.u32 s19, $0x1;
	p1 =	por p0, p1  }
.LBB2_8:
0x19: {  	[sflag:s21] =	ssyncset.done $0x0  }
0x1a: {  	[sflag:s21] =	ssyncadd.s32 $0xFFFFC000  }
.LBB2_9:
0x1b: {  	s0 =	stileid.u32;
	s26 =	sadd.s32 $0x1, s26  }
0x1c: {  	[bflag:$0x0] =	sbarrier.arrive $0xFFFF;
	s0 =	sshll.u32 s0, $0x6;
	p2 =	sne.s32 s26, s17  }
.Ltmp1:
0x1d: {  	s2 =	sshrl.u32 s5, $0x3;
	s0 =	sor.u32 $0x1C03, s0;
	(pc) =	sbr.rel @!p2 .LBB2_10-.Ltmp1, $4  }
0x1e: {  	[hbm:s16], [sflag:s0] =	dma.local [spmem:s2], $0x2800  }
0x1f: {  	_ =	swait.ge [sflag:s21], $0x2800  }
0x20: {  	[sflag:s21] =	ssyncset.done $0x0  }
0x21: {  	[sflag:s21] =	ssyncadd.s32 $0xFFFFD800  }
.LBB2_1:
0x22: {  	s28 =	simm.s32 $0x0;
	s29 =	simm.s32 $0x200  }
.LBB2_2:
0x23: {  	p2 =	sne.s32 s29, $0xFE00;
	[tilespmem:s28+$0x2870] =	vst v0  }
0x24: {  	[tilespmem:s28+$0x2800] =	vst v0  }
0x25: {  	[tilespmem:s28+$0x2810] =	vst v0  }
.Ltmp2:
0x26: {  	[tilespmem:s28+$0x2820] =	vst v0;
	(pc) =	sbr.rel @p2 .LBB2_2-.Ltmp2, $4  }
0x27: {  	[tilespmem:s28+$0x2830] =	vst v0  }
0x28: {  	[tilespmem:s28+$0x2840] =	vst v0  }
0x29: {  	[tilespmem:s28+$0x2850] =	vst v0  }
0x2a: {  	[tilespmem:s28+$0x2860] =	vst v0;
	s28 =	sshra.s32 s29, $0x2;
	s29 =	sadd.s32 $0x200, s29  }
0x2b: {  	[tilespmem:s28+$0x2870] =	vst v0  }
0x2c: {  	[tilespmem:s28+$0x2800] =	vst v0  }
0x2d: {  	[tilespmem:s28+$0x2810] =	vst v0  }
0x2e: {  	[tilespmem:s28+$0x2820] =	vst v0  }
0x2f: {  	[tilespmem:s28+$0x2830] =	vst v0  }
0x30: {  	[tilespmem:s28+$0x2840] =	vst v0  }
0x31: {  	[tilespmem:s28+$0x2850] =	vst v0  }
0x32: {  	[tilespmem:s28+$0x2860] =	vst v0  }
0x33: {  	[spmem:s5] =	stream.linear.scatter [tilespmem:s20], [sflag:$0x3], $0x4000, $0x38;
	[tilespmem:$0x1E800] =	vst v63  }
0x34: {  	_ =	swait.ge [sflag:s21], $0x4000  }
0x35: {  	[sflag:s21] =	ssyncset.done $0x0  }
0x36: {  	s0 =	rddreg [dreg:$0x4];
	[sflag:s21] =	ssyncadd.s32 $0xFFFFC000  }
0x37: {  	[spmem:s0] =	stream.linear.scatter [tilespmem:s20], [sflag:$0x3], $0x4000, $0x38;
	[tilespmem:$0x1E800] =	vst v63  }
0x38: {  	_ =	swait.ge [sflag:s21], $0x4000  }
0x39: {  	[sflag:s21] =	ssyncset.done $0x0  }
0x3a: {  	s7 =	rddreg [dreg:$0x5];
	[sflag:s21] =	ssyncadd.s32 $0xFFFFC000  }
0x3b: {  	[spmem:s7] =	stream.linear.scatter [tilespmem:s20], [sflag:$0x3], $0x4000, $0x38;
	[tilespmem:$0x1E800] =	vst v63  }
0x3c: {  	_ =	swait.ge [sflag:s21], $0x4000  }
0x3d: {  	[sflag:s21] =	ssyncset.done $0x0  }
0x3e: {  	[sflag:s21] =	ssyncadd.s32 $0xFFFFC000  }
0x3f: {  	[spmem:s8] =	stream.linear.scatter [tilespmem:s20], [sflag:$0x3], $0x4000, $0x38;
	[tilespmem:$0x1E800] =	vst v63  }
0x40: {  	_ =	swait.ge [sflag:s21], $0x4000  }
0x41: {  	[sflag:s21] =	ssyncset.done $0x0  }
0x42: {  	[sflag:s21] =	ssyncadd.s32 $0xFFFFC000  }
0x43: {  	[spmem:s9] =	stream.linear.scatter [tilespmem:s20], [sflag:$0x3], $0x4000, $0x38;
	[tilespmem:$0x1E800] =	vst v63  }
0x44: {  	_ =	swait.ge [sflag:s21], $0x4000  }
0x45: {  	[sflag:s21] =	ssyncset.done $0x0  }
0x46: {  	[sflag:s21] =	ssyncadd.s32 $0xFFFFC000  }
0x47: {  	[bflag:$0x0] =	sbarrier.arrive $0xFFFF  }
0x48: {  	[tilespmem:s4], [sflag:$0x3] =	stream.linear.gather [hbm4b:s11+s4], $0x1400, $0x38;
	[tilespmem:$0x1E800] =	vst v63  }
0x49: {  	_ =	swait.ge [sflag:s21], $0x1400  }
0x4a: {  	[sflag:s21] =	ssyncset.done $0x0  }
0x4b: {  	s28 =	simm.s32 $0x1400;
	[sflag:s21] =	ssyncadd.s32 $0xFFFFEC00  }
0x4c: {  	[tilespmem:s28], [sflag:$0x3] =	stream.linear.gather [hbm4b:s12+s4], $0x1400, $0x38;
	[tilespmem:$0x1E800] =	vst v63  }
0x4d: {  	_ =	swait.ge [sflag:s21], $0x1400  }
0x4e: {  	[sflag:s21] =	ssyncset.done $0x0  }
0x4f: {  	s29 =	simm.s32 $0x80;
	[sflag:s21] =	ssyncadd.s32 $0xFFFFEC00  }
0x50: {  	[tilespmem:s20], [sflag:$0x1] =	stream.indirect.gather [hbm4b:s1+s29], $0x80, s4, s29, $0xb8;
	[tilespmem:$0x1E800] =	vst v63  }
0x51: {  	_ =	swait.ge [sflag:s22], $0x4000  }
0x52: {  	[sflag:s22] =	ssyncset.done $0x0  }
0x53: {  	[sflag:s22] =	ssyncadd.s32 $0xFFFFC000  }
0x54: {  	[tilespmem:s24], [sflag:$0x2] =	stream.indirect.gather [hbm4b:s1+s23], $0x80, s29, s23, $0xb8;
	[tilespmem:$0x1E800] =	vst v63  }
0x55: {  	_ = 	snop  }
0x56: {  	[spmem:s3] =	stream.indirect.scatter.add.f32 [tilespmem:s20], [sflag:$0x3], $0x80, s28, s23, $0xb8;
	[tilespmem:$0x1E800] =	vst v63  }
0x57: {  	_ =	swait.ge [sflag:s21], $0x4000  }
0x58: {  	[sflag:s21] =	ssyncset.done $0x0  }
0x59: {  	[sflag:s21] =	ssyncadd.s32 $0xFFFFC000  }
0x5a: {  	p2 =	sle.u32 s10, $0x2;
	_ =	swait.ge [sflag:s25], $0x4000  }
0x5b: {  	s30 =	simm.s32 @!p2 $0x80;
	[sflag:s25] =	ssyncset.done $0x0  }
0x5c: {  	s31 =	simm.s32 @!p2 $0x2800;
	s29 =	simm.s32 @!p2 $0x100;
	[sflag:s25] =	ssyncadd.s32 $0xFFFFC000  }
0x5d: {  	[tilespmem:s31], [sflag:$0x1] =	stream.indirect.gather @!p2 [hbm4b:s1+s30], $0x80, s29, s30, $0xb8;
	[tilespmem:$0x1E800] =	vst v63  }
0x5e: {  	s29 =	sadd.s32 $0xFFFFFC00, s18  }
0x5f: {  	p2 =	sne.s32 s29, $0x0  }
.Ltmp3:
0x60: {  	_ = 	snop;
	(pc) =	sbr.rel @!p2 .LBB2_5-.Ltmp3, $4  }
0x61: {  	_ = 	snop  }
0x62: {  	s30 =	simm.s32 $0x1480  }
0x63: {  	[spmem:s3] =	stream.indirect.scatter.add.f32 [tilespmem:s24], [sflag:$0x3], $0x80, s30, s23, $0xb8;
	[tilespmem:$0x1E800] =	vst v63  }
0x64: {  	s31 =	simm.s32 $0x4;
	s30 =	simm.s32 $0x180;
	_ =	swait.ge [sflag:s21], $0x4000  }
.LBB2_4:
0x65: {  	s29 =	sadd.s32 $0xFFFFFC00, s29;
	[sflag:s21] =	ssyncset.done $0x0;
	s28 =	sadd.s32 $0x100, s28  }
0x66: {  	p2 =	sne.s32 s29, $0x0;
	[sflag:s21] =	ssyncadd.s32 $0xFFFFC000  }
0x67: {  	_ =	swait.ge [sflag:s22], $0x4000  }
0x68: {  	[sflag:s22] =	ssyncset.done $0x0  }
0x69: {  	[sflag:s22] =	ssyncadd.s32 $0xFFFFC000  }
0x6a: {  	[tilespmem:s24], [sflag:$0x2] =	stream.indirect.gather [hbm4b:s1+s23], $0x80, s30, s23, $0xb8;
	[tilespmem:$0x1E800] =	vst v63  }
0x6b: {  	_ = 	snop  }
0x6c: {  	[spmem:s3] =	stream.indirect.scatter.add.f32 [tilespmem:s20], [sflag:$0x3], $0x80, s28, s23, $0xb8;
	[tilespmem:$0x1E800] =	vst v63  }
0x6d: {  	_ =	swait.ge [sflag:s21], $0x4000  }
0x6e: {  	[sflag:s21] =	ssyncset.done $0x0  }
0x6f: {  	[sflag:s21] =	ssyncadd.s32 $0xFFFFC000  }
0x70: {  	_ =	swait.ge [sflag:s25], $0x4000  }
0x71: {  	p3 =	sge.u32 s31, s10;
	[sflag:s25] =	ssyncset.done $0x0  }
0x72: {  	s0 =	sadd.s32 @!p3 $0x80, s30;
	s2 =	simm.s32 @!p3 $0x80;
	[sflag:s25] =	ssyncadd.s32 $0xFFFFC000  }
.Ltmp4:
0x73: {  	s6 =	simm.s32 @!p3 $0x2800;
	s7 =	sadd.s32 $0x80, s28;
	(pc) =	sbr.rel @p2 .LBB2_4-.Ltmp4, $4  }
0x74: {  	[tilespmem:s6], [sflag:$0x1] =	stream.indirect.gather @!p3 [hbm4b:s1+s2], $0x80, s0, s2, $0xb8;
	[tilespmem:$0x1E800] =	vst v63  }
0x75: {  	_ = 	snop  }
0x76: {  	[spmem:s3] =	stream.indirect.scatter.add.f32 [tilespmem:s24], [sflag:$0x3], $0x80, s7, s23, $0xb8;
	[tilespmem:$0x1E800] =	vst v63  }
0x77: {  	s31 =	sadd.s32 $0x2, s31;
	s30 =	sadd.s32 $0x100, s30;
	_ =	swait.ge [sflag:s21], $0x4000  }
.LBB2_5:
0x78: {  	[sflag:s21] =	ssyncset.done $0x0  }
0x79: {  	s29 =	simm.s32 @!p0 $0x0;
	s0 =	simm.s32 @!p0 $0x3;
	[sflag:s21] =	ssyncadd.s32 $0xFFFFC000  }
0x7a: {  	[tilespmem:s29], [sflag:$0x3] =	stream.linear.gather @!p0 [hbm4b:s14+s29], $0x1400, $0x38;
	[tilespmem:$0x1E800] =	vst v63  }
0x7b: {  	_ =	swait.ge @!p0 [sflag:s0], $0x1400  }
0x7c: {  	[sflag:s0] =	ssyncset.done @!p0 $0x0  }
0x7d: {  	s28 =	simm.s32 @!p0 $0x1400;
	[sflag:s0] =	ssyncadd.s32 @!p0 $0xFFFFEC00  }
0x7e: {  	[tilespmem:s28], [sflag:$0x3] =	stream.linear.gather @!p0 [hbm4b:s15+s29], $0x1400, $0x38;
	[tilespmem:$0x1E800] =	vst v63  }
.Ltmp5:
0x7f: {  	_ = 	snop;
	(pc) =	sbr.rel @p1 .LBB2_9-.Ltmp5, $4  }
0x80: {  	_ =	swait.ge @!p0 [sflag:s0], $0x1400  }
0x81: {  	[sflag:s0] =	ssyncset.done @!p0 $0x0  }
0x82: {  	s30 =	simm.s32 @!p0 $0x80;
	[sflag:s0] =	ssyncadd.s32 @!p0 $0xFFFFEC00;
	s0 =	simm.s32 @!p0 $0x2800  }
0x83: {  	[tilespmem:s0], [sflag:$0x1] =	stream.indirect.gather @!p0 [hbm4b:s1+s30], $0x80, s29, s30, $0xb8;
	[tilespmem:$0x1E800] =	vst v63  }
0x84: {  	_ =	swait.ge [sflag:s22], $0x4000  }
0x85: {  	[sflag:s22] =	ssyncset.done $0x0  }
0x86: {  	[sflag:s22] =	ssyncadd.s32 $0xFFFFC000  }
0x87: {  	[tilespmem:s24], [sflag:$0x2] =	stream.indirect.gather [hbm4b:s1+s23], $0x80, s30, s23, $0xb8;
	[tilespmem:$0x1E800] =	vst v63  }
0x88: {  	_ = 	snop  }
0x89: {  	[spmem:s3] =	stream.indirect.scatter.add.f32 [tilespmem:s20], [sflag:$0x3], $0x80, s28, s23, $0xb8;
	[tilespmem:$0x1E800] =	vst v63  }
0x8a: {  	_ =	swait.ge [sflag:s21], $0x4000  }
0x8b: {  	[sflag:s21] =	ssyncset.done $0x0  }
0x8c: {  	s29 =	sadd.s32 $0x2, s29;
	[sflag:s21] =	ssyncadd.s32 $0xFFFFC000  }
0x8d: {  	p2 =	sge.u32 s29, s13;
	_ =	swait.ge [sflag:s25], $0x4000  }
0x8e: {  	s0 =	sadd.s32 @!p2 $0x80, s30;
	[sflag:s25] =	ssyncset.done $0x0  }
0x8f: {  	s2 =	simm.s32 @!p2 $0x80;
	s6 =	simm.s32 @!p2 $0x2800;
	[sflag:s25] =	ssyncadd.s32 $0xFFFFC000  }
0x90: {  	[tilespmem:s6], [sflag:$0x1] =	stream.indirect.gather @!p2 [hbm4b:s1+s2], $0x80, s0, s2, $0xb8;
	[tilespmem:$0x1E800] =	vst v63  }
0x91: {  	p2 =	sne.s32 s19, s29  }
.Ltmp6:
0x92: {  	_ = 	snop;
	(pc) =	sbr.rel @!p2 .LBB2_8-.Ltmp6, $4  }
0x93: {  	_ = 	snop  }
0x94: {  	s31 =	sadd.s32 $0x80, s28  }
0x95: {  	[spmem:s3] =	stream.indirect.scatter.add.f32 [tilespmem:s24], [sflag:$0x3], $0x80, s31, s23, $0xb8;
	[tilespmem:$0x1E800] =	vst v63  }
0x96: {  	s30 =	sadd.s32 $0x100, s30;
	_ =	swait.ge [sflag:s21], $0x4000  }
.LBB2_7:
0x97: {  	s29 =	sadd.s32 $0x2, s29;
	[sflag:s21] =	ssyncset.done $0x0;
	s28 =	sadd.s32 $0x100, s28  }
0x98: {  	p2 =	sne.s32 s19, s29;
	[sflag:s21] =	ssyncadd.s32 $0xFFFFC000  }
0x99: {  	_ =	swait.ge [sflag:s22], $0x4000  }
0x9a: {  	[sflag:s22] =	ssyncset.done $0x0  }
0x9b: {  	[sflag:s22] =	ssyncadd.s32 $0xFFFFC000  }
0x9c: {  	[tilespmem:s24], [sflag:$0x2] =	stream.indirect.gather [hbm4b:s1+s23], $0x80, s30, s23, $0xb8;
	[tilespmem:$0x1E800] =	vst v63  }
0x9d: {  	_ = 	snop  }
0x9e: {  	[spmem:s3] =	stream.indirect.scatter.add.f32 [tilespmem:s20], [sflag:$0x3], $0x80, s28, s23, $0xb8;
	[tilespmem:$0x1E800] =	vst v63  }
0x9f: {  	_ =	swait.ge [sflag:s21], $0x4000  }
0xa0: {  	[sflag:s21] =	ssyncset.done $0x0  }
0xa1: {  	[sflag:s21] =	ssyncadd.s32 $0xFFFFC000  }
0xa2: {  	_ =	swait.ge [sflag:s25], $0x4000  }
0xa3: {  	p3 =	sge.u32 s29, s13;
	[sflag:s25] =	ssyncset.done $0x0  }
0xa4: {  	s0 =	sadd.s32 @!p3 $0x80, s30;
	s2 =	simm.s32 @!p3 $0x80;
	[sflag:s25] =	ssyncadd.s32 $0xFFFFC000  }
.Ltmp7:
0xa5: {  	s7 =	sadd.s32 $0x80, s28;
	s6 =	simm.s32 @!p3 $0x2800;
	(pc) =	sbr.rel @p2 .LBB2_7-.Ltmp7, $4  }
0xa6: {  	[tilespmem:s6], [sflag:$0x1] =	stream.indirect.gather @!p3 [hbm4b:s1+s2], $0x80, s0, s2, $0xb8;
	[tilespmem:$0x1E800] =	vst v63  }
0xa7: {  	_ = 	snop  }
0xa8: {  	[spmem:s3] =	stream.indirect.scatter.add.f32 [tilespmem:s24], [sflag:$0x3], $0x80, s7, s23, $0xb8;
	[tilespmem:$0x1E800] =	vst v63  }
0xa9: {  	s30 =	sadd.s32 $0x100, s30;
	_ =	swait.ge [sflag:s21], $0x4000  }
.Ltmp8:
0xaa: {  	_ = 	snop;
	(pc) =	sbr.rel .LBB2_8-.Ltmp8, $1  }
0xab: {  	_ =	sdelay $0x3  }
.LBB2_10:
0xac: {  	_ =	sfence.sel $0x180000  }
0xad: {  	[bflag:$0x0] =	sbarrier.arrive $0xFFFF  }
0xae: {  	_ =	strace $0x9000004A  }
0xaf: {  	s0 =	stileid.u32;
	[bflag:$0x2] =	sbarrier.arrive $0xFFFF  }
0xb0: {  	p0 =	sne.s32 s0, $0x0;
	s0 =	rddreg [dreg:$0x3]  }
0xb1: {  	s0 =	sadd.s32 @!p0 $0x100000, s0  }
0xb2: {  	[sflag:s0] =	ssyncadd.tile.s32 @!p0 $0x1;
	_ =	shalt  }
.Lfunc_end2:
_tile_overlayer_lowered:
.L_overlay_start_2:
0xb3: {  	(tag) =	ssettag $0x2  }
0xb4: {  	s0 =	rddreg [dreg:$0x0];
	s2 =	stileid.u32  }
0xb5: {  	s1 =	rddreg [dreg:$0x1];
	p0 =	sne.s32 s2, $0x0  }
0xb6: {  	s3 =	rddreg [dreg:$0x2];
	[bflag:$0x3] =	sbarrier.arrive $0xFFFF;
	s2 =	simm.s32 @!p0 $0x1C03  }
0xb7: {  	[timem:s3], [sflag:s2] =	dma.local @!p0 [hbm:s0], s1  }
0xb8: {  	s0 =	simm.s32 @!p0 $0x3  }
0xb9: {  	_ =	swait.ge @!p0 [sflag:s0], s1  }
0xba: {  	s1 =	ssub.s32 @!p0 $0x0, s1;
	[sflag:s0] =	ssyncset.done @!p0 $0x0  }
0xbb: {  	[sflag:s0] =	ssyncadd.s32 @!p0 s1  }
0xbc: {  	[bflag:$0x3] =	sbarrier.arrive $0xFFFF  }
0xbd: {  	_ =	shalt  }

// kernel: kernel.14.cloned.1.call-start
scs
__scs_entry_jumppad:
0x0: {  	(pc) =	sbr.rel $0x88, $3  }
0x1: {  	(tag) =	ssettag $0x0;
	lr =	simm.s32 $0x1  }
0x2: {  	[smem:$0x3F9B] =	sst lr;
	_ =	strace $0xD0000000  }
0x3: {  	_ = 	snop  }
0x4: {  	_ = 	snop  }
0x5: {  	_ = 	snop  }
0x6: {  	_ = 	snop  }
0x7: {  	_ = 	snop  }
__scs_overlays_trampoline_lowered:
0x8: {  	[smem:$0x3FAA] =	sst s0  }
0x9: {  	[smem:$0x3FAB] =	sst s1  }
0xa: {  	[smem:$0x3FAC] =	sst s2  }
0xb: {  	[smem:$0x3FAD] =	sst s3  }
0xc: {  	[smem:$0x3FAE] =	sst s4  }
0xd: {  	[smem:$0x3FAF] =	sst s5  }
0xe: {  	[smem:$0x3FB0] =	sst s6  }
0xf: {  	[smem:$0x3FB1] =	sst s7  }
0x10: {  	[smem:$0x3FB2] =	sst s8  }
0x11: {  	[smem:$0x3FB3] =	sst s9;
	s0 =	simm.s32 @!p0 $0x0  }
0x12: {  	s1 =	sld [smem:$0x3F99];
	s0 =	simm.s32 @p0 $0x1  }
0x13: {  	[smem:$0x3FB4] =	sst s0;
	s0 =	simm.s32 @!p1 $0x0  }
0x14: {  	s2 =	sld [smem:$0x3F98];
	s0 =	simm.s32 @p1 $0x1  }
0x15: {  	[smem:$0x3FB5] =	sst s0;
	s0 =	simm.s32 @!p2 $0x0  }
0x16: {  	s3 =	sld [smem:$0x3FDB];
	s0 =	simm.s32 @p2 $0x1  }
0x17: {  	s4 =	simm.s32 $0x1BF5;
	[smem:$0x3FB7] =	sst s0  }
0x18: {  	s0 =	sld [smem:$0x3F9A];
	_ =	swait.ge [sflag:s4], $0x0  }
0x19: {  	s7 =	sld [smem:$0x3F9B]  }
0x1a: {  	s8 =	sadd.s32 $0xFFFFE003, lr  }
0x1b: {  	s9 =	sadd.s32 $0xFFFFFEF7, lr;
	s5 =	simm.s32 $0xFFFFFFFF;
	p2 =	slt.u32 s8, $0xFFFFF086  }
0x1c: {  	p1 =	slt.u32 s9, $0xF7A;
	s5 =	simm.s32 @!p2 $0x0  }
0x1d: {  	s5 =	simm.s32 @p1 $0x1;
	p0 =	seq.s32 s7, s2  }
0x1e: {  	s7 =	smul.u32 @!p0 $0xF7A, s2;
	p2 =	seq.s32 @!p0 s5, $0x0  }
0x1f: {  	s9 =	smul.u32 $0xF7A, s1;
	s8 =	simm.s32 @!p0 $0x1BF5;
	p2 =	por !p2, p0  }
0x20: {  	[sflag:s8] =	ssyncset.s32 @!p0 $0xFFFFF086;
	s6 =	sadd.s32 @!p0 s3, s7;
	s7 =	simm.s32 @!p0 $0x108  }
0x21: {  	s3 =	sadd.s32 s3, s9;
	s6 =	sadd.s32 @!p0 $0x88, s6;
	s7 =	simm.s32 @p2 $0x1082  }
0x22: {  	[simem:s7], [sflag:s8] =	dma.local @!p0 [hbm:s6], $0xF7A  }
0x23: {  	s9 =	sor.u32 $0xD0000000, s2;
	s6 =	simm.s32 $0x108;
	_ =	swait.ge @!p0 [sflag:s8], $0x0  }
0x24: {  	s3 =	sadd.s32 $0x88, s3;
	s6 =	simm.s32 @!p1 $0x1082;
	[sflag:s4] =	ssyncset.s32 $0xFFFFF086  }
0x25: {  	[simem:s6], [sflag:s4] =	dma.local [hbm:s3], $0xF7A  }
0x26: {  	[smem:$0x3F9B] =	sst s1;
	(tag) =	ssettag s2;
	_ =	strace s9  }
0x27: {  	s1 =	sld [smem:$0x3FAB]  }
0x28: {  	s2 =	sld [smem:$0x3FAC]  }
0x29: {  	s4 =	sld [smem:$0x3FAE]  }
0x2a: {  	p0 =	seq.s32 s5, $0x0;
	s5 =	sld [smem:$0x3FAF]  }
0x2b: {  	s6 =	sld [smem:$0x3FB0]  }
0x2c: {  	s7 =	sld [smem:$0x3FB1]  }
0x2d: {  	s3 =	simm.s32 $0x108;
	s8 =	sld [smem:$0x3FB2]  }
0x2e: {  	s3 =	simm.s32 @!p0 $0x1082;
	s9 =	sld [smem:$0x3FB3]  }
0x2f: {  	lr =	sadd.s32 s0, s3;
	s0 =	sld [smem:$0x3FAA]  }
0x30: {  	s3 =	sld [smem:$0x3FAD]  }
0x31: {  	[smem:$0x3FB6] =	sst s10  }
0x32: {  	s10 =	sld [smem:$0x3FB4];
	_ =	sdelay $0x3  }
0x33: {  	p0 =	seq.s32 s10, $0x1;
	s10 =	sld [smem:$0x3FB6];
	_ =	sdelay $0x3  }
0x34: {  	[smem:$0x3FB6] =	sst s10  }
0x35: {  	s10 =	sld [smem:$0x3FB5];
	_ =	sdelay $0x3  }
0x36: {  	p1 =	seq.s32 s10, $0x1;
	s10 =	sld [smem:$0x3FB6];
	_ =	sdelay $0x3  }
0x37: {  	[smem:$0x3FB6] =	sst s10  }
0x38: {  	s10 =	sld [smem:$0x3FB7]  }
0x39: {  	_ = 	snop;
	(pc) =	sbr.ind lr, $3  }
0x3a: {  	_ = 	snop  }
0x3b: {  	_ = 	snop  }
0x3c: {  	p2 =	seq.s32 s10, $0x1;
	s10 =	sld [smem:$0x3FB6]  }
0x3d: {  	_ =	shalt  }
0x3e: {  	_ =	shalt  }
0x3f: {  	_ =	shalt  }
0x40: {  	_ =	shalt  }
0x41: {  	_ =	shalt  }
0x42: {  	_ =	shalt  }
0x43: {  	_ =	shalt  }
0x44: {  	_ =	shalt  }
0x45: {  	_ =	shalt  }
0x46: {  	_ =	shalt  }
0x47: {  	_ =	shalt  }
0x48: {  	_ =	shalt  }
0x49: {  	_ =	shalt  }
0x4a: {  	_ =	shalt  }
0x4b: {  	_ =	shalt  }
0x4c: {  	_ =	shalt  }
0x4d: {  	_ =	shalt  }
0x4e: {  	_ =	shalt  }
0x4f: {  	_ =	shalt  }
0x50: {  	_ =	shalt  }
0x51: {  	_ =	shalt  }
0x52: {  	_ =	shalt  }
0x53: {  	_ =	shalt  }
0x54: {  	_ =	shalt  }
0x55: {  	_ =	shalt  }
0x56: {  	_ =	shalt  }
0x57: {  	_ =	shalt  }
0x58: {  	_ =	shalt  }
0x59: {  	_ =	shalt  }
0x5a: {  	_ =	shalt  }
0x5b: {  	_ =	shalt  }
0x5c: {  	_ =	shalt  }
0x5d: {  	_ =	shalt  }
0x5e: {  	_ =	shalt  }
0x5f: {  	_ =	shalt  }
0x60: {  	_ =	shalt  }
0x61: {  	_ =	shalt  }
0x62: {  	_ =	shalt  }
0x63: {  	_ =	shalt  }
0x64: {  	_ =	shalt  }
0x65: {  	_ =	shalt  }
0x66: {  	_ =	shalt  }
0x67: {  	_ =	shalt  }
0x68: {  	_ =	shalt  }
0x69: {  	_ =	shalt  }
0x6a: {  	_ =	shalt  }
0x6b: {  	_ =	shalt  }
0x6c: {  	_ =	shalt  }
0x6d: {  	_ =	shalt  }
0x6e: {  	_ =	shalt  }
0x6f: {  	_ =	shalt  }
0x70: {  	_ =	shalt  }
0x71: {  	_ =	shalt  }
0x72: {  	_ =	shalt  }
0x73: {  	_ =	shalt  }
0x74: {  	_ =	shalt  }
0x75: {  	_ =	shalt  }
0x76: {  	_ =	shalt  }
0x77: {  	_ =	shalt  }
0x78: {  	_ =	shalt  }
0x79: {  	_ =	shalt  }
0x7a: {  	_ =	shalt  }
0x7b: {  	_ =	shalt  }
0x7c: {  	_ =	shalt  }
0x7d: {  	_ =	shalt  }
0x7e: {  	_ =	shalt  }
0x7f: {  	_ =	shalt  }
0x80: {  	_ =	shalt  }
0x81: {  	_ =	shalt  }
0x82: {  	_ =	shalt  }
0x83: {  	_ =	shalt  }
0x84: {  	_ =	shalt  }
0x85: {  	_ =	shalt  }
0x86: {  	_ =	shalt  }
0x87: {  	_ =	shalt  }
.Lfunc_end0:
.L_simem_size_0:
called_computation.2_lowered:
.L_overlay_start_0:
0x88: {  	s2 =	sld [smem:$0x3FD9]  }
0x89: {  	s3 =	sld [smem:$0x3FFE];
	_ =	sdelay $0x1  }
0x8a: {  	s1 =	srdreg.scid  }
0x8b: {  	s0 =	sand.u32 $0x1, s1  }
0x8c: {  	s16 =	sshll.u32 s0, $0xA;
	s2 =	sadd.s32 s3, s2  }
0x8d: {  	s2 =	sadd.s32 s2, s16  }
0x8e: {  	[smem:$0x3FC2] =	sst s2  }
0x8f: {  	_ = 	snop  }
0x90: {  	(tm) =	ssettm $0x1  }
0x91: {  	s17 =	sld [smem:$0x3FFB];
	_ =	sdelay $0x3  }
0x92: {  	_ =	strace s17  }
0x93: {  	s2 =	sld [smem:$0x3FFC];
	_ =	sdelay $0x3  }
0x94: {  	_ =	strace s2  }
0x95: {  	s2 =	sld [smem:$0x3FFD];
	_ =	sdelay $0x3  }
0x96: {  	_ =	strace s2  }
0x97: {  	_ =	strace $0x8FFFFFFF  }
0x98: {  	s18 =	sld [smem:$0x3FDB];
	_ =	sdelay $0x1  }
0x99: {  	s19 =	simm.s32 $_scs_section_size  }
0x9a: {  	s4 =	simm.s32 $_size__tile_overlayer_lowered;
	s5 =	simm.s32 $_tile_overlayer_lowered  }
0x9b: {  	s22 =	simm.s32 $0x1BFF;
	s21 =	sshll.u32 s5, $0x1;
	s2 =	sadd.s32 s19, s18  }
0x9c: {  	s6 =	simm.s32 $0x0;
	s20 =	sshll.u32 s4, $0x1;
	s4 =	sadd.s32 s21, s2  }
0x9d: {  	[timem:s6], [sflag:s22] =	dma.local [hbm:s4], s20  }
0x9e: {  	_ =	swait.ge [sflag:s22], s20  }
0x9f: {  	s3 =	ssub.s32 $0x0, s20;
	[sflag:s22] =	ssyncset.done $0x0  }
0xa0: {  	[sflag:s22] =	ssyncadd.s32 s3;
	_ =	sdelay $0x1  }
0xa1: {  	s23 =	simm.s32 $0x1B8B  }
0xa2: {  	_ =	swait.ge [sflag:s23], $0x1  }
0xa3: {  	[sflag:s23] =	ssyncset.done $0x0  }
0xa4: {  	s25 =	simm.s32 $0x1B8E;
	s24 =	sld [smem:$0x3FFE];
	[sflag:s23] =	ssyncadd.s32 $0xFFFFFFFF  }
0xa5: {  	s26 =	simm.s32 $execute0_lowered;
	[smem:$0x3FD2] =	sst s25  }
0xa6: {  	s4 =	sshll.u32 s26, $0x1;
	_ =	strace $0x8000004C;
	[dreg:$0x1] =	wrdreg $0xFFFFFFFF  }
0xa7: {  	s28 =	simm.s32 $_size_execute0_lowered;
	s2 =	sadd.s32 s2, s4;
	[dreg:$0x0] =	wrdreg $0x0  }
0xa8: {  	s4 =	sshll.u32 s28, $0x1;
	[dreg:$0x2] =	wrdreg s2  }
0xa9: {  	[dreg:$0x3] =	wrdreg s4  }
0xaa: {  	[dreg:$0x4] =	wrdreg $0xC0  }
0xab: {  	_ =	task [dreg:s6], $0x5FFFF  }
0xac: {  	[dreg:$0x1] =	wrdreg $0xFFFFFFFF  }
0xad: {  	[dreg:$0x0] =	wrdreg $0x60  }
0xae: {  	[dreg:$0x2] =	wrdreg s24  }
0xaf: {  	[dreg:$0x3] =	wrdreg $0xA8000  }
0xb0: {  	[dreg:$0x4] =	wrdreg $0x9  }
0xb1: {  	_ =	task.clear_ibuf [dreg:s6], $0x5FFFF;
	_ =	strace $0x9000004C  }
0xb2: {  	s29 =	simm.s32 $0x9;
	_ =	strace $0x8000004E  }
0xb3: {  	_ =	swait.ge [sflag:s29], $0x1  }
0xb4: {  	[sflag:s29] =	ssyncadd.s32 $0xFFFFFFFF  }
0xb5: {  	_ =	strace $0x9000004E  }
0xb6: {  	_ =	sfence  }
0xb7: {  	s30 =	sld [smem:$0x0];
	_ =	sdelay $0x2  }
0xb8: {  	s31 =	sshll.u32 s1, $0xD;
	s1 =	sshrl.u32 s1, $0x2  }
0xb9: {  	s3 =	sand.u32 $0x4000, s31;
	s1 =	sadd.s32 s1, s30  }
0xba: {  	s0 =	sor.u32 s3, s0;
	s1 =	sshll.u32 s1, $0x11  }
0xbb: {  	s0 =	sor.u32 s1, s0  }
0xbc: {  	s0 =	sadd.s32 $0x8F2B, s0  }
0xbd: {  	[sflag:s0] =	ssyncadd.remote.s32 $0x1  }
0xbe: {  	_ =	sfence.sel $0xFFFF  }
0xbf: {  	[dreg:$0x0] =	wrdreg $0xFFFFFFFF;
	(pc) =	sbr.abs _section_cstart, $3  }
0xc0: {  	[dreg:$0x1] =	wrdreg $0xFFFFFFFF  }
0xc1: {  	_ =	task.clear_ibuf [dreg:s6], $0x2FFFF;
	_ =	strace $0x9FFFFFFF  }
0xc2: {  	(tm) =	ssettm $0x7FFFFFFF  }
0xc3: {  	_ =	shalt  }
tec
execute0_lowered:
.L_overlay_start_1:
0x0: {  	(tag) =	ssettag $0x1  }
0x1: {  	s5 =	rddreg [dreg:$0x0]  }
0x2: {  	s2 =	rddreg [dreg:$0x1];
	s0 =	stileid.u32  }
0x3: {  	s1 =	srdreg.scid;
	s3 =	simm.s32 $0x0;
	s8 =	smul.u32 $0x14000, s0  }
0x4: {  	s20 =	simm.s32 $0x2800;
	s21 =	simm.s32 $0x3;
	s24 =	smul.u32 $0x50000, s0  }
0x5: {  	s6 =	sand.u32 $0x1, s1;
	[smem:$0x7FF] =	sst s3;
	s28 =	smul.u32 $0xFFFFFFB0, s0  }
0x6: {  	s4 =	sshll.u32 s6, $0x4;
	s7 =	smul.u32 $0x140000, s6;
	_ =	strace $0x8000004D  }
0x7: {  	s25 =	ssub.s32 $0x2, s6;
	s11 =	smul.u32 $0xFFFFFB00, s6;
	s23 =	sor.u32 s0, s4  }
0x8: {  	s4 =	sadd.s32 $0x16A00, s5;
	s26 =	sshrl.u32 s24, $0x2;
	s29 =	sshrl.u32 s25, $0x1  }
0x9: {  	s24 =	simm.s32 $0x6800;
	s9 =	smul.u32 $0x2800, s23;
	s7 =	sadd.s32 s8, s7  }
0xa: {  	s10 =	smul.u32 $0xFFFFFFB0, s23;
	s17 =	ssub.s32 s25, s29;
	s11 =	sadd.s32 s11, s28  }
0xb: {  	p0 =	seq.s32 s23, $0x1F;
	s23 =	simm.s32 $0x80;
	s25 =	simm.s32 $0x2  }
0xc: {  	s7 =	sshrl.u32 s7, $0x3;
	s18 =	sadd.s32 $0x9C4, s11;
	s17 =	smax.u32 s17, $0x1  }
0xd: {  	s22 =	sshrl.u32 s9, $0x3;
	s16 =	sadd.s32 s7, s5;
	s12 =	sadd.s32 $0x9C4, s10  }
0xe: {  	s14 =	smax.u32 s18, $0x28;
	s18 =	smin.u32 s18, $0x28;
	s15 =	sadd.s32 s22, s5  }
0xf: {  	s5 =	sadd.s32 s26, s2;
	s10 =	smin.u32 s12, $0x28;
	s13 =	smax.u32 s12, $0x28  }
0x10: {  	s19 =	smin.u32 s14, $0x50;
	s16 =	sadd.s32 $0x3DC00, s16;
	s18 =	sshll.u32 s18, $0x9  }
0x11: {  	s22 =	simm.s32 $0x1;
	s26 =	simm.s32 $0x0;
	s30 =	sadd.s32 $0x4000, s5  }
0x12: {  	s31 =	sadd.s32 $0x8000, s5;
	s8 =	sadd.s32 $0xC000, s5;
	s9 =	sadd.s32 $0x10000, s5  }
.Ltmp0:
0x13: {  	s11 =	sadd.s32 $0x2A00, s15;
	s12 =	sadd.s32 $0xCA00, s15;
	(pc) =	sbr.rel .LBB2_1-.Ltmp0, $4  }
0x14: {  	s13 =	smin.u32 s13, $0x50;
	s14 =	sadd.s32 $0x2C80, s15;
	s19 =	sadd.s32 $0xFFFFFFD8, s19  }
0x15: {  	s15 =	sadd.s32 $0xCC80, s15;
	s13 =	sadd.s32 $0xFFFFFFD8, s13;
	s19 =	sshrl.u32 s19, $0x1  }
0x16: {  	[dreg:$0x3] =	wrdreg s30;
	s19 =	smax.u32 s19, $0x1;
	p1 =	seq.s32 @!p0 s13, $0x0  }
0x17: {  	v0 =	vimm.f32 $0.0e+00;
	[dreg:$0x4] =	wrdreg s31;
	s19 =	sshll.u32 s19, $0x1;
	p1 =	por p0, p1  }
.LBB2_8:
0x18: {  	[sflag:s21] =	ssyncset.done $0x0  }
0x19: {  	[sflag:s21] =	ssyncadd.s32 $0xFFFFC000  }
.LBB2_9:
0x1a: {  	s0 =	stileid.u32;
	s26 =	sadd.s32 $0x1, s26  }
0x1b: {  	[bflag:$0x0] =	sbarrier.arrive $0xFFFF;
	s0 =	sshll.u32 s0, $0x6;
	p2 =	sne.s32 s26, s17  }
.Ltmp1:
0x1c: {  	s1 =	sshrl.u32 s5, $0x3;
	s0 =	sor.u32 $0x1C03, s0;
	(pc) =	sbr.rel @!p2 .LBB2_10-.Ltmp1, $4  }
0x1d: {  	[hbm:s16], [sflag:s0] =	dma.local [spmem:s1], $0x2800  }
0x1e: {  	_ =	swait.ge [sflag:s21], $0x2800  }
0x1f: {  	[sflag:s21] =	ssyncset.done $0x0  }
0x20: {  	[sflag:s21] =	ssyncadd.s32 $0xFFFFD800  }
.LBB2_1:
0x21: {  	s28 =	simm.s32 $0x0;
	s29 =	simm.s32 $0x200  }
.LBB2_2:
0x22: {  	p2 =	sne.s32 s29, $0xFE00;
	[tilespmem:s28+$0x2870] =	vst v0  }
0x23: {  	[tilespmem:s28+$0x2800] =	vst v0  }
0x24: {  	[tilespmem:s28+$0x2810] =	vst v0  }
.Ltmp2:
0x25: {  	[tilespmem:s28+$0x2820] =	vst v0;
	(pc) =	sbr.rel @p2 .LBB2_2-.Ltmp2, $4  }
0x26: {  	[tilespmem:s28+$0x2830] =	vst v0  }
0x27: {  	[tilespmem:s28+$0x2840] =	vst v0  }
0x28: {  	[tilespmem:s28+$0x2850] =	vst v0  }
0x29: {  	[tilespmem:s28+$0x2860] =	vst v0;
	s28 =	sshra.s32 s29, $0x2;
	s29 =	sadd.s32 $0x200, s29  }
0x2a: {  	[tilespmem:s28+$0x2870] =	vst v0  }
0x2b: {  	[tilespmem:s28+$0x2800] =	vst v0  }
0x2c: {  	[tilespmem:s28+$0x2810] =	vst v0  }
0x2d: {  	[tilespmem:s28+$0x2820] =	vst v0  }
0x2e: {  	[tilespmem:s28+$0x2830] =	vst v0  }
0x2f: {  	[tilespmem:s28+$0x2840] =	vst v0  }
0x30: {  	[tilespmem:s28+$0x2850] =	vst v0  }
0x31: {  	[tilespmem:s28+$0x2860] =	vst v0  }
0x32: {  	[spmem:s5] =	stream.linear.scatter [tilespmem:s20], [sflag:$0x3], $0x4000, $0x38;
	[tilespmem:$0x1E800] =	vst v63  }
0x33: {  	_ =	swait.ge [sflag:s21], $0x4000  }
0x34: {  	[sflag:s21] =	ssyncset.done $0x0  }
0x35: {  	s0 =	rddreg [dreg:$0x3];
	[sflag:s21] =	ssyncadd.s32 $0xFFFFC000  }
0x36: {  	[spmem:s0] =	stream.linear.scatter [tilespmem:s20], [sflag:$0x3], $0x4000, $0x38;
	[tilespmem:$0x1E800] =	vst v63  }
0x37: {  	_ =	swait.ge [sflag:s21], $0x4000  }
0x38: {  	[sflag:s21] =	ssyncset.done $0x0  }
0x39: {  	s7 =	rddreg [dreg:$0x4];
	[sflag:s21] =	ssyncadd.s32 $0xFFFFC000  }
0x3a: {  	[spmem:s7] =	stream.linear.scatter [tilespmem:s20], [sflag:$0x3], $0x4000, $0x38;
	[tilespmem:$0x1E800] =	vst v63  }
0x3b: {  	_ =	swait.ge [sflag:s21], $0x4000  }
0x3c: {  	[sflag:s21] =	ssyncset.done $0x0  }
0x3d: {  	[sflag:s21] =	ssyncadd.s32 $0xFFFFC000  }
0x3e: {  	[spmem:s8] =	stream.linear.scatter [tilespmem:s20], [sflag:$0x3], $0x4000, $0x38;
	[tilespmem:$0x1E800] =	vst v63  }
0x3f: {  	_ =	swait.ge [sflag:s21], $0x4000  }
0x40: {  	[sflag:s21] =	ssyncset.done $0x0  }
0x41: {  	[sflag:s21] =	ssyncadd.s32 $0xFFFFC000  }
0x42: {  	[spmem:s9] =	stream.linear.scatter [tilespmem:s20], [sflag:$0x3], $0x4000, $0x38;
	[tilespmem:$0x1E800] =	vst v63  }
0x43: {  	_ =	swait.ge [sflag:s21], $0x4000  }
0x44: {  	[sflag:s21] =	ssyncset.done $0x0  }
0x45: {  	[sflag:s21] =	ssyncadd.s32 $0xFFFFC000  }
0x46: {  	[bflag:$0x0] =	sbarrier.arrive $0xFFFF  }
0x47: {  	[tilespmem:s3], [sflag:$0x3] =	stream.linear.gather [hbm4b:s11+s3], $0x1400, $0x38;
	[tilespmem:$0x1E800] =	vst v63  }
0x48: {  	_ =	swait.ge [sflag:s21], $0x1400  }
0x49: {  	[sflag:s21] =	ssyncset.done $0x0  }
0x4a: {  	s28 =	simm.s32 $0x1400;
	[sflag:s21] =	ssyncadd.s32 $0xFFFFEC00  }
0x4b: {  	[tilespmem:s28], [sflag:$0x3] =	stream.linear.gather [hbm4b:s12+s3], $0x1400, $0x38;
	[tilespmem:$0x1E800] =	vst v63  }
0x4c: {  	_ =	swait.ge [sflag:s21], $0x1400  }
0x4d: {  	[sflag:s21] =	ssyncset.done $0x0  }
0x4e: {  	s29 =	simm.s32 $0x80;
	[sflag:s21] =	ssyncadd.s32 $0xFFFFEC00  }
0x4f: {  	[tilespmem:s20], [sflag:$0x1] =	stream.indirect.gather [hbm4b:s4+s29], $0x80, s3, s29, $0xb8;
	[tilespmem:$0x1E800] =	vst v63  }
0x50: {  	_ =	swait.ge [sflag:s22], $0x4000  }
0x51: {  	[sflag:s22] =	ssyncset.done $0x0  }
0x52: {  	[sflag:s22] =	ssyncadd.s32 $0xFFFFC000  }
0x53: {  	[tilespmem:s24], [sflag:$0x2] =	stream.indirect.gather [hbm4b:s4+s23], $0x80, s29, s23, $0xb8;
	[tilespmem:$0x1E800] =	vst v63  }
0x54: {  	_ = 	snop  }
0x55: {  	[spmem:s2] =	stream.indirect.scatter.add.f32 [tilespmem:s20], [sflag:$0x3], $0x80, s28, s23, $0xb8;
	[tilespmem:$0x1E800] =	vst v63  }
0x56: {  	_ =	swait.ge [sflag:s21], $0x4000  }
0x57: {  	[sflag:s21] =	ssyncset.done $0x0  }
0x58: {  	[sflag:s21] =	ssyncadd.s32 $0xFFFFC000  }
0x59: {  	p2 =	sle.u32 s10, $0x2;
	_ =	swait.ge [sflag:s25], $0x4000  }
0x5a: {  	s30 =	simm.s32 @!p2 $0x80;
	[sflag:s25] =	ssyncset.done $0x0  }
0x5b: {  	s31 =	simm.s32 @!p2 $0x2800;
	s29 =	simm.s32 @!p2 $0x100;
	[sflag:s25] =	ssyncadd.s32 $0xFFFFC000  }
0x5c: {  	[tilespmem:s31], [sflag:$0x1] =	stream.indirect.gather @!p2 [hbm4b:s4+s30], $0x80, s29, s30, $0xb8;
	[tilespmem:$0x1E800] =	vst v63  }
0x5d: {  	s29 =	sadd.s32 $0xFFFFFC00, s18  }
0x5e: {  	p2 =	sne.s32 s29, $0x0  }
.Ltmp3:
0x5f: {  	_ = 	snop;
	(pc) =	sbr.rel @!p2 .LBB2_5-.Ltmp3, $4  }
0x60: {  	_ = 	snop  }
0x61: {  	s30 =	simm.s32 $0x1480  }
0x62: {  	[spmem:s2] =	stream.indirect.scatter.add.f32 [tilespmem:s24], [sflag:$0x3], $0x80, s30, s23, $0xb8;
	[tilespmem:$0x1E800] =	vst v63  }
0x63: {  	s31 =	simm.s32 $0x4;
	s30 =	simm.s32 $0x180;
	_ =	swait.ge [sflag:s21], $0x4000  }
.LBB2_4:
0x64: {  	s29 =	sadd.s32 $0xFFFFFC00, s29;
	[sflag:s21] =	ssyncset.done $0x0;
	s28 =	sadd.s32 $0x100, s28  }
0x65: {  	p2 =	sne.s32 s29, $0x0;
	[sflag:s21] =	ssyncadd.s32 $0xFFFFC000  }
0x66: {  	_ =	swait.ge [sflag:s22], $0x4000  }
0x67: {  	[sflag:s22] =	ssyncset.done $0x0  }
0x68: {  	[sflag:s22] =	ssyncadd.s32 $0xFFFFC000  }
0x69: {  	[tilespmem:s24], [sflag:$0x2] =	stream.indirect.gather [hbm4b:s4+s23], $0x80, s30, s23, $0xb8;
	[tilespmem:$0x1E800] =	vst v63  }
0x6a: {  	_ = 	snop  }
0x6b: {  	[spmem:s2] =	stream.indirect.scatter.add.f32 [tilespmem:s20], [sflag:$0x3], $0x80, s28, s23, $0xb8;
	[tilespmem:$0x1E800] =	vst v63  }
0x6c: {  	_ =	swait.ge [sflag:s21], $0x4000  }
0x6d: {  	[sflag:s21] =	ssyncset.done $0x0  }
0x6e: {  	[sflag:s21] =	ssyncadd.s32 $0xFFFFC000  }
0x6f: {  	_ =	swait.ge [sflag:s25], $0x4000  }
0x70: {  	p3 =	sge.u32 s31, s10;
	[sflag:s25] =	ssyncset.done $0x0  }
0x71: {  	s0 =	sadd.s32 @!p3 $0x80, s30;
	s1 =	simm.s32 @!p3 $0x80;
	[sflag:s25] =	ssyncadd.s32 $0xFFFFC000  }
.Ltmp4:
0x72: {  	s6 =	simm.s32 @!p3 $0x2800;
	s7 =	sadd.s32 $0x80, s28;
	(pc) =	sbr.rel @p2 .LBB2_4-.Ltmp4, $4  }
0x73: {  	[tilespmem:s6], [sflag:$0x1] =	stream.indirect.gather @!p3 [hbm4b:s4+s1], $0x80, s0, s1, $0xb8;
	[tilespmem:$0x1E800] =	vst v63  }
0x74: {  	_ = 	snop  }
0x75: {  	[spmem:s2] =	stream.indirect.scatter.add.f32 [tilespmem:s24], [sflag:$0x3], $0x80, s7, s23, $0xb8;
	[tilespmem:$0x1E800] =	vst v63  }
0x76: {  	s31 =	sadd.s32 $0x2, s31;
	s30 =	sadd.s32 $0x100, s30;
	_ =	swait.ge [sflag:s21], $0x4000  }
.LBB2_5:
0x77: {  	[sflag:s21] =	ssyncset.done $0x0  }
0x78: {  	s29 =	simm.s32 @!p0 $0x0;
	s0 =	simm.s32 @!p0 $0x3;
	[sflag:s21] =	ssyncadd.s32 $0xFFFFC000  }
0x79: {  	[tilespmem:s29], [sflag:$0x3] =	stream.linear.gather @!p0 [hbm4b:s14+s29], $0x1400, $0x38;
	[tilespmem:$0x1E800] =	vst v63  }
0x7a: {  	_ =	swait.ge @!p0 [sflag:s0], $0x1400  }
0x7b: {  	[sflag:s0] =	ssyncset.done @!p0 $0x0  }
0x7c: {  	s28 =	simm.s32 @!p0 $0x1400;
	[sflag:s0] =	ssyncadd.s32 @!p0 $0xFFFFEC00  }
0x7d: {  	[tilespmem:s28], [sflag:$0x3] =	stream.linear.gather @!p0 [hbm4b:s15+s29], $0x1400, $0x38;
	[tilespmem:$0x1E800] =	vst v63  }
.Ltmp5:
0x7e: {  	_ = 	snop;
	(pc) =	sbr.rel @p1 .LBB2_9-.Ltmp5, $4  }
0x7f: {  	_ =	swait.ge @!p0 [sflag:s0], $0x1400  }
0x80: {  	[sflag:s0] =	ssyncset.done @!p0 $0x0  }
0x81: {  	s30 =	simm.s32 @!p0 $0x80;
	[sflag:s0] =	ssyncadd.s32 @!p0 $0xFFFFEC00;
	s0 =	simm.s32 @!p0 $0x2800  }
0x82: {  	[tilespmem:s0], [sflag:$0x1] =	stream.indirect.gather @!p0 [hbm4b:s4+s30], $0x80, s29, s30, $0xb8;
	[tilespmem:$0x1E800] =	vst v63  }
0x83: {  	_ =	swait.ge [sflag:s22], $0x4000  }
0x84: {  	[sflag:s22] =	ssyncset.done $0x0  }
0x85: {  	[sflag:s22] =	ssyncadd.s32 $0xFFFFC000  }
0x86: {  	[tilespmem:s24], [sflag:$0x2] =	stream.indirect.gather [hbm4b:s4+s23], $0x80, s30, s23, $0xb8;
	[tilespmem:$0x1E800] =	vst v63  }
0x87: {  	_ = 	snop  }
0x88: {  	[spmem:s2] =	stream.indirect.scatter.add.f32 [tilespmem:s20], [sflag:$0x3], $0x80, s28, s23, $0xb8;
	[tilespmem:$0x1E800] =	vst v63  }
0x89: {  	_ =	swait.ge [sflag:s21], $0x4000  }
0x8a: {  	[sflag:s21] =	ssyncset.done $0x0  }
0x8b: {  	s29 =	sadd.s32 $0x2, s29;
	[sflag:s21] =	ssyncadd.s32 $0xFFFFC000  }
0x8c: {  	p2 =	sge.u32 s29, s13;
	_ =	swait.ge [sflag:s25], $0x4000  }
0x8d: {  	s0 =	sadd.s32 @!p2 $0x80, s30;
	[sflag:s25] =	ssyncset.done $0x0  }
0x8e: {  	s1 =	simm.s32 @!p2 $0x80;
	s6 =	simm.s32 @!p2 $0x2800;
	[sflag:s25] =	ssyncadd.s32 $0xFFFFC000  }
0x8f: {  	[tilespmem:s6], [sflag:$0x1] =	stream.indirect.gather @!p2 [hbm4b:s4+s1], $0x80, s0, s1, $0xb8;
	[tilespmem:$0x1E800] =	vst v63  }
0x90: {  	p2 =	sne.s32 s19, s29  }
.Ltmp6:
0x91: {  	_ = 	snop;
	(pc) =	sbr.rel @!p2 .LBB2_8-.Ltmp6, $4  }
0x92: {  	_ = 	snop  }
0x93: {  	s31 =	sadd.s32 $0x80, s28  }
0x94: {  	[spmem:s2] =	stream.indirect.scatter.add.f32 [tilespmem:s24], [sflag:$0x3], $0x80, s31, s23, $0xb8;
	[tilespmem:$0x1E800] =	vst v63  }
0x95: {  	s30 =	sadd.s32 $0x100, s30;
	_ =	swait.ge [sflag:s21], $0x4000  }
.LBB2_7:
0x96: {  	s29 =	sadd.s32 $0x2, s29;
	[sflag:s21] =	ssyncset.done $0x0;
	s28 =	sadd.s32 $0x100, s28  }
0x97: {  	p2 =	sne.s32 s19, s29;
	[sflag:s21] =	ssyncadd.s32 $0xFFFFC000  }
0x98: {  	_ =	swait.ge [sflag:s22], $0x4000  }
0x99: {  	[sflag:s22] =	ssyncset.done $0x0  }
0x9a: {  	[sflag:s22] =	ssyncadd.s32 $0xFFFFC000  }
0x9b: {  	[tilespmem:s24], [sflag:$0x2] =	stream.indirect.gather [hbm4b:s4+s23], $0x80, s30, s23, $0xb8;
	[tilespmem:$0x1E800] =	vst v63  }
0x9c: {  	_ = 	snop  }
0x9d: {  	[spmem:s2] =	stream.indirect.scatter.add.f32 [tilespmem:s20], [sflag:$0x3], $0x80, s28, s23, $0xb8;
	[tilespmem:$0x1E800] =	vst v63  }
0x9e: {  	_ =	swait.ge [sflag:s21], $0x4000  }
0x9f: {  	[sflag:s21] =	ssyncset.done $0x0  }
0xa0: {  	[sflag:s21] =	ssyncadd.s32 $0xFFFFC000  }
0xa1: {  	_ =	swait.ge [sflag:s25], $0x4000  }
0xa2: {  	p3 =	sge.u32 s29, s13;
	[sflag:s25] =	ssyncset.done $0x0  }
0xa3: {  	s0 =	sadd.s32 @!p3 $0x80, s30;
	s1 =	simm.s32 @!p3 $0x80;
	[sflag:s25] =	ssyncadd.s32 $0xFFFFC000  }
.Ltmp7:
0xa4: {  	s7 =	sadd.s32 $0x80, s28;
	s6 =	simm.s32 @!p3 $0x2800;
	(pc) =	sbr.rel @p2 .LBB2_7-.Ltmp7, $4  }
0xa5: {  	[tilespmem:s6], [sflag:$0x1] =	stream.indirect.gather @!p3 [hbm4b:s4+s1], $0x80, s0, s1, $0xb8;
	[tilespmem:$0x1E800] =	vst v63  }
0xa6: {  	_ = 	snop  }
0xa7: {  	[spmem:s2] =	stream.indirect.scatter.add.f32 [tilespmem:s24], [sflag:$0x3], $0x80, s7, s23, $0xb8;
	[tilespmem:$0x1E800] =	vst v63  }
0xa8: {  	s30 =	sadd.s32 $0x100, s30;
	_ =	swait.ge [sflag:s21], $0x4000  }
.Ltmp8:
0xa9: {  	_ = 	snop;
	(pc) =	sbr.rel .LBB2_8-.Ltmp8, $1  }
0xaa: {  	_ =	sdelay $0x3  }
.LBB2_10:
0xab: {  	_ =	sfence.sel $0x180000  }
0xac: {  	[bflag:$0x0] =	sbarrier.arrive $0xFFFF  }
0xad: {  	_ =	strace $0x9000004D  }
0xae: {  	s0 =	stileid.u32;
	[bflag:$0x2] =	sbarrier.arrive $0xFFFF  }
0xaf: {  	p0 =	sne.s32 s0, $0x0;
	s0 =	rddreg [dreg:$0x2]  }
0xb0: {  	s0 =	sadd.s32 @!p0 $0x100000, s0  }
0xb1: {  	[sflag:s0] =	ssyncadd.tile.s32 @!p0 $0x1;
	_ =	shalt  }
.Lfunc_end2:
_tile_overlayer_lowered:
.L_overlay_start_2:
0xb2: {  	(tag) =	ssettag $0x2  }
0xb3: {  	s0 =	rddreg [dreg:$0x0];
	s2 =	stileid.u32  }
0xb4: {  	s1 =	rddreg [dreg:$0x1];
	p0 =	sne.s32 s2, $0x0  }
0xb5: {  	s3 =	rddreg [dreg:$0x2];
	[bflag:$0x3] =	sbarrier.arrive $0xFFFF;
	s2 =	simm.s32 @!p0 $0x1C03  }
0xb6: {  	[timem:s3], [sflag:s2] =	dma.local @!p0 [hbm:s0], s1  }
0xb7: {  	s0 =	simm.s32 @!p0 $0x3  }
0xb8: {  	_ =	swait.ge @!p0 [sflag:s0], s1  }
0xb9: {  	s1 =	ssub.s32 @!p0 $0x0, s1;
	[sflag:s0] =	ssyncset.done @!p0 $0x0  }
0xba: {  	[sflag:s0] =	ssyncadd.s32 @!p0 s1  }
0xbb: {  	[bflag:$0x3] =	sbarrier.arrive $0xFFFF  }
0xbc: {  	_ =	shalt  }

// kernel: kernel.8.cloned.1.call-start
scs
__scs_entry_jumppad:
0x0: {  	(pc) =	sbr.rel $0x88, $3  }
0x1: {  	(tag) =	ssettag $0x0;
	lr =	simm.s32 $0x1  }
0x2: {  	[smem:$0x3F9B] =	sst lr;
	_ =	strace $0xD0000000  }
0x3: {  	_ = 	snop  }
0x4: {  	_ = 	snop  }
0x5: {  	_ = 	snop  }
0x6: {  	_ = 	snop  }
0x7: {  	_ = 	snop  }
__scs_overlays_trampoline_lowered:
0x8: {  	[smem:$0x3FAA] =	sst s0  }
0x9: {  	[smem:$0x3FAB] =	sst s1  }
0xa: {  	[smem:$0x3FAC] =	sst s2  }
0xb: {  	[smem:$0x3FAD] =	sst s3  }
0xc: {  	[smem:$0x3FAE] =	sst s4  }
0xd: {  	[smem:$0x3FAF] =	sst s5  }
0xe: {  	[smem:$0x3FB0] =	sst s6  }
0xf: {  	[smem:$0x3FB1] =	sst s7  }
0x10: {  	[smem:$0x3FB2] =	sst s8  }
0x11: {  	[smem:$0x3FB3] =	sst s9;
	s0 =	simm.s32 @!p0 $0x0  }
0x12: {  	s1 =	sld [smem:$0x3F99];
	s0 =	simm.s32 @p0 $0x1  }
0x13: {  	[smem:$0x3FB4] =	sst s0;
	s0 =	simm.s32 @!p1 $0x0  }
0x14: {  	s2 =	sld [smem:$0x3F98];
	s0 =	simm.s32 @p1 $0x1  }
0x15: {  	[smem:$0x3FB5] =	sst s0;
	s0 =	simm.s32 @!p2 $0x0  }
0x16: {  	s3 =	sld [smem:$0x3FDB];
	s0 =	simm.s32 @p2 $0x1  }
0x17: {  	s4 =	simm.s32 $0x1BF5;
	[smem:$0x3FB7] =	sst s0  }
0x18: {  	s0 =	sld [smem:$0x3F9A];
	_ =	swait.ge [sflag:s4], $0x0  }
0x19: {  	s7 =	sld [smem:$0x3F9B]  }
0x1a: {  	s8 =	sadd.s32 $0xFFFFE003, lr  }
0x1b: {  	s9 =	sadd.s32 $0xFFFFFEF7, lr;
	s5 =	simm.s32 $0xFFFFFFFF;
	p2 =	slt.u32 s8, $0xFFFFF086  }
0x1c: {  	p1 =	slt.u32 s9, $0xF7A;
	s5 =	simm.s32 @!p2 $0x0  }
0x1d: {  	s5 =	simm.s32 @p1 $0x1;
	p0 =	seq.s32 s7, s2  }
0x1e: {  	s7 =	smul.u32 @!p0 $0xF7A, s2;
	p2 =	seq.s32 @!p0 s5, $0x0  }
0x1f: {  	s9 =	smul.u32 $0xF7A, s1;
	s8 =	simm.s32 @!p0 $0x1BF5;
	p2 =	por !p2, p0  }
0x20: {  	[sflag:s8] =	ssyncset.s32 @!p0 $0xFFFFF086;
	s6 =	sadd.s32 @!p0 s3, s7;
	s7 =	simm.s32 @!p0 $0x108  }
0x21: {  	s3 =	sadd.s32 s3, s9;
	s6 =	sadd.s32 @!p0 $0x88, s6;
	s7 =	simm.s32 @p2 $0x1082  }
0x22: {  	[simem:s7], [sflag:s8] =	dma.local @!p0 [hbm:s6], $0xF7A  }
0x23: {  	s9 =	sor.u32 $0xD0000000, s2;
	s6 =	simm.s32 $0x108;
	_ =	swait.ge @!p0 [sflag:s8], $0x0  }
0x24: {  	s3 =	sadd.s32 $0x88, s3;
	s6 =	simm.s32 @!p1 $0x1082;
	[sflag:s4] =	ssyncset.s32 $0xFFFFF086  }
0x25: {  	[simem:s6], [sflag:s4] =	dma.local [hbm:s3], $0xF7A  }
0x26: {  	[smem:$0x3F9B] =	sst s1;
	(tag) =	ssettag s2;
	_ =	strace s9  }
0x27: {  	s1 =	sld [smem:$0x3FAB]  }
0x28: {  	s2 =	sld [smem:$0x3FAC]  }
0x29: {  	s4 =	sld [smem:$0x3FAE]  }
0x2a: {  	p0 =	seq.s32 s5, $0x0;
	s5 =	sld [smem:$0x3FAF]  }
0x2b: {  	s6 =	sld [smem:$0x3FB0]  }
0x2c: {  	s7 =	sld [smem:$0x3FB1]  }
0x2d: {  	s3 =	simm.s32 $0x108;
	s8 =	sld [smem:$0x3FB2]  }
0x2e: {  	s3 =	simm.s32 @!p0 $0x1082;
	s9 =	sld [smem:$0x3FB3]  }
0x2f: {  	lr =	sadd.s32 s0, s3;
	s0 =	sld [smem:$0x3FAA]  }
0x30: {  	s3 =	sld [smem:$0x3FAD]  }
0x31: {  	[smem:$0x3FB6] =	sst s10  }
0x32: {  	s10 =	sld [smem:$0x3FB4];
	_ =	sdelay $0x3  }
0x33: {  	p0 =	seq.s32 s10, $0x1;
	s10 =	sld [smem:$0x3FB6];
	_ =	sdelay $0x3  }
0x34: {  	[smem:$0x3FB6] =	sst s10  }
0x35: {  	s10 =	sld [smem:$0x3FB5];
	_ =	sdelay $0x3  }
0x36: {  	p1 =	seq.s32 s10, $0x1;
	s10 =	sld [smem:$0x3FB6];
	_ =	sdelay $0x3  }
0x37: {  	[smem:$0x3FB6] =	sst s10  }
0x38: {  	s10 =	sld [smem:$0x3FB7]  }
0x39: {  	_ = 	snop;
	(pc) =	sbr.ind lr, $3  }
0x3a: {  	_ = 	snop  }
0x3b: {  	_ = 	snop  }
0x3c: {  	p2 =	seq.s32 s10, $0x1;
	s10 =	sld [smem:$0x3FB6]  }
0x3d: {  	_ =	shalt  }
0x3e: {  	_ =	shalt  }
0x3f: {  	_ =	shalt  }
0x40: {  	_ =	shalt  }
0x41: {  	_ =	shalt  }
0x42: {  	_ =	shalt  }
0x43: {  	_ =	shalt  }
0x44: {  	_ =	shalt  }
0x45: {  	_ =	shalt  }
0x46: {  	_ =	shalt  }
0x47: {  	_ =	shalt  }
0x48: {  	_ =	shalt  }
0x49: {  	_ =	shalt  }
0x4a: {  	_ =	shalt  }
0x4b: {  	_ =	shalt  }
0x4c: {  	_ =	shalt  }
0x4d: {  	_ =	shalt  }
0x4e: {  	_ =	shalt  }
0x4f: {  	_ =	shalt  }
0x50: {  	_ =	shalt  }
0x51: {  	_ =	shalt  }
0x52: {  	_ =	shalt  }
0x53: {  	_ =	shalt  }
0x54: {  	_ =	shalt  }
0x55: {  	_ =	shalt  }
0x56: {  	_ =	shalt  }
0x57: {  	_ =	shalt  }
0x58: {  	_ =	shalt  }
0x59: {  	_ =	shalt  }
0x5a: {  	_ =	shalt  }
0x5b: {  	_ =	shalt  }
0x5c: {  	_ =	shalt  }
0x5d: {  	_ =	shalt  }
0x5e: {  	_ =	shalt  }
0x5f: {  	_ =	shalt  }
0x60: {  	_ =	shalt  }
0x61: {  	_ =	shalt  }
0x62: {  	_ =	shalt  }
0x63: {  	_ =	shalt  }
0x64: {  	_ =	shalt  }
0x65: {  	_ =	shalt  }
0x66: {  	_ =	shalt  }
0x67: {  	_ =	shalt  }
0x68: {  	_ =	shalt  }
0x69: {  	_ =	shalt  }
0x6a: {  	_ =	shalt  }
0x6b: {  	_ =	shalt  }
0x6c: {  	_ =	shalt  }
0x6d: {  	_ =	shalt  }
0x6e: {  	_ =	shalt  }
0x6f: {  	_ =	shalt  }
0x70: {  	_ =	shalt  }
0x71: {  	_ =	shalt  }
0x72: {  	_ =	shalt  }
0x73: {  	_ =	shalt  }
0x74: {  	_ =	shalt  }
0x75: {  	_ =	shalt  }
0x76: {  	_ =	shalt  }
0x77: {  	_ =	shalt  }
0x78: {  	_ =	shalt  }
0x79: {  	_ =	shalt  }
0x7a: {  	_ =	shalt  }
0x7b: {  	_ =	shalt  }
0x7c: {  	_ =	shalt  }
0x7d: {  	_ =	shalt  }
0x7e: {  	_ =	shalt  }
0x7f: {  	_ =	shalt  }
0x80: {  	_ =	shalt  }
0x81: {  	_ =	shalt  }
0x82: {  	_ =	shalt  }
0x83: {  	_ =	shalt  }
0x84: {  	_ =	shalt  }
0x85: {  	_ =	shalt  }
0x86: {  	_ =	shalt  }
0x87: {  	_ =	shalt  }
.Lfunc_end0:
.L_simem_size_0:
called_computation_lowered:
.L_overlay_start_0:
0x88: {  	s2 =	sld [smem:$0x3FD9]  }
0x89: {  	s3 =	sld [smem:$0x3FFE];
	_ =	sdelay $0x1  }
0x8a: {  	s1 =	srdreg.scid  }
0x8b: {  	s0 =	sand.u32 $0x1, s1  }
0x8c: {  	s14 =	sshll.u32 s0, $0xA;
	s2 =	sadd.s32 s3, s2  }
0x8d: {  	s2 =	sadd.s32 s2, s14  }
0x8e: {  	[smem:$0x3FC2] =	sst s2  }
0x8f: {  	_ = 	snop  }
0x90: {  	s2 =	sld [smem:$0x3FD0];
	_ =	sdelay $0x2  }
0x91: {  	s15 =	simm.s32 $0xA;
	s4 =	simm.s32 $0x10  }
0x92: {  	[smem:s4], [sflag:s15] =	dma.local [hbm:s2], $0x1  }
0x93: {  	_ =	swait.eq [sflag:s15], $0x1  }
0x94: {  	[sflag:s15] =	ssyncset.done $0x0  }
0x95: {  	[sflag:s15] =	ssyncadd.s32 $0xFFFFFFFF  }
0x96: {  	s16 =	sld [smem:$0x11];
	(tm) =	ssettm $0x1  }
0x97: {  	s17 =	sld [smem:$0x3FFB];
	_ =	sdelay $0x3  }
0x98: {  	_ =	strace s17  }
0x99: {  	s3 =	sld [smem:$0x3FFC];
	_ =	sdelay $0x3  }
0x9a: {  	_ =	strace s3  }
0x9b: {  	s3 =	sld [smem:$0x3FFD];
	_ =	sdelay $0x3  }
0x9c: {  	_ =	strace s3  }
0x9d: {  	_ =	strace $0x8FFFFFFF  }
0x9e: {  	s18 =	sld [smem:$0x3FDB];
	_ =	sdelay $0x1  }
0x9f: {  	s19 =	simm.s32 $_scs_section_size  }
0xa0: {  	s5 =	simm.s32 $_size__tile_overlayer_lowered;
	s6 =	simm.s32 $_tile_overlayer_lowered  }
0xa1: {  	s22 =	simm.s32 $0x1BFF;
	s21 =	sshll.u32 s6, $0x1;
	s3 =	sadd.s32 s19, s18  }
0xa2: {  	s7 =	simm.s32 $0x0;
	s20 =	sshll.u32 s5, $0x1;
	s5 =	sadd.s32 s21, s3  }
0xa3: {  	[timem:s7], [sflag:s22] =	dma.local [hbm:s5], s20  }
0xa4: {  	_ =	swait.ge [sflag:s22], s20  }
0xa5: {  	s4 =	ssub.s32 $0x0, s20;
	[sflag:s22] =	ssyncset.done $0x0  }
0xa6: {  	[sflag:s22] =	ssyncadd.s32 s4;
	_ =	sdelay $0x1  }
0xa7: {  	s23 =	simm.s32 $0x1B8B  }
0xa8: {  	_ =	swait.ge [sflag:s23], $0x1  }
0xa9: {  	[sflag:s23] =	ssyncset.done $0x0  }
0xaa: {  	s25 =	simm.s32 $0x1B8E;
	s24 =	sld [smem:$0x3FFE];
	[sflag:s23] =	ssyncadd.s32 $0xFFFFFFFF  }
0xab: {  	s26 =	simm.s32 $execute0_lowered;
	[smem:$0x3FD2] =	sst s25  }
0xac: {  	s5 =	sshll.u32 s26, $0x1;
	_ =	strace $0x80000046;
	[dreg:$0x1] =	wrdreg $0xFFFFFFFF  }
0xad: {  	s28 =	simm.s32 $_size_execute0_lowered;
	s3 =	sadd.s32 s3, s5;
	[dreg:$0x0] =	wrdreg $0x0  }
0xae: {  	s5 =	sshll.u32 s28, $0x1;
	[dreg:$0x2] =	wrdreg s3  }
0xaf: {  	[dreg:$0x3] =	wrdreg s5  }
0xb0: {  	[dreg:$0x4] =	wrdreg $0xC0  }
0xb1: {  	_ =	task [dreg:s7], $0x5FFFF  }
0xb2: {  	[dreg:$0x1] =	wrdreg $0xFFFFFFFF  }
0xb3: {  	[dreg:$0x0] =	wrdreg $0x60  }
0xb4: {  	[dreg:$0x2] =	wrdreg s24  }
0xb5: {  	[dreg:$0x3] =	wrdreg s16  }
0xb6: {  	[dreg:$0x4] =	wrdreg $0x9  }
0xb7: {  	_ =	task.clear_ibuf [dreg:s7], $0x5FFFF;
	_ =	strace $0x90000046  }
0xb8: {  	s29 =	simm.s32 $0x9;
	_ =	strace $0x80000048  }
0xb9: {  	_ =	swait.ge [sflag:s29], $0x1  }
0xba: {  	[sflag:s29] =	ssyncadd.s32 $0xFFFFFFFF  }
0xbb: {  	_ =	strace $0x90000048  }
0xbc: {  	_ =	sfence  }
0xbd: {  	s30 =	sld [smem:$0x0];
	_ =	sdelay $0x2  }
0xbe: {  	s31 =	sshll.u32 s1, $0xD;
	s1 =	sshrl.u32 s1, $0x2  }
0xbf: {  	s3 =	sand.u32 $0x4000, s31;
	s1 =	sadd.s32 s1, s30  }
0xc0: {  	s0 =	sor.u32 s3, s0;
	s1 =	sshll.u32 s1, $0x11  }
0xc1: {  	s0 =	sor.u32 s1, s0  }
0xc2: {  	s0 =	sadd.s32 $0x8F2B, s0  }
0xc3: {  	[sflag:s0] =	ssyncadd.remote.s32 $0x1  }
0xc4: {  	_ =	sfence.sel $0xFFFF  }
0xc5: {  	[dreg:$0x0] =	wrdreg $0xFFFFFFFF;
	(pc) =	sbr.abs _section_cstart, $3  }
0xc6: {  	[dreg:$0x1] =	wrdreg $0xFFFFFFFF  }
0xc7: {  	_ =	task.clear_ibuf [dreg:s7], $0x2FFFF;
	_ =	strace $0x9FFFFFFF  }
0xc8: {  	(tm) =	ssettm $0x7FFFFFFF  }
0xc9: {  	_ =	shalt  }
tec
execute0_lowered:
.L_overlay_start_1:
0x0: {  	(tag) =	ssettag $0x1  }
0x1: {  	s4 =	rddreg [dreg:$0x0]  }
0x2: {  	s0 =	srdreg.scid;
	s6 =	rddreg [dreg:$0x1]  }
0x3: {  	s2 =	simm.s32 $0x0;
	s10 =	simm.s32 $0x1;
	s11 =	simm.s32 $0x2  }
0x4: {  	s12 =	simm.s32 $0x5000;
	s13 =	simm.s32 $0x7780;
	s14 =	simm.s32 $0x80  }
0x5: {  	s15 =	simm.s32 $0x100;
	s16 =	simm.s32 $0x3;
	s3 =	sand.u32 $0x1, s0  }
0x6: {  	s0 =	stileid.u32;
	s1 =	sshll.u32 s3, $0x4;
	s7 =	smul.u32 $0x4F000, s3  }
0x7: {  	s17 =	simm.s32 $0x0;
	s9 =	smul.u32 $0x4F00, s0;
	s1 =	sor.u32 s0, s1  }
0x8: {  	[smem:$0x7FF] =	sst s2;
	s3 =	ssub.s32 $0x2, s3;
	s5 =	smul.u32 $0x2800, s1  }
0x9: {  	s29 =	sshrl.u32 s3, $0x1;
	s8 =	smul.u32 $0xFFFFFFB0, s1;
	s1 =	rddreg [dreg:$0x2]  }
0xa: {  	_ =	strace $0x80000047;
	s7 =	sadd.s32 s9, s7;
	s30 =	ssub.s32 s3, s29  }
0xb: {  	s9 =	simm.s32 $0x2800;
	s31 =	sshrl.u32 s7, $0x3;
	s5 =	sshrl.u32 s5, $0x3  }
0xc: {  	s7 =	smax.u32 s30, $0x1;
	p0 =	slt.s32 s8, $0xFFFFF68C;
	s4 =	sadd.s32 s5, s4  }
0xd: {  	s8 =	simm.s32 @!p0 $0xFFFFF68C;
	s5 =	sadd.s32 s6, s31;
	s3 =	sadd.s32 $0x2A00, s4  }
0xe: {  	v0 =	vimm.f32 $0.0e+00;
	v1 =	vimm.f32 $1.000000000e+00;
	s4 =	sadd.s32 $0xCA00, s4;
	s6 =	sadd.s32 $0x10, s5;
	s8 =	sadd.s32 $0x9C3, s8  }
.LBB2_1:
0xf: {  	[tilespmem:s2], [sflag:$0x1] =	stream.linear.gather [hbm4b:s3+s2], $0x2800, $0x38;
	[tilespmem:$0x9F00] =	vst v63  }
0x10: {  	s18 =	simm.s32 $0x40;
	s19 =	simm.s32 $0x0  }
0x11: {  	[tilespmem:s9], [sflag:$0x2] =	stream.linear.gather [hbm4b:s4+s2], $0x2800, $0x38;
	[tilespmem:$0x9F00] =	vst v63  }
.LBB2_2:
0x12: {  	p0 =	sne.s32 s18, $0x9C00;
	[tilespmem:s19+$0x5000] =	vst v0;
	s20 =	smov.u32 s18;
	s18 =	sadd.s32 $0x40, s18  }
.Ltmp0:
0x13: {  	[tilespmem:s19+$0x7780] =	vst v0;
	(pc) =	sbr.rel @p0 .LBB2_2-.Ltmp0, $2  }
0x14: {  	_ =	sdelay $0x2  }
0x15: {  	s19 =	sshra.s32 s20, $0x2  }
0x16: {  	[tilespmem:s19+$0x5000] =	vst v0  }
0x17: {  	[tilespmem:s19+$0x7780] =	vst v0  }
0x18: {  	_ =	swait.ge [sflag:s10], $0x2800  }
0x19: {  	[sflag:s10] =	ssyncset.done $0x0  }
0x1a: {  	[sflag:s10] =	ssyncadd.s32 $0xFFFFD800  }
0x1b: {  	_ =	swait.ge [sflag:s11], $0x2800  }
0x1c: {  	s18 =	simm.s32 $0xFFFFFFFF;
	[sflag:s11] =	ssyncset.done $0x0  }
0x1d: {  	s19 =	simm.s32 $0x40;
	s20 =	simm.s32 $0x2840;
	[sflag:s11] =	ssyncadd.s32 $0xFFFFD800  }
.LBB2_4:
0x1e: {  	v2 =	vld [tilespmem:s19+$0xFFFFFFC0];
	_ =	sdelay $0x7  }
0x1f: {  	[tilespmem:v2+s12+$0x0] =	vst.idx.add.f32.msk $0xffff, v1  }
0x20: {  	v2 =	vld [tilespmem:s20+$0xFFFFFFC0];
	_ =	sdelay $0x7  }
0x21: {  	[tilespmem:v2+s13+$0x0] =	vst.idx.add.f32.msk $0xffff, v1  }
0x22: {  	v2 =	vld [tilespmem:s19+$0xFFFFFFD0];
	_ =	sdelay $0x7  }
0x23: {  	[tilespmem:v2+s12+$0x0] =	vst.idx.add.f32.msk $0xffff, v1  }
0x24: {  	v2 =	vld [tilespmem:s20+$0xFFFFFFD0];
	_ =	sdelay $0x7  }
0x25: {  	[tilespmem:v2+s13+$0x0] =	vst.idx.add.f32.msk $0xffff, v1  }
0x26: {  	v2 =	vld [tilespmem:s19+$0xFFFFFFE0];
	_ =	sdelay $0x7  }
0x27: {  	[tilespmem:v2+s12+$0x0] =	vst.idx.add.f32.msk $0xffff, v1  }
0x28: {  	v2 =	vld [tilespmem:s20+$0xFFFFFFE0];
	_ =	sdelay $0x7  }
0x29: {  	[tilespmem:v2+s13+$0x0] =	vst.idx.add.f32.msk $0xffff, v1  }
0x2a: {  	v2 =	vld [tilespmem:s19+$0xFFFFFFF0];
	_ =	sdelay $0x7  }
0x2b: {  	[tilespmem:v2+s12+$0x0] =	vst.idx.add.f32.msk $0xffff, v1  }
0x2c: {  	v2 =	vld [tilespmem:s20+$0xFFFFFFF0];
	_ =	sdelay $0x7  }
0x2d: {  	[tilespmem:v2+s13+$0x0] =	vst.idx.add.f32.msk $0xffff, v1  }
0x2e: {  	v2 =	vld [tilespmem:s19+$0x0];
	_ =	sdelay $0x7  }
0x2f: {  	[tilespmem:v2+s12+$0x0] =	vst.idx.add.f32.msk $0xffff, v1  }
0x30: {  	v2 =	vld [tilespmem:s20+$0x0];
	_ =	sdelay $0x7  }
0x31: {  	[tilespmem:v2+s13+$0x0] =	vst.idx.add.f32.msk $0xffff, v1  }
0x32: {  	v2 =	vld [tilespmem:s19+$0x10];
	_ =	sdelay $0x7  }
0x33: {  	[tilespmem:v2+s12+$0x0] =	vst.idx.add.f32.msk $0xffff, v1  }
0x34: {  	v2 =	vld [tilespmem:s20+$0x10];
	_ =	sdelay $0x7  }
0x35: {  	[tilespmem:v2+s13+$0x0] =	vst.idx.add.f32.msk $0xffff, v1  }
0x36: {  	v2 =	vld [tilespmem:s19+$0x20];
	_ =	sdelay $0x7  }
0x37: {  	[tilespmem:v2+s12+$0x0] =	vst.idx.add.f32.msk $0xffff, v1  }
0x38: {  	v2 =	vld [tilespmem:s20+$0x20];
	_ =	sdelay $0x7  }
0x39: {  	[tilespmem:v2+s13+$0x0] =	vst.idx.add.f32.msk $0xffff, v1  }
0x3a: {  	v2 =	vld [tilespmem:s19+$0x30];
	_ =	sdelay $0x7  }
0x3b: {  	[tilespmem:v2+s12+$0x0] =	vst.idx.add.f32.msk $0xffff, v1  }
0x3c: {  	v2 =	vld [tilespmem:s20+$0x30];
	_ =	sdelay $0x1  }
0x3d: {  	s18 =	sadd.s32 $0x1, s18  }
0x3e: {  	p0 =	slt.u32 s18, s8  }
.Ltmp1:
0x3f: {  	_ = 	snop;
	(pc) =	sbr.rel @p0 .LBB2_4-.Ltmp1, $2  }
0x40: {  	_ =	sdelay $0x2  }
0x41: {  	s19 =	sadd.s32 $0x80, s19;
	s20 =	sadd.s32 $0x80, s20;
	[tilespmem:v2+s13+$0x0] =	vst.idx.add.f32.msk $0xffff, v1  }
0x42: {  	[hbm4b:s5+s14] =	stream.strided.scatter [tilespmem:s12], [sflag:$0x3], $0x2780, s15, s14, $0x38;
	[tilespmem:$0x9F00] =	vst v63  }
0x43: {  	s17 =	sadd.s32 $0x1, s17;
	_ =	swait.ge [sflag:s16], $0x2780  }
0x44: {  	p0 =	sne.s32 s17, s7;
	[sflag:s16] =	ssyncset.done $0x0  }
.Ltmp2:
0x45: {  	[sflag:s16] =	ssyncadd.s32 $0xFFFFD880;
	(pc) =	sbr.rel @p0 .LBB2_1-.Ltmp2, $4  }
0x46: {  	[hbm4b:s6+s14] =	stream.strided.scatter [tilespmem:s13], [sflag:$0x3], $0x2780, s15, s14, $0x38;
	[tilespmem:$0x9F00] =	vst v63  }
0x47: {  	_ =	swait.ge [sflag:s16], $0x2780  }
0x48: {  	[sflag:s16] =	ssyncset.done $0x0  }
0x49: {  	[sflag:s16] =	ssyncadd.s32 $0xFFFFD880  }
0x4a: {  	_ =	sfence.sel $0x180000  }
0x4b: {  	[bflag:$0x0] =	sbarrier.arrive $0xFFFF  }
0x4c: {  	p0 =	sne.s32 s0, $0x0;
	_ =	strace $0x90000047  }
0x4d: {  	s0 =	sadd.s32 @!p0 $0x100000, s1;
	[bflag:$0x2] =	sbarrier.arrive $0xFFFF  }
0x4e: {  	[sflag:s0] =	ssyncadd.tile.s32 @!p0 $0x1;
	_ =	shalt  }
.Lfunc_end2:
_tile_overlayer_lowered:
.L_overlay_start_2:
0x4f: {  	(tag) =	ssettag $0x2  }
0x50: {  	s0 =	rddreg [dreg:$0x0];
	s2 =	stileid.u32  }
0x51: {  	s1 =	rddreg [dreg:$0x1];
	p0 =	sne.s32 s2, $0x0  }
0x52: {  	s3 =	rddreg [dreg:$0x2];
	[bflag:$0x3] =	sbarrier.arrive $0xFFFF;
	s2 =	simm.s32 @!p0 $0x1C03  }
0x53: {  	[timem:s3], [sflag:s2] =	dma.local @!p0 [hbm:s0], s1  }
0x54: {  	s0 =	simm.s32 @!p0 $0x3  }
0x55: {  	_ =	swait.ge @!p0 [sflag:s0], s1  }
0x56: {  	s1 =	ssub.s32 @!p0 $0x0, s1;
	[sflag:s0] =	ssyncset.done @!p0 $0x0  }
0x57: {  	[sflag:s0] =	ssyncadd.s32 @!p0 s1  }
0x58: {  	[bflag:$0x3] =	sbarrier.arrive $0xFFFF  }
0x59: {  	_ =	shalt  }

</sc_bundles>
